<compile_context>
chip_gen: v7x
topology: tpu7x:2x2x1
jax: 0.10.2.dev20260603
libtpu: 0.0.44.dev20260713+nightly
codegen_flags: <defaults>
</compile_context>

<pallas_src>
import functools

import jax
import jax.numpy as jnp
from jax import lax
from jax.experimental import pallas as pl
from jax.experimental.pallas import tpu as pltpu
from jax.experimental.pallas import tpu_sc as plsc

N = 10000
E = 320000
F = 128
N_PAD = 10240
NB = N_PAD // F
NW = 32
EPT = 10240
CHUNKS = EPT // F
NBUF = 2
DNBUF = 4
E_PAD = NW * EPT
DUMMY = N


@functools.cache
def _build_deg_kernel():
    return functools.partial(
        pl.kernel,
        out_type=jax.ShapeDtypeStruct((2, NB, F), jnp.float32),
        mesh=plsc.VectorSubcoreMesh(core_axis_name="c", subcore_axis_name="s"),
        scratch_types=[
        pltpu.VMEM((CHUNKS, F), jnp.int32),
        pltpu.VMEM((DNBUF, F), jnp.int32),
        pltpu.VMEM((DNBUF, F), jnp.int32),
        [pltpu.VMEM((F, F), jnp.float32)] * DNBUF,
        pltpu.VMEM((NB, F), jnp.float32),
        pltpu.VMEM_SHARED((F, F), jnp.float32),
        pltpu.VMEM_SHARED((NB, F), jnp.float32),
        [pltpu.SemaphoreType.DMA] * DNBUF,
        ],
    )(_deg_body)


def _deg_body(eye_hbm, dst_hbm, out_hbm,
                dst_v, cidx_v, ridx_v, rows, zb_v, eye_sh, deg_sh, sems):
    c = lax.axis_index("c")
    s = lax.axis_index("s")
    wid = c * 16 + s
    z16 = jnp.zeros((16,), jnp.float32)

    def zbody(i, carry):
        for k in range(8):
            zb_v[i, pl.ds(k * 16, 16)] = z16
        return carry

    lax.fori_loop(0, NB, zbody, 0)

    @pl.when(s == 0)
    def _():
        pltpu.sync_copy(zb_v, deg_sh)

    @pl.when(s == 1)
    def _():
        pltpu.sync_copy(eye_hbm, eye_sh)

    pltpu.sync_copy(dst_hbm.at[wid], dst_v)

    def setidx(chunk, b):
        for k in range(8):
            sl = pl.ds(k * 16, 16)
            d = dst_v[chunk, sl]
            cidx_v[b, sl] = lax.bitwise_and(d, F - 1)
            ridx_v[b, sl] = lax.shift_right_logical(d, 7)

    for b in range(DNBUF):
        setidx(b, b)
        pltpu.async_copy(eye_sh.at[cidx_v.at[b]], rows[b], sems[b])
    plsc.subcore_barrier()

    def body(g, carry):
        for b in range(DNBUF):
            chunk = g * DNBUF + b
            pltpu.make_async_copy(eye_sh.at[cidx_v.at[b]], rows[b],
                                  sems[b]).wait()
            pltpu.sync_copy(rows[b], deg_sh.at[ridx_v.at[b]], add=True)
            nxt = chunk + DNBUF

            @pl.when(nxt < CHUNKS)
            def _():
                setidx(nxt, b)
                pltpu.async_copy(eye_sh.at[cidx_v.at[b]], rows[b], sems[b])
        return carry

    lax.fori_loop(0, CHUNKS // DNBUF, body, 0)
    plsc.subcore_barrier()

    @pl.when(s == 0)
    def _():
        pltpu.sync_copy(deg_sh, out_hbm.at[c])


@functools.cache
def _build_agg_kernel():
    return functools.partial(
        pl.kernel,
        out_type=jax.ShapeDtypeStruct((2, N_PAD, F), jnp.float32),
        mesh=plsc.VectorSubcoreMesh(core_axis_name="c", subcore_axis_name="s"),
        scratch_types=[
        pltpu.VMEM((CHUNKS, F), jnp.int32),
        pltpu.VMEM((CHUNKS, F), jnp.int32),
        [pltpu.VMEM((F, F), jnp.float32)] * NBUF,
        pltpu.VMEM_SHARED((N_PAD, F), jnp.float32),
        [pltpu.SemaphoreType.DMA] * NBUF,
        ],
    )(_agg_body)


def _agg_body(table_hbm, src_hbm, dst_hbm, out_hbm,
                src_v, dst_v, rows, acc_sh, sems):
    c = lax.axis_index("c")
    s = lax.axis_index("s")
    wid = c * 16 + s
    z16 = jnp.zeros((16,), jnp.float32)

    def zbody(i, carry):
        for k in range(8):
            rows[0][i, pl.ds(k * 16, 16)] = z16
        return carry

    lax.fori_loop(0, F, zbody, 0)
    rows_per_tile = N_PAD // 16

    def zsh(k, carry):
        pltpu.sync_copy(rows[0],
                        acc_sh.at[pl.ds(s * rows_per_tile + k * F, F)])
        return carry

    lax.fori_loop(0, rows_per_tile // F, zsh, 0)
    pltpu.sync_copy(src_hbm.at[wid], src_v)
    pltpu.sync_copy(dst_hbm.at[wid], dst_v)
    plsc.subcore_barrier()

    def body(chunk, carry):
        pltpu.async_copy(table_hbm.at[src_v.at[chunk]], rows[0],
                         sems[0]).wait()
        pltpu.sync_copy(rows[0], acc_sh.at[dst_v.at[chunk]], add=True)
        return carry

    lax.fori_loop(0, CHUNKS, body, 0)
    plsc.subcore_barrier()
    pltpu.sync_copy(acc_sh.at[pl.ds(s * rows_per_tile, rows_per_tile)],
                    out_hbm.at[c, pl.ds(s * rows_per_tile, rows_per_tile)])



def _diag(dinv_row):
    row = lax.broadcasted_iota(jnp.int32, (F, F), 0)
    col = lax.broadcasted_iota(jnp.int32, (F, F), 1)
    return jnp.where(row == col, jnp.broadcast_to(dinv_row, (F, F)), 0.0)


def _mm(a, b):
    return jax.lax.dot_general(a, b, (((1,), (0,)), ((), ())),
                               preferred_element_type=jnp.float32)


def _tc1_body(x, dega, degb, w1, b1, wg0, bg0, dinv_o, h0_o, gs0_o):
    dinv = lax.rsqrt(dega[...] + degb[...] + 1.0)
    dinv_o[...] = dinv
    h0 = _mm(x[...], w1[...]) + b1[...]
    h0_o[...] = h0
    g0 = _mm(h0, wg0[...]) + bg0[...]
    gs0_o[...] = _mm(_diag(dinv[0]), g0)


def _tc2_body(s0a, s0b, gs0, h0, dinv, wg1, bg1, h01_o, gs1_o):
    d = _diag(dinv[...][0])
    h1 = jax.nn.relu(_mm(d, s0a[...] + s0b[...] + gs0[...]))
    h01 = h0[...] + h1
    h01_o[...] = h01
    g1 = _mm(h01, wg1[...]) + bg1[...]
    gs1_o[...] = _mm(d, g1)


def _tc3_body(s1a, s1b, gs1, h01, dinv, wc1, bc1, wc2, bc2, out_o):
    d = _diag(dinv[...][0])
    h2 = jax.nn.relu(_mm(d, s1a[...] + s1b[...] + gs1[...]))
    f = h01[...] + h2
    r = jax.nn.relu(_mm(f, wc1[...]) + bc1[...])
    out_o[...] = _mm(r, wc2[...]) + bc2[...]


_blk = pl.BlockSpec((F, F), lambda i: (i, 0))
_row = pl.BlockSpec((1, 1, F), lambda i: (i, 0, 0))
_w = pl.BlockSpec((F, F), lambda i: (0, 0))
_b = pl.BlockSpec((1, F), lambda i: (0, 0))

_nf32 = jax.ShapeDtypeStruct((N_PAD, F), jnp.float32)

_tc1 = pl.pallas_call(
    _tc1_body, grid=(NB,),
    in_specs=[_blk, _row, _row, _w, _b, _w, _b],
    out_specs=[_row, _blk, _blk],
    out_shape=[jax.ShapeDtypeStruct((NB, 1, F), jnp.float32), _nf32, _nf32],
)

_tc2 = pl.pallas_call(
    _tc2_body, grid=(NB,),
    in_specs=[_blk, _blk, _blk, _blk, _row, _w, _b],
    out_specs=[_blk, _blk],
    out_shape=[_nf32, _nf32],
)

_tc3 = pl.pallas_call(
    _tc3_body, grid=(79,),
    in_specs=[_blk, _blk, _blk, _blk, _row, _w, _b, _w, _b],
    out_specs=[_blk],
    out_shape=[jax.ShapeDtypeStruct((N, F), jnp.float32)],
)


def kernel(x, edge_index, W1, b1, Wg0, bg0, Wg1, bg1, Wc1, bc1, Wc2, bc2):
    src = edge_index[0]
    dst = edge_index[1]
    pad = E_PAD - E
    pad_idx = DUMMY + (jnp.arange(pad, dtype=jnp.int32) % (N_PAD - N))
    src_p = jnp.concatenate([src, pad_idx])
    dst_p = jnp.concatenate([dst, pad_idx])
    src_r = src_p.reshape(NW, CHUNKS, F)
    dst_r = dst_p.reshape(NW, CHUNKS, F)
    dst_r32 = dst_r
    x_p = jnp.zeros((N_PAD, F), jnp.float32).at[:N].set(x)

    deg = _build_deg_kernel()(jnp.eye(F, dtype=jnp.float32), dst_r32)
    b1r = b1.reshape(1, F)
    bg0r = bg0.reshape(1, F)
    bg1r = bg1.reshape(1, F)
    bc1r = bc1.reshape(1, F)
    bc2r = bc2.reshape(1, F)
    dega = deg[0].reshape(NB, 1, F)
    degb = deg[1].reshape(NB, 1, F)
    dinv, h0, gs0 = _tc1(x_p, dega, degb, W1, b1r, Wg0, bg0r)
    agg = _build_agg_kernel()
    s0 = agg(gs0, src_r, dst_r)
    h01, gs1 = _tc2(s0[0], s0[1], gs0, h0, dinv, Wg1, bg1r)
    s1 = agg(gs1, src_r, dst_r)
    out, = _tc3(s1[0], s1[1], gs1, h01, dinv, Wc1, bc1r, Wc2, bc2r)
    return out

# --- scband reference (transcript-rebuilt; emitter-appended) ---
"""Pipeline reference for scband-network-gnn-77318001262943 (READ-ONLY COPY).

The authoritative reference and input builder live on the scoring server;
editing this copy changes nothing except your own understanding.
"""

import jax, jax.numpy as jnp
import numpy as np

N = 10000
E = 320000
D = 128
H = 128
O = 128


def setup_inputs(seed: int = 0) -> dict:
    key = jax.random.key(seed)
    ks = jax.random.split(key, 16)
    inp = {}
    inp["x"] = jax.random.normal(ks[0], (N, D), dtype=jnp.float32)
    inp["edge_index"] = jax.random.randint(ks[1], (2, E), 0, N, dtype=jnp.int32)
    s = 0.05
    inp["W1"] = jax.random.normal(ks[2], (D, H), dtype=jnp.float32) * s
    inp["b1"] = jnp.zeros((H,), dtype=jnp.float32)
    inp["Wg0"] = jax.random.normal(ks[3], (H, H), dtype=jnp.float32) * s
    inp["bg0"] = jnp.zeros((H,), dtype=jnp.float32)
    inp["Wg1"] = jax.random.normal(ks[4], (H, H), dtype=jnp.float32) * s
    inp["bg1"] = jnp.zeros((H,), dtype=jnp.float32)
    inp["Wc1"] = jax.random.normal(ks[5], (H, H), dtype=jnp.float32) * s
    inp["bc1"] = jnp.zeros((H,), dtype=jnp.float32)
    inp["Wc2"] = jax.random.normal(ks[6], (H, O), dtype=jnp.float32) * s
    inp["bc2"] = jnp.zeros((O,), dtype=jnp.float32)
    return inp


def _gcn_conv(x, src, dst, W, b, n_nodes):
    # GCN: linear transform, then symmetric-normalized scatter-add aggregation
    # with self-loops (faithful to PyG GCNConv semantics).
    h = x @ W + b
    loop = jnp.arange(n_nodes, dtype=src.dtype)
    src_sl = jnp.concatenate([src, loop], axis=0)
    dst_sl = jnp.concatenate([dst, loop], axis=0)
    ones = jnp.ones_like(src_sl, dtype=h.dtype)
    deg = jnp.zeros((n_nodes,), dtype=h.dtype).at[dst_sl].add(ones)
    dinv = jnp.where(deg > 0, 1.0 / jnp.sqrt(deg), 0.0)
    norm = dinv[src_sl] * dinv[dst_sl]
    msg = h[src_sl] * norm[:, None]
    out = jnp.zeros((n_nodes, h.shape[1]), dtype=h.dtype).at[dst_sl].add(msg)
    return out


def reference(x, edge_index, W1, b1, Wg0, bg0, Wg1, bg1, Wc1, bc1, Wc2, bc2):
    n = x.shape[0]
    src = edge_index[0]
    dst = edge_index[1]
    # lin1 (dropout is identity in eval mode)
    h0 = x @ W1 + b1
    features = [h0]
    # layer 0: skip ops are identity, fuse is l_sum (sum of inputs)
    tmp0 = features[0]
    h1 = jax.nn.relu(_gcn_conv(tmp0, src, dst, Wg0, bg0, n))
    features.append(h1)
    # layer 1
    tmp1 = features[0] + features[1]
    h2 = jax.nn.relu(_gcn_conv(tmp1, src, dst, Wg1, bg1, n))
    features.append(h2)
    # output fuse over all features (skip=identity, l_sum)
    out = features[0] + features[1] + features[2]
    # classifier: Linear -> ReLU -> Linear
    out = jax.nn.relu(out @ Wc1 + bc1) @ Wc2 + bc2
    return out

if __name__ == "__main__":
    import jax
    _d = setup_inputs()
    print(jax.jit(kernel)(*tuple(_d.values())))

</pallas_src>

<mosaic_0001>
#map = affine_map<(d0, d1) -> (0, 0)>
#map1 = affine_map<(d0, d1) -> (0, 0, 0)>
module attributes {stable_mosaic.version = 14 : i64} {
  func.func @_agg_body(%arg0: i32, %arg1: i32, %arg2: memref<10240x128xf32, #tpu.memory_space<hbm>>, %arg3: memref<32x80x128xi32, #tpu.memory_space<hbm>>, %arg4: memref<32x80x128xi32, #tpu.memory_space<hbm>>, %arg5: memref<2x10240x128xf32, #tpu.memory_space<hbm>>, %arg6: memref<80x128xi32, #tpu.memory_space<vmem>>, %arg7: memref<80x128xi32, #tpu.memory_space<vmem>>, %arg8: memref<128x128xf32, #tpu.memory_space<vmem>>, %arg9: memref<128x128xf32, #tpu.memory_space<vmem>>, %arg10: memref<10240x128xf32, #tpu.memory_space<vmem_shared>>, %arg11: memref<!tpu.dma_semaphore, #tpu.memory_space<semaphore_mem>>, %arg12: memref<!tpu.dma_semaphore, #tpu.memory_space<semaphore_mem>>) attributes {dimension_semantics = [#tpu.dimension_semantics<core_parallel>, #tpu.dimension_semantics<subcore_parallel>], iteration_bounds = array<i64: 2, 16>, scalar_prefetch = 0 : i64, scratch_operands = 7 : i64, tpu.core_type = #tpu.core_type<sc_vector_subcore>, window_params = [{transform_indices = #map}, {transform_indices = #map1}, {transform_indices = #map1}, {transform_indices = #map1}]} {
    %mul3A = arith.constant 16 : i32
    %mul3A_0 = arith.muli %arg0, %mul3A : i32
    %add3A = arith.addi %mul3A_0, %arg1 : i32
    %broadcast_in_dim3A = arith.constant 0.000000e+00 : f32
    %broadcast_in_dim3A_1 = vector.broadcast %broadcast_in_dim3A : f32 to vector<16xf32>
    %scan3A = arith.constant 0 : i32
    %scan3A_2 = arith.constant 0 : i32
    %scan3A_3 = arith.constant 128 : i32
    %scan3A_4 = arith.addi %scan3A_2, %scan3A_3 : i32
    %scan3A_5 = arith.constant 1 : i32
    scf.for %scan3A_24 = %scan3A_2 to %scan3A_4 step %scan3A_5  : i32 {
      %swap3A = arith.index_cast %scan3A_24 : i32 to index
      %swap3A_25 = arith.constant 0 : index
      %swap3A_26 = tpu.vector_load %arg8[%swap3A, %swap3A_25] {strides = array<i32>} : memref<128x128xf32, #tpu.memory_space<vmem>>, vector<1x16xf32>,
      %swap3A_27 = vector.shape_cast %swap3A_26 : vector<1x16xf32> to vector<16xf32>
      %swap3A_28 = vector.shape_cast %broadcast_in_dim3A_1 : vector<16xf32> to vector<1x16xf32>
      tpu.vector_store %arg8[%swap3A, %swap3A_25], %swap3A_28 {strides = array<i32>} : memref<128x128xf32, #tpu.memory_space<vmem>>, vector<1x16xf32>,
      %swap3A_29 = arith.index_cast %scan3A_24 : i32 to index
      %swap3A_30 = arith.constant 16 : index
      %swap3A_31 = tpu.vector_load %arg8[%swap3A_29, %swap3A_30] {strides = array<i32>} : memref<128x128xf32, #tpu.memory_space<vmem>>, vector<1x16xf32>,
      %swap3A_32 = vector.shape_cast %swap3A_31 : vector<1x16xf32> to vector<16xf32>
      %swap3A_33 = vector.shape_cast %broadcast_in_dim3A_1 : vector<16xf32> to vector<1x16xf32>
      tpu.vector_store %arg8[%swap3A_29, %swap3A_30], %swap3A_33 {strides = array<i32>} : memref<128x128xf32, #tpu.memory_space<vmem>>, vector<1x16xf32>,
      %swap3A_34 = arith.index_cast %scan3A_24 : i32 to index
      %swap3A_35 = arith.constant 32 : index
      %swap3A_36 = tpu.vector_load %arg8[%swap3A_34, %swap3A_35] {strides = array<i32>} : memref<128x128xf32, #tpu.memory_space<vmem>>, vector<1x16xf32>,
      %swap3A_37 = vector.shape_cast %swap3A_36 : vector<1x16xf32> to vector<16xf32>
      %swap3A_38 = vector.shape_cast %broadcast_in_dim3A_1 : vector<16xf32> to vector<1x16xf32>
      tpu.vector_store %arg8[%swap3A_34, %swap3A_35], %swap3A_38 {strides = array<i32>} : memref<128x128xf32, #tpu.memory_space<vmem>>, vector<1x16xf32>,
      %swap3A_39 = arith.index_cast %scan3A_24 : i32 to index
      %swap3A_40 = arith.constant 48 : index
      %swap3A_41 = tpu.vector_load %arg8[%swap3A_39, %swap3A_40] {strides = array<i32>} : memref<128x128xf32, #tpu.memory_space<vmem>>, vector<1x16xf32>,
      %swap3A_42 = vector.shape_cast %swap3A_41 : vector<1x16xf32> to vector<16xf32>
      %swap3A_43 = vector.shape_cast %broadcast_in_dim3A_1 : vector<16xf32> to vector<1x16xf32>
      tpu.vector_store %arg8[%swap3A_39, %swap3A_40], %swap3A_43 {strides = array<i32>} : memref<128x128xf32, #tpu.memory_space<vmem>>, vector<1x16xf32>,
      %swap3A_44 = arith.index_cast %scan3A_24 : i32 to index
      %swap3A_45 = arith.constant 64 : index
      %swap3A_46 = tpu.vector_load %arg8[%swap3A_44, %swap3A_45] {strides = array<i32>} : memref<128x128xf32, #tpu.memory_space<vmem>>, vector<1x16xf32>,
      %swap3A_47 = vector.shape_cast %swap3A_46 : vector<1x16xf32> to vector<16xf32>
      %swap3A_48 = vector.shape_cast %broadcast_in_dim3A_1 : vector<16xf32> to vector<1x16xf32>
      tpu.vector_store %arg8[%swap3A_44, %swap3A_45], %swap3A_48 {strides = array<i32>} : memref<128x128xf32, #tpu.memory_space<vmem>>, vector<1x16xf32>,
      %swap3A_49 = arith.index_cast %scan3A_24 : i32 to index
      %swap3A_50 = arith.constant 80 : index
      %swap3A_51 = tpu.vector_load %arg8[%swap3A_49, %swap3A_50] {strides = array<i32>} : memref<128x128xf32, #tpu.memory_space<vmem>>, vector<1x16xf32>,
      %swap3A_52 = vector.shape_cast %swap3A_51 : vector<1x16xf32> to vector<16xf32>
      %swap3A_53 = vector.shape_cast %broadcast_in_dim3A_1 : vector<16xf32> to vector<1x16xf32>
      tpu.vector_store %arg8[%swap3A_49, %swap3A_50], %swap3A_53 {strides = array<i32>} : memref<128x128xf32, #tpu.memory_space<vmem>>, vector<1x16xf32>,
      %swap3A_54 = arith.index_cast %scan3A_24 : i32 to index
      %swap3A_55 = arith.constant 96 : index
      %swap3A_56 = tpu.vector_load %arg8[%swap3A_54, %swap3A_55] {strides = array<i32>} : memref<128x128xf32, #tpu.memory_space<vmem>>, vector<1x16xf32>,
      %swap3A_57 = vector.shape_cast %swap3A_56 : vector<1x16xf32> to vector<16xf32>
      %swap3A_58 = vector.shape_cast %broadcast_in_dim3A_1 : vector<16xf32> to vector<1x16xf32>
      tpu.vector_store %arg8[%swap3A_54, %swap3A_55], %swap3A_58 {strides = array<i32>} : memref<128x128xf32, #tpu.memory_space<vmem>>, vector<1x16xf32>,
      %swap3A_59 = arith.index_cast %scan3A_24 : i32 to index
      %swap3A_60 = arith.constant 112 : index
      %swap3A_61 = tpu.vector_load %arg8[%swap3A_59, %swap3A_60] {strides = array<i32>} : memref<128x128xf32, #tpu.memory_space<vmem>>, vector<1x16xf32>,
      %swap3A_62 = vector.shape_cast %swap3A_61 : vector<1x16xf32> to vector<16xf32>
      %swap3A_63 = vector.shape_cast %broadcast_in_dim3A_1 : vector<16xf32> to vector<1x16xf32>
      tpu.vector_store %arg8[%swap3A_59, %swap3A_60], %swap3A_63 {strides = array<i32>} : memref<128x128xf32, #tpu.memory_space<vmem>>, vector<1x16xf32>,
    }
    %scan3A_6 = arith.constant 128 : i32
    %scan3A_7 = arith.constant 0 : i32
    %scan3A_8 = arith.constant 0 : i32
    %scan3A_9 = arith.constant 5 : i32
    %scan3A_10 = arith.addi %scan3A_8, %scan3A_9 : i32
    %scan3A_11 = arith.constant 1 : i32
    scf.for %scan3A_24 = %scan3A_8 to %scan3A_10 step %scan3A_11  : i32 {
      %mul3A_25 = arith.constant 640 : i32
      %mul3A_26 = arith.muli %arg1, %mul3A_25 : i32
      %mul3A_27 = arith.constant 128 : i32
      %mul3A_28 = arith.muli %scan3A_24, %mul3A_27 : i32
      %add3A_29 = arith.addi %mul3A_26, %mul3A_28 : i32
      "tpu.region"() ({
        %run_scoped3A = tpu.sem_alloc : memref<!tpu.dma_semaphore, #tpu.memory_space<semaphore_mem>>
        %dma_start3A = arith.constant 0 : i32
        %dma_start3A_30 = tpu.memref_slice %arg10[%add3A_29, %dma_start3A] : memref<10240x128xf32, #tpu.memory_space<vmem_shared>> -> memref<128x128xf32, #tpu.memory_space<vmem_shared>>
        %dma_start3A_31 = arith.constant 0 : i32
        %dma_start3A_32 = tpu.memref_slice %arg10[%add3A_29, %dma_start3A_31] : memref<10240x128xf32, #tpu.memory_space<vmem_shared>> -> memref<128x128xf32, #tpu.memory_space<vmem_shared>>
        tpu.enqueue_dma source(%arg8 : memref<128x128xf32, #tpu.memory_space<vmem>>) target(%dma_start3A_32 : memref<128x128xf32, #tpu.memory_space<vmem_shared>>) target_semaphore(%run_scoped3A : memref<!tpu.dma_semaphore, #tpu.memory_space<semaphore_mem>>)
        %dma_wait3A = arith.constant 0 : i32
        %dma_wait3A_33 = tpu.memref_slice %arg10[%add3A_29, %dma_wait3A] : memref<10240x128xf32, #tpu.memory_space<vmem_shared>> -> memref<128x128xf32, #tpu.memory_space<vmem_shared>>
        %dma_wait3A_34 = arith.constant 0 : i32
        %dma_wait3A_35 = tpu.memref_slice %arg10[%add3A_29, %dma_wait3A_34] : memref<10240x128xf32, #tpu.memory_space<vmem_shared>> -> memref<128x128xf32, #tpu.memory_space<vmem_shared>>
        tpu.wait_dma2 semaphore(%run_scoped3A : memref<!tpu.dma_semaphore, #tpu.memory_space<semaphore_mem>>) src(%arg8 : memref<128x128xf32, #tpu.memory_space<vmem>>) dst(%dma_wait3A_35 : memref<128x128xf32, #tpu.memory_space<vmem_shared>>)
        tpu.yield
      }) : () -> ()
    }
    %scan3A_12 = arith.constant 5 : i32
    "tpu.region"() ({
      %run_scoped3A = tpu.sem_alloc : memref<!tpu.dma_semaphore, #tpu.memory_space<semaphore_mem>>
      %dma_start3A = arith.constant 0 : i32
      %dma_start3A_24 = arith.constant 0 : i32
      %dma_start3A_25 = tpu.memref_slice %arg3[%add3A, %dma_start3A, %dma_start3A_24] : memref<32x80x128xi32, #tpu.memory_space<hbm>> -> memref<1x80x128xi32, #tpu.memory_space<hbm>>
      %dma_start3A_26 = tpu.memref_squeeze %dma_start3A_25 : memref<1x80x128xi32, #tpu.memory_space<hbm>> -> memref<80x128xi32, #tpu.memory_space<hbm>>
      %dma_start3A_27 = arith.constant 0 : i32
      %dma_start3A_28 = arith.constant 0 : i32
      %dma_start3A_29 = tpu.memref_slice %arg3[%add3A, %dma_start3A_27, %dma_start3A_28] : memref<32x80x128xi32, #tpu.memory_space<hbm>> -> memref<1x80x128xi32, #tpu.memory_space<hbm>>
      %dma_start3A_30 = tpu.memref_squeeze %dma_start3A_29 : memref<1x80x128xi32, #tpu.memory_space<hbm>> -> memref<80x128xi32, #tpu.memory_space<hbm>>
      tpu.enqueue_dma source(%dma_start3A_30 : memref<80x128xi32, #tpu.memory_space<hbm>>) target(%arg6 : memref<80x128xi32, #tpu.memory_space<vmem>>) target_semaphore(%run_scoped3A : memref<!tpu.dma_semaphore, #tpu.memory_space<semaphore_mem>>)
      %dma_wait3A = arith.constant 0 : i32
      %dma_wait3A_31 = arith.constant 0 : i32
      %dma_wait3A_32 = tpu.memref_slice %arg3[%add3A, %dma_wait3A, %dma_wait3A_31] : memref<32x80x128xi32, #tpu.memory_space<hbm>> -> memref<1x80x128xi32, #tpu.memory_space<hbm>>
      %dma_wait3A_33 = tpu.memref_squeeze %dma_wait3A_32 : memref<1x80x128xi32, #tpu.memory_space<hbm>> -> memref<80x128xi32, #tpu.memory_space<hbm>>
      %dma_wait3A_34 = arith.constant 0 : i32
      %dma_wait3A_35 = arith.constant 0 : i32
      %dma_wait3A_36 = tpu.memref_slice %arg3[%add3A, %dma_wait3A_34, %dma_wait3A_35] : memref<32x80x128xi32, #tpu.memory_space<hbm>> -> memref<1x80x128xi32, #tpu.memory_space<hbm>>
      %dma_wait3A_37 = tpu.memref_squeeze %dma_wait3A_36 : memref<1x80x128xi32, #tpu.memory_space<hbm>> -> memref<80x128xi32, #tpu.memory_space<hbm>>
      tpu.wait_dma2 semaphore(%run_scoped3A : memref<!tpu.dma_semaphore, #tpu.memory_space<semaphore_mem>>) src(%dma_wait3A_37 : memref<80x128xi32, #tpu.memory_space<hbm>>) dst(%arg6 : memref<80x128xi32, #tpu.memory_space<vmem>>)
      tpu.yield
    }) : () -> ()
    "tpu.region"() ({
      %run_scoped3A = tpu.sem_alloc : memref<!tpu.dma_semaphore, #tpu.memory_space<semaphore_mem>>
      %dma_start3A = arith.constant 0 : i32
      %dma_start3A_24 = arith.constant 0 : i32
      %dma_start3A_25 = tpu.memref_slice %arg4[%add3A, %dma_start3A, %dma_start3A_24] : memref<32x80x128xi32, #tpu.memory_space<hbm>> -> memref<1x80x128xi32, #tpu.memory_space<hbm>>
      %dma_start3A_26 = tpu.memref_squeeze %dma_start3A_25 : memref<1x80x128xi32, #tpu.memory_space<hbm>> -> memref<80x128xi32, #tpu.memory_space<hbm>>
      %dma_start3A_27 = arith.constant 0 : i32
      %dma_start3A_28 = arith.constant 0 : i32
      %dma_start3A_29 = tpu.memref_slice %arg4[%add3A, %dma_start3A_27, %dma_start3A_28] : memref<32x80x128xi32, #tpu.memory_space<hbm>> -> memref<1x80x128xi32, #tpu.memory_space<hbm>>
      %dma_start3A_30 = tpu.memref_squeeze %dma_start3A_29 : memref<1x80x128xi32, #tpu.memory_space<hbm>> -> memref<80x128xi32, #tpu.memory_space<hbm>>
      tpu.enqueue_dma source(%dma_start3A_30 : memref<80x128xi32, #tpu.memory_space<hbm>>) target(%arg7 : memref<80x128xi32, #tpu.memory_space<vmem>>) target_semaphore(%run_scoped3A : memref<!tpu.dma_semaphore, #tpu.memory_space<semaphore_mem>>)
      %dma_wait3A = arith.constant 0 : i32
      %dma_wait3A_31 = arith.constant 0 : i32
      %dma_wait3A_32 = tpu.memref_slice %arg4[%add3A, %dma_wait3A, %dma_wait3A_31] : memref<32x80x128xi32, #tpu.memory_space<hbm>> -> memref<1x80x128xi32, #tpu.memory_space<hbm>>
      %dma_wait3A_33 = tpu.memref_squeeze %dma_wait3A_32 : memref<1x80x128xi32, #tpu.memory_space<hbm>> -> memref<80x128xi32, #tpu.memory_space<hbm>>
      %dma_wait3A_34 = arith.constant 0 : i32
      %dma_wait3A_35 = arith.constant 0 : i32
      %dma_wait3A_36 = tpu.memref_slice %arg4[%add3A, %dma_wait3A_34, %dma_wait3A_35] : memref<32x80x128xi32, #tpu.memory_space<hbm>> -> memref<1x80x128xi32, #tpu.memory_space<hbm>>
      %dma_wait3A_37 = tpu.memref_squeeze %dma_wait3A_36 : memref<1x80x128xi32, #tpu.memory_space<hbm>> -> memref<80x128xi32, #tpu.memory_space<hbm>>
      tpu.wait_dma2 semaphore(%run_scoped3A : memref<!tpu.dma_semaphore, #tpu.memory_space<semaphore_mem>>) src(%dma_wait3A_37 : memref<80x128xi32, #tpu.memory_space<hbm>>) dst(%arg7 : memref<80x128xi32, #tpu.memory_space<vmem>>)
      tpu.yield
    }) : () -> ()
    %barrier3A = arith.constant 0 : index
    tpu.barrier barrier_id(%barrier3A)
    %scan3A_13 = arith.constant 0 : i32
    %scan3A_14 = arith.constant 0 : i32
    %scan3A_15 = arith.constant 80 : i32
    %scan3A_16 = arith.addi %scan3A_14, %scan3A_15 : i32
    %scan3A_17 = arith.constant 1 : i32
    scf.for %scan3A_24 = %scan3A_14 to %scan3A_16 step %scan3A_17  : i32 {
      %dma_start3A = arith.constant 0 : i32
      %dma_start3A_25 = tpu.memref_slice %arg6[%scan3A_24, %dma_start3A] : memref<80x128xi32, #tpu.memory_space<vmem>> -> memref<1x128xi32, #tpu.memory_space<vmem>>
      %dma_start3A_26 = tpu.memref_squeeze %dma_start3A_25 : memref<1x128xi32, #tpu.memory_space<vmem>> -> memref<128xi32, #tpu.memory_space<vmem>>
      %dma_start3A_27 = arith.constant 0 : i32
      %dma_start3A_28 = arith.constant 0 : i32
      %dma_start3A_29 = tpu.memref_slice %arg2[%dma_start3A_27, %dma_start3A_28] : memref<10240x128xf32, #tpu.memory_space<hbm>> -> memref<10240x128xf32, #tpu.memory_space<hbm>>
      tpu.enqueue_indirect_dma source(%dma_start3A_29 : memref<10240x128xf32, #tpu.memory_space<hbm>>) target(%arg8 : memref<128x128xf32, #tpu.memory_space<vmem>>) offsets(%dma_start3A_26 : memref<128xi32, #tpu.memory_space<vmem>>) semaphore(%arg11 : memref<!tpu.dma_semaphore, #tpu.memory_space<semaphore_mem>>)
      %dma_wait3A = arith.constant 0 : i32
      %dma_wait3A_30 = tpu.memref_slice %arg6[%scan3A_24, %dma_wait3A] : memref<80x128xi32, #tpu.memory_space<vmem>> -> memref<1x128xi32, #tpu.memory_space<vmem>>
      %dma_wait3A_31 = tpu.memref_squeeze %dma_wait3A_30 : memref<1x128xi32, #tpu.memory_space<vmem>> -> memref<128xi32, #tpu.memory_space<vmem>>
      %dma_wait3A_32 = arith.constant 0 : i32
      %dma_wait3A_33 = arith.constant 0 : i32
      %dma_wait3A_34 = tpu.memref_slice %arg2[%dma_wait3A_32, %dma_wait3A_33] : memref<10240x128xf32, #tpu.memory_space<hbm>> -> memref<10240x128xf32, #tpu.memory_space<hbm>>
      tpu.wait_indirect_dma semaphore(%arg11 : memref<!tpu.dma_semaphore, #tpu.memory_space<semaphore_mem>>) src(%dma_wait3A_34 : memref<10240x128xf32, #tpu.memory_space<hbm>>) dst(%arg8 : memref<128x128xf32, #tpu.memory_space<vmem>>)
      "tpu.region"() ({
        %run_scoped3A = tpu.sem_alloc : memref<!tpu.dma_semaphore, #tpu.memory_space<semaphore_mem>>
        %dma_start3A_35 = arith.constant 0 : i32
        %dma_start3A_36 = tpu.memref_slice %arg7[%scan3A_24, %dma_start3A_35] : memref<80x128xi32, #tpu.memory_space<vmem>> -> memref<1x128xi32, #tpu.memory_space<vmem>>
        %dma_start3A_37 = tpu.memref_squeeze %dma_start3A_36 : memref<1x128xi32, #tpu.memory_space<vmem>> -> memref<128xi32, #tpu.memory_space<vmem>>
        %dma_start3A_38 = arith.constant 0 : i32
        %dma_start3A_39 = arith.constant 0 : i32
        %dma_start3A_40 = tpu.memref_slice %arg10[%dma_start3A_38, %dma_start3A_39] : memref<10240x128xf32, #tpu.memory_space<vmem_shared>> -> memref<10240x128xf32, #tpu.memory_space<vmem_shared>>
        tpu.enqueue_indirect_dma source(%arg8 : memref<128x128xf32, #tpu.memory_space<vmem>>) target(%dma_start3A_40 : memref<10240x128xf32, #tpu.memory_space<vmem_shared>>) offsets(%dma_start3A_37 : memref<128xi32, #tpu.memory_space<vmem>>) semaphore(%run_scoped3A : memref<!tpu.dma_semaphore, #tpu.memory_space<semaphore_mem>>) {add = true}
        %dma_wait3A_41 = arith.constant 0 : i32
        %dma_wait3A_42 = tpu.memref_slice %arg7[%scan3A_24, %dma_wait3A_41] : memref<80x128xi32, #tpu.memory_space<vmem>> -> memref<1x128xi32, #tpu.memory_space<vmem>>
        %dma_wait3A_43 = tpu.memref_squeeze %dma_wait3A_42 : memref<1x128xi32, #tpu.memory_space<vmem>> -> memref<128xi32, #tpu.memory_space<vmem>>
        %dma_wait3A_44 = arith.constant 0 : i32
        %dma_wait3A_45 = arith.constant 0 : i32
        %dma_wait3A_46 = tpu.memref_slice %arg10[%dma_wait3A_44, %dma_wait3A_45] : memref<10240x128xf32, #tpu.memory_space<vmem_shared>> -> memref<10240x128xf32, #tpu.memory_space<vmem_shared>>
        tpu.wait_indirect_dma semaphore(%run_scoped3A : memref<!tpu.dma_semaphore, #tpu.memory_space<semaphore_mem>>) src(%arg8 : memref<128x128xf32, #tpu.memory_space<vmem>>) dst(%dma_wait3A_46 : memref<10240x128xf32, #tpu.memory_space<vmem_shared>>)
        tpu.yield
      }) : () -> ()
    }
    %scan3A_18 = arith.constant 80 : i32
    %barrier3A_19 = arith.constant 0 : index
    tpu.barrier barrier_id(%barrier3A_19)
    %mul3A_20 = arith.constant 640 : i32
    %mul3A_21 = arith.muli %arg1, %mul3A_20 : i32
    %mul3A_22 = arith.constant 640 : i32
    %mul3A_23 = arith.muli %arg1, %mul3A_22 : i32
    "tpu.region"() ({
      %run_scoped3A = tpu.sem_alloc : memref<!tpu.dma_semaphore, #tpu.memory_space<semaphore_mem>>
      %dma_start3A = arith.constant 0 : i32
      %dma_start3A_24 = tpu.memref_slice %arg5[%arg0, %mul3A_23, %dma_start3A] : memref<2x10240x128xf32, #tpu.memory_space<hbm>> -> memref<1x640x128xf32, #tpu.memory_space<hbm>>
      %dma_start3A_25 = tpu.memref_squeeze %dma_start3A_24 : memref<1x640x128xf32, #tpu.memory_space<hbm>> -> memref<640x128xf32, #tpu.memory_space<hbm>>
      %dma_start3A_26 = arith.constant 0 : i32
      %dma_start3A_27 = tpu.memref_slice %arg10[%mul3A_21, %dma_start3A_26] : memref<10240x128xf32, #tpu.memory_space<vmem_shared>> -> memref<640x128xf32, #tpu.memory_space<vmem_shared>>
      tpu.enqueue_dma source(%dma_start3A_27 : memref<640x128xf32, #tpu.memory_space<vmem_shared>>) target(%dma_start3A_25 : memref<640x128xf32, #tpu.memory_space<hbm>>) target_semaphore(%run_scoped3A : memref<!tpu.dma_semaphore, #tpu.memory_space<semaphore_mem>>)
      %dma_wait3A = arith.constant 0 : i32
      %dma_wait3A_28 = tpu.memref_slice %arg5[%arg0, %mul3A_23, %dma_wait3A] : memref<2x10240x128xf32, #tpu.memory_space<hbm>> -> memref<1x640x128xf32, #tpu.memory_space<hbm>>
      %dma_wait3A_29 = tpu.memref_squeeze %dma_wait3A_28 : memref<1x640x128xf32, #tpu.memory_space<hbm>> -> memref<640x128xf32, #tpu.memory_space<hbm>>
      %dma_wait3A_30 = arith.constant 0 : i32
      %dma_wait3A_31 = tpu.memref_slice %arg10[%mul3A_21, %dma_wait3A_30] : memref<10240x128xf32, #tpu.memory_space<vmem_shared>> -> memref<640x128xf32, #tpu.memory_space<vmem_shared>>
      tpu.wait_dma2 semaphore(%run_scoped3A : memref<!tpu.dma_semaphore, #tpu.memory_space<semaphore_mem>>) src(%dma_wait3A_31 : memref<640x128xf32, #tpu.memory_space<vmem_shared>>) dst(%dma_wait3A_29 : memref<640x128xf32, #tpu.memory_space<hbm>>)
      tpu.yield
    }) : () -> ()
    return
  }
}

#map = affine_map<(d0, d1) -> (0, 0)>
#map1 = affine_map<(d0, d1) -> (0, 0, 0)>
module attributes {stable_mosaic.version = 14 : i64} {
  func.func @_deg_body(%arg0: i32, %arg1: i32, %arg2: memref<128x128xf32, #tpu.memory_space<hbm>>, %arg3: memref<32x80x128xi32, #tpu.memory_space<hbm>>, %arg4: memref<2x80x128xf32, #tpu.memory_space<hbm>>, %arg5: memref<80x128xi32, #tpu.memory_space<vmem>>, %arg6: memref<4x128xi32, #tpu.memory_space<vmem>>, %arg7: memref<4x128xi32, #tpu.memory_space<vmem>>, %arg8: memref<128x128xf32, #tpu.memory_space<vmem>>, %arg9: memref<128x128xf32, #tpu.memory_space<vmem>>, %arg10: memref<128x128xf32, #tpu.memory_space<vmem>>, %arg11: memref<128x128xf32, #tpu.memory_space<vmem>>, %arg12: memref<80x128xf32, #tpu.memory_space<vmem>>, %arg13: memref<128x128xf32, #tpu.memory_space<vmem_shared>>, %arg14: memref<80x128xf32, #tpu.memory_space<vmem_shared>>, %arg15: memref<!tpu.dma_semaphore, #tpu.memory_space<semaphore_mem>>, %arg16: memref<!tpu.dma_semaphore, #tpu.memory_space<semaphore_mem>>, %arg17: memref<!tpu.dma_semaphore, #tpu.memory_space<semaphore_mem>>, %arg18: memref<!tpu.dma_semaphore, #tpu.memory_space<semaphore_mem>>) attributes {dimension_semantics = [#tpu.dimension_semantics<core_parallel>, #tpu.dimension_semantics<subcore_parallel>], iteration_bounds = array<i64: 2, 16>, scalar_prefetch = 0 : i64, scratch_operands = 14 : i64, tpu.core_type = #tpu.core_type<sc_vector_subcore>, window_params = [{transform_indices = #map}, {transform_indices = #map1}, {transform_indices = #map1}]} {
    %mul3A = arith.constant 16 : i32
    %mul3A_0 = arith.muli %arg0, %mul3A : i32
    %add3A = arith.addi %mul3A_0, %arg1 : i32
    %broadcast_in_dim3A = arith.constant 0.000000e+00 : f32
    %broadcast_in_dim3A_1 = vector.broadcast %broadcast_in_dim3A : f32 to vector<16xf32>
    %scan3A = arith.constant 0 : i32
    %scan3A_2 = arith.constant 0 : i32
    %scan3A_3 = arith.constant 80 : i32
    %scan3A_4 = arith.addi %scan3A_2, %scan3A_3 : i32
    %scan3A_5 = arith.constant 1 : i32
    scf.for %scan3A_785 = %scan3A_2 to %scan3A_4 step %scan3A_5  : i32 {
      %swap3A_786 = arith.index_cast %scan3A_785 : i32 to index
      %swap3A_787 = arith.constant 0 : index
      %swap3A_788 = tpu.vector_load %arg12[%swap3A_786, %swap3A_787] {strides = array<i32>} : memref<80x128xf32, #tpu.memory_space<vmem>>, vector<1x16xf32>,
      %swap3A_789 = vector.shape_cast %swap3A_788 : vector<1x16xf32> to vector<16xf32>
      %swap3A_790 = vector.shape_cast %broadcast_in_dim3A_1 : vector<16xf32> to vector<1x16xf32>
      tpu.vector_store %arg12[%swap3A_786, %swap3A_787], %swap3A_790 {strides = array<i32>} : memref<80x128xf32, #tpu.memory_space<vmem>>, vector<1x16xf32>,
      %swap3A_791 = arith.index_cast %scan3A_785 : i32 to index
      %swap3A_792 = arith.constant 16 : index
      %swap3A_793 = tpu.vector_load %arg12[%swap3A_791, %swap3A_792] {strides = array<i32>} : memref<80x128xf32, #tpu.memory_space<vmem>>, vector<1x16xf32>,
      %swap3A_794 = vector.shape_cast %swap3A_793 : vector<1x16xf32> to vector<16xf32>
      %swap3A_795 = vector.shape_cast %broadcast_in_dim3A_1 : vector<16xf32> to vector<1x16xf32>
      tpu.vector_store %arg12[%swap3A_791, %swap3A_792], %swap3A_795 {strides = array<i32>} : memref<80x128xf32, #tpu.memory_space<vmem>>, vector<1x16xf32>,
      %swap3A_796 = arith.index_cast %scan3A_785 : i32 to index
      %swap3A_797 = arith.constant 32 : index
      %swap3A_798 = tpu.vector_load %arg12[%swap3A_796, %swap3A_797] {strides = array<i32>} : memref<80x128xf32, #tpu.memory_space<vmem>>, vector<1x16xf32>,
      %swap3A_799 = vector.shape_cast %swap3A_798 : vector<1x16xf32> to vector<16xf32>
      %swap3A_800 = vector.shape_cast %broadcast_in_dim3A_1 : vector<16xf32> to vector<1x16xf32>
      tpu.vector_store %arg12[%swap3A_796, %swap3A_797], %swap3A_800 {strides = array<i32>} : memref<80x128xf32, #tpu.memory_space<vmem>>, vector<1x16xf32>,
      %swap3A_801 = arith.index_cast %scan3A_785 : i32 to index
      %swap3A_802 = arith.constant 48 : index
      %swap3A_803 = tpu.vector_load %arg12[%swap3A_801, %swap3A_802] {strides = array<i32>} : memref<80x128xf32, #tpu.memory_space<vmem>>, vector<1x16xf32>,
      %swap3A_804 = vector.shape_cast %swap3A_803 : vector<1x16xf32> to vector<16xf32>
      %swap3A_805 = vector.shape_cast %broadcast_in_dim3A_1 : vector<16xf32> to vector<1x16xf32>
      tpu.vector_store %arg12[%swap3A_801, %swap3A_802], %swap3A_805 {strides = array<i32>} : memref<80x128xf32, #tpu.memory_space<vmem>>, vector<1x16xf32>,
      %swap3A_806 = arith.index_cast %scan3A_785 : i32 to index
      %swap3A_807 = arith.constant 64 : index
      %swap3A_808 = tpu.vector_load %arg12[%swap3A_806, %swap3A_807] {strides = array<i32>} : memref<80x128xf32, #tpu.memory_space<vmem>>, vector<1x16xf32>,
      %swap3A_809 = vector.shape_cast %swap3A_808 : vector<1x16xf32> to vector<16xf32>
      %swap3A_810 = vector.shape_cast %broadcast_in_dim3A_1 : vector<16xf32> to vector<1x16xf32>
      tpu.vector_store %arg12[%swap3A_806, %swap3A_807], %swap3A_810 {strides = array<i32>} : memref<80x128xf32, #tpu.memory_space<vmem>>, vector<1x16xf32>,
      %swap3A_811 = arith.index_cast %scan3A_785 : i32 to index
      %swap3A_812 = arith.constant 80 : index
      %swap3A_813 = tpu.vector_load %arg12[%swap3A_811, %swap3A_812] {strides = array<i32>} : memref<80x128xf32, #tpu.memory_space<vmem>>, vector<1x16xf32>,
      %swap3A_814 = vector.shape_cast %swap3A_813 : vector<1x16xf32> to vector<16xf32>
      %swap3A_815 = vector.shape_cast %broadcast_in_dim3A_1 : vector<16xf32> to vector<1x16xf32>
      tpu.vector_store %arg12[%swap3A_811, %swap3A_812], %swap3A_815 {strides = array<i32>} : memref<80x128xf32, #tpu.memory_space<vmem>>, vector<1x16xf32>,
      %swap3A_816 = arith.index_cast %scan3A_785 : i32 to index
      %swap3A_817 = arith.constant 96 : index
      %swap3A_818 = tpu.vector_load %arg12[%swap3A_816, %swap3A_817] {strides = array<i32>} : memref<80x128xf32, #tpu.memory_space<vmem>>, vector<1x16xf32>,
      %swap3A_819 = vector.shape_cast %swap3A_818 : vector<1x16xf32> to vector<16xf32>
      %swap3A_820 = vector.shape_cast %broadcast_in_dim3A_1 : vector<16xf32> to vector<1x16xf32>
      tpu.vector_store %arg12[%swap3A_816, %swap3A_817], %swap3A_820 {strides = array<i32>} : memref<80x128xf32, #tpu.memory_space<vmem>>, vector<1x16xf32>,
      %swap3A_821 = arith.index_cast %scan3A_785 : i32 to index
      %swap3A_822 = arith.constant 112 : index
      %swap3A_823 = tpu.vector_load %arg12[%swap3A_821, %swap3A_822] {strides = array<i32>} : memref<80x128xf32, #tpu.memory_space<vmem>>, vector<1x16xf32>,
      %swap3A_824 = vector.shape_cast %swap3A_823 : vector<1x16xf32> to vector<16xf32>
      %swap3A_825 = vector.shape_cast %broadcast_in_dim3A_1 : vector<16xf32> to vector<1x16xf32>
      tpu.vector_store %arg12[%swap3A_821, %swap3A_822], %swap3A_825 {strides = array<i32>} : memref<80x128xf32, #tpu.memory_space<vmem>>, vector<1x16xf32>,
    }
    %scan3A_6 = arith.constant 80 : i32
    %eq3A = arith.constant 0 : i32
    %eq3A_7 = arith.cmpi eq, %arg1, %eq3A : i32
    %convert_element_type3A = arith.extui %eq3A_7 : i1 to i32
    %cond3A = arith.constant 0 : i32
    %cond3A_8 = arith.cmpi ne, %convert_element_type3A, %cond3A : i32
    scf.if %cond3A_8 {
      "tpu.region"() ({
        %run_scoped3A = tpu.sem_alloc : memref<!tpu.dma_semaphore, #tpu.memory_space<semaphore_mem>>
        tpu.enqueue_dma source(%arg12 : memref<80x128xf32, #tpu.memory_space<vmem>>) target(%arg14 : memref<80x128xf32, #tpu.memory_space<vmem_shared>>) target_semaphore(%run_scoped3A : memref<!tpu.dma_semaphore, #tpu.memory_space<semaphore_mem>>)
        tpu.wait_dma2 semaphore(%run_scoped3A : memref<!tpu.dma_semaphore, #tpu.memory_space<semaphore_mem>>) src(%arg12 : memref<80x128xf32, #tpu.memory_space<vmem>>) dst(%arg14 : memref<80x128xf32, #tpu.memory_space<vmem_shared>>)
        tpu.yield
      }) : () -> ()
    } else {
    }
    %eq3A_9 = arith.constant 1 : i32
    %eq3A_10 = arith.cmpi eq, %arg1, %eq3A_9 : i32
    %convert_element_type3A_11 = arith.extui %eq3A_10 : i1 to i32
    %cond3A_12 = arith.constant 0 : i32
    %cond3A_13 = arith.cmpi ne, %convert_element_type3A_11, %cond3A_12 : i32
    scf.if %cond3A_13 {
      "tpu.region"() ({
        %run_scoped3A = tpu.sem_alloc : memref<!tpu.dma_semaphore, #tpu.memory_space<semaphore_mem>>
        tpu.enqueue_dma source(%arg2 : memref<128x128xf32, #tpu.memory_space<hbm>>) target(%arg13 : memref<128x128xf32, #tpu.memory_space<vmem_shared>>) target_semaphore(%run_scoped3A : memref<!tpu.dma_semaphore, #tpu.memory_space<semaphore_mem>>)
        tpu.wait_dma2 semaphore(%run_scoped3A : memref<!tpu.dma_semaphore, #tpu.memory_space<semaphore_mem>>) src(%arg2 : memref<128x128xf32, #tpu.memory_space<hbm>>) dst(%arg13 : memref<128x128xf32, #tpu.memory_space<vmem_shared>>)
        tpu.yield
      }) : () -> ()
    } else {
    }
    "tpu.region"() ({
      %run_scoped3A = tpu.sem_alloc : memref<!tpu.dma_semaphore, #tpu.memory_space<semaphore_mem>>
      %dma_start3A_785 = arith.constant 0 : i32
      %dma_start3A_786 = arith.constant 0 : i32
      %dma_start3A_787 = tpu.memref_slice %arg3[%add3A, %dma_start3A_785, %dma_start3A_786] : memref<32x80x128xi32, #tpu.memory_space<hbm>> -> memref<1x80x128xi32, #tpu.memory_space<hbm>>
      %dma_start3A_788 = tpu.memref_squeeze %dma_start3A_787 : memref<1x80x128xi32, #tpu.memory_space<hbm>> -> memref<80x128xi32, #tpu.memory_space<hbm>>
      %dma_start3A_789 = arith.constant 0 : i32
      %dma_start3A_790 = arith.constant 0 : i32
      %dma_start3A_791 = tpu.memref_slice %arg3[%add3A, %dma_start3A_789, %dma_start3A_790] : memref<32x80x128xi32, #tpu.memory_space<hbm>> -> memref<1x80x128xi32, #tpu.memory_space<hbm>>
      %dma_start3A_792 = tpu.memref_squeeze %dma_start3A_791 : memref<1x80x128xi32, #tpu.memory_space<hbm>> -> memref<80x128xi32, #tpu.memory_space<hbm>>
      tpu.enqueue_dma source(%dma_start3A_792 : memref<80x128xi32, #tpu.memory_space<hbm>>) target(%arg5 : memref<80x128xi32, #tpu.memory_space<vmem>>) target_semaphore(%run_scoped3A : memref<!tpu.dma_semaphore, #tpu.memory_space<semaphore_mem>>)
      %dma_wait3A = arith.constant 0 : i32
      %dma_wait3A_793 = arith.constant 0 : i32
      %dma_wait3A_794 = tpu.memref_slice %arg3[%add3A, %dma_wait3A, %dma_wait3A_793] : memref<32x80x128xi32, #tpu.memory_space<hbm>> -> memref<1x80x128xi32, #tpu.memory_space<hbm>>
      %dma_wait3A_795 = tpu.memref_squeeze %dma_wait3A_794 : memref<1x80x128xi32, #tpu.memory_space<hbm>> -> memref<80x128xi32, #tpu.memory_space<hbm>>
      %dma_wait3A_796 = arith.constant 0 : i32
      %dma_wait3A_797 = arith.constant 0 : i32
      %dma_wait3A_798 = tpu.memref_slice %arg3[%add3A, %dma_wait3A_796, %dma_wait3A_797] : memref<32x80x128xi32, #tpu.memory_space<hbm>> -> memref<1x80x128xi32, #tpu.memory_space<hbm>>
      %dma_wait3A_799 = tpu.memref_squeeze %dma_wait3A_798 : memref<1x80x128xi32, #tpu.memory_space<hbm>> -> memref<80x128xi32, #tpu.memory_space<hbm>>
      tpu.wait_dma2 semaphore(%run_scoped3A : memref<!tpu.dma_semaphore, #tpu.memory_space<semaphore_mem>>) src(%dma_wait3A_799 : memref<80x128xi32, #tpu.memory_space<hbm>>) dst(%arg5 : memref<80x128xi32, #tpu.memory_space<vmem>>)
      tpu.yield
    }) : () -> ()
    %get3A = arith.constant 0 : i32
    %get3A_14 = arith.index_cast %get3A : i32 to index
    %get3A_15 = arith.constant 0 : index
    %get3A_16 = tpu.vector_load %arg5[%get3A_14, %get3A_15] {strides = array<i32>} : memref<80x128xi32, #tpu.memory_space<vmem>>, vector<1x16xi32>,
    %get3A_17 = vector.shape_cast %get3A_16 : vector<1x16xi32> to vector<16xi32>
    %and3A = arith.constant 127 : i32
    %and3A_18 = vector.broadcast %and3A : i32 to vector<16xi32>
    %and3A_19 = arith.andi %get3A_17, %and3A_18 : vector<16xi32>
    %swap3A = arith.constant 0 : i32
    %swap3A_20 = arith.index_cast %swap3A : i32 to index
    %swap3A_21 = arith.constant 0 : index
    %swap3A_22 = tpu.vector_load %arg6[%swap3A_20, %swap3A_21] {strides = array<i32>} : memref<4x128xi32, #tpu.memory_space<vmem>>, vector<1x16xi32>,
    %swap3A_23 = vector.shape_cast %swap3A_22 : vector<1x16xi32> to vector<16xi32>
    %swap3A_24 = vector.shape_cast %and3A_19 : vector<16xi32> to vector<1x16xi32>
    tpu.vector_store %arg6[%swap3A_20, %swap3A_21], %swap3A_24 {strides = array<i32>} : memref<4x128xi32, #tpu.memory_space<vmem>>, vector<1x16xi32>,
    %shift_right_logical3A = arith.constant 7 : i32
    %shift_right_logical3A_25 = vector.broadcast %shift_right_logical3A : i32 to vector<16xi32>
    %shift_right_logical3A_26 = arith.shrui %get3A_17, %shift_right_logical3A_25 : vector<16xi32>
    %swap3A_27 = arith.constant 0 : i32
    %swap3A_28 = arith.index_cast %swap3A_27 : i32 to index
    %swap3A_29 = arith.constant 0 : index
    %swap3A_30 = tpu.vector_load %arg7[%swap3A_28, %swap3A_29] {strides = array<i32>} : memref<4x128xi32, #tpu.memory_space<vmem>>, vector<1x16xi32>,
    %swap3A_31 = vector.shape_cast %swap3A_30 : vector<1x16xi32> to vector<16xi32>
    %swap3A_32 = vector.shape_cast %shift_right_logical3A_26 : vector<16xi32> to vector<1x16xi32>
    tpu.vector_store %arg7[%swap3A_28, %swap3A_29], %swap3A_32 {strides = array<i32>} : memref<4x128xi32, #tpu.memory_space<vmem>>, vector<1x16xi32>,
    %get3A_33 = arith.constant 0 : i32
    %get3A_34 = arith.index_cast %get3A_33 : i32 to index
    %get3A_35 = arith.constant 16 : index
    %get3A_36 = tpu.vector_load %arg5[%get3A_34, %get3A_35] {strides = array<i32>} : memref<80x128xi32, #tpu.memory_space<vmem>>, vector<1x16xi32>,
    %get3A_37 = vector.shape_cast %get3A_36 : vector<1x16xi32> to vector<16xi32>
    %and3A_38 = arith.constant 127 : i32
    %and3A_39 = vector.broadcast %and3A_38 : i32 to vector<16xi32>
    %and3A_40 = arith.andi %get3A_37, %and3A_39 : vector<16xi32>
    %swap3A_41 = arith.constant 0 : i32
    %swap3A_42 = arith.index_cast %swap3A_41 : i32 to index
    %swap3A_43 = arith.constant 16 : index
    %swap3A_44 = tpu.vector_load %arg6[%swap3A_42, %swap3A_43] {strides = array<i32>} : memref<4x128xi32, #tpu.memory_space<vmem>>, vector<1x16xi32>,
    %swap3A_45 = vector.shape_cast %swap3A_44 : vector<1x16xi32> to vector<16xi32>
    %swap3A_46 = vector.shape_cast %and3A_40 : vector<16xi32> to vector<1x16xi32>
    tpu.vector_store %arg6[%swap3A_42, %swap3A_43], %swap3A_46 {strides = array<i32>} : memref<4x128xi32, #tpu.memory_space<vmem>>, vector<1x16xi32>,
    %shift_right_logical3A_47 = arith.constant 7 : i32
    %shift_right_logical3A_48 = vector.broadcast %shift_right_logical3A_47 : i32 to vector<16xi32>
    %shift_right_logical3A_49 = arith.shrui %get3A_37, %shift_right_logical3A_48 : vector<16xi32>
    %swap3A_50 = arith.constant 0 : i32
    %swap3A_51 = arith.index_cast %swap3A_50 : i32 to index
    %swap3A_52 = arith.constant 16 : index
    %swap3A_53 = tpu.vector_load %arg7[%swap3A_51, %swap3A_52] {strides = array<i32>} : memref<4x128xi32, #tpu.memory_space<vmem>>, vector<1x16xi32>,
    %swap3A_54 = vector.shape_cast %swap3A_53 : vector<1x16xi32> to vector<16xi32>
    %swap3A_55 = vector.shape_cast %shift_right_logical3A_49 : vector<16xi32> to vector<1x16xi32>
    tpu.vector_store %arg7[%swap3A_51, %swap3A_52], %swap3A_55 {strides = array<i32>} : memref<4x128xi32, #tpu.memory_space<vmem>>, vector<1x16xi32>,
    %get3A_56 = arith.constant 0 : i32
    %get3A_57 = arith.index_cast %get3A_56 : i32 to index
    %get3A_58 = arith.constant 32 : index
    %get3A_59 = tpu.vector_load %arg5[%get3A_57, %get3A_58] {strides = array<i32>} : memref<80x128xi32, #tpu.memory_space<vmem>>, vector<1x16xi32>,
    %get3A_60 = vector.shape_cast %get3A_59 : vector<1x16xi32> to vector<16xi32>
    %and3A_61 = arith.constant 127 : i32
    %and3A_62 = vector.broadcast %and3A_61 : i32 to vector<16xi32>
    %and3A_63 = arith.andi %get3A_60, %and3A_62 : vector<16xi32>
    %swap3A_64 = arith.constant 0 : i32
    %swap3A_65 = arith.index_cast %swap3A_64 : i32 to index
    %swap3A_66 = arith.constant 32 : index
    %swap3A_67 = tpu.vector_load %arg6[%swap3A_65, %swap3A_66] {strides = array<i32>} : memref<4x128xi32, #tpu.memory_space<vmem>>, vector<1x16xi32>,
    %swap3A_68 = vector.shape_cast %swap3A_67 : vector<1x16xi32> to vector<16xi32>
    %swap3A_69 = vector.shape_cast %and3A_63 : vector<16xi32> to vector<1x16xi32>
    tpu.vector_store %arg6[%swap3A_65, %swap3A_66], %swap3A_69 {strides = array<i32>} : memref<4x128xi32, #tpu.memory_space<vmem>>, vector<1x16xi32>,
    %shift_right_logical3A_70 = arith.constant 7 : i32
    %shift_right_logical3A_71 = vector.broadcast %shift_right_logical3A_70 : i32 to vector<16xi32>
    %shift_right_logical3A_72 = arith.shrui %get3A_60, %shift_right_logical3A_71 : vector<16xi32>
    %swap3A_73 = arith.constant 0 : i32
    %swap3A_74 = arith.index_cast %swap3A_73 : i32 to index
    %swap3A_75 = arith.constant 32 : index
    %swap3A_76 = tpu.vector_load %arg7[%swap3A_74, %swap3A_75] {strides = array<i32>} : memref<4x128xi32, #tpu.memory_space<vmem>>, vector<1x16xi32>,
    %swap3A_77 = vector.shape_cast %swap3A_76 : vector<1x16xi32> to vector<16xi32>
    %swap3A_78 = vector.shape_cast %shift_right_logical3A_72 : vector<16xi32> to vector<1x16xi32>
    tpu.vector_store %arg7[%swap3A_74, %swap3A_75], %swap3A_78 {strides = array<i32>} : memref<4x128xi32, #tpu.memory_space<vmem>>, vector<1x16xi32>,
    %get3A_79 = arith.constant 0 : i32
    %get3A_80 = arith.index_cast %get3A_79 : i32 to index
    %get3A_81 = arith.constant 48 : index
    %get3A_82 = tpu.vector_load %arg5[%get3A_80, %get3A_81] {strides = array<i32>} : memref<80x128xi32, #tpu.memory_space<vmem>>, vector<1x16xi32>,
    %get3A_83 = vector.shape_cast %get3A_82 : vector<1x16xi32> to vector<16xi32>
    %and3A_84 = arith.constant 127 : i32
    %and3A_85 = vector.broadcast %and3A_84 : i32 to vector<16xi32>
    %and3A_86 = arith.andi %get3A_83, %and3A_85 : vector<16xi32>
    %swap3A_87 = arith.constant 0 : i32
    %swap3A_88 = arith.index_cast %swap3A_87 : i32 to index
    %swap3A_89 = arith.constant 48 : index
    %swap3A_90 = tpu.vector_load %arg6[%swap3A_88, %swap3A_89] {strides = array<i32>} : memref<4x128xi32, #tpu.memory_space<vmem>>, vector<1x16xi32>,
    %swap3A_91 = vector.shape_cast %swap3A_90 : vector<1x16xi32> to vector<16xi32>
    %swap3A_92 = vector.shape_cast %and3A_86 : vector<16xi32> to vector<1x16xi32>
    tpu.vector_store %arg6[%swap3A_88, %swap3A_89], %swap3A_92 {strides = array<i32>} : memref<4x128xi32, #tpu.memory_space<vmem>>, vector<1x16xi32>,
    %shift_right_logical3A_93 = arith.constant 7 : i32
    %shift_right_logical3A_94 = vector.broadcast %shift_right_logical3A_93 : i32 to vector<16xi32>
    %shift_right_logical3A_95 = arith.shrui %get3A_83, %shift_right_logical3A_94 : vector<16xi32>
    %swap3A_96 = arith.constant 0 : i32
    %swap3A_97 = arith.index_cast %swap3A_96 : i32 to index
    %swap3A_98 = arith.constant 48 : index
    %swap3A_99 = tpu.vector_load %arg7[%swap3A_97, %swap3A_98] {strides = array<i32>} : memref<4x128xi32, #tpu.memory_space<vmem>>, vector<1x16xi32>,
    %swap3A_100 = vector.shape_cast %swap3A_99 : vector<1x16xi32> to vector<16xi32>
    %swap3A_101 = vector.shape_cast %shift_right_logical3A_95 : vector<16xi32> to vector<1x16xi32>
    tpu.vector_store %arg7[%swap3A_97, %swap3A_98], %swap3A_101 {strides = array<i32>} : memref<4x128xi32, #tpu.memory_space<vmem>>, vector<1x16xi32>,
    %get3A_102 = arith.constant 0 : i32
    %get3A_103 = arith.index_cast %get3A_102 : i32 to index
    %get3A_104 = arith.constant 64 : index
    %get3A_105 = tpu.vector_load %arg5[%get3A_103, %get3A_104] {strides = array<i32>} : memref<80x128xi32, #tpu.memory_space<vmem>>, vector<1x16xi32>,
    %get3A_106 = vector.shape_cast %get3A_105 : vector<1x16xi32> to vector<16xi32>
    %and3A_107 = arith.constant 127 : i32
    %and3A_108 = vector.broadcast %and3A_107 : i32 to vector<16xi32>
    %and3A_109 = arith.andi %get3A_106, %and3A_108 : vector<16xi32>
    %swap3A_110 = arith.constant 0 : i32
    %swap3A_111 = arith.index_cast %swap3A_110 : i32 to index
    %swap3A_112 = arith.constant 64 : index
    %swap3A_113 = tpu.vector_load %arg6[%swap3A_111, %swap3A_112] {strides = array<i32>} : memref<4x128xi32, #tpu.memory_space<vmem>>, vector<1x16xi32>,
    %swap3A_114 = vector.shape_cast %swap3A_113 : vector<1x16xi32> to vector<16xi32>
    %swap3A_115 = vector.shape_cast %and3A_109 : vector<16xi32> to vector<1x16xi32>
    tpu.vector_store %arg6[%swap3A_111, %swap3A_112], %swap3A_115 {strides = array<i32>} : memref<4x128xi32, #tpu.memory_space<vmem>>, vector<1x16xi32>,
    %shift_right_logical3A_116 = arith.constant 7 : i32
    %shift_right_logical3A_117 = vector.broadcast %shift_right_logical3A_116 : i32 to vector<16xi32>
    %shift_right_logical3A_118 = arith.shrui %get3A_106, %shift_right_logical3A_117 : vector<16xi32>
    %swap3A_119 = arith.constant 0 : i32
    %swap3A_120 = arith.index_cast %swap3A_119 : i32 to index
    %swap3A_121 = arith.constant 64 : index
    %swap3A_122 = tpu.vector_load %arg7[%swap3A_120, %swap3A_121] {strides = array<i32>} : memref<4x128xi32, #tpu.memory_space<vmem>>, vector<1x16xi32>,
    %swap3A_123 = vector.shape_cast %swap3A_122 : vector<1x16xi32> to vector<16xi32>
    %swap3A_124 = vector.shape_cast %shift_right_logical3A_118 : vector<16xi32> to vector<1x16xi32>
    tpu.vector_store %arg7[%swap3A_120, %swap3A_121], %swap3A_124 {strides = array<i32>} : memref<4x128xi32, #tpu.memory_space<vmem>>, vector<1x16xi32>,
    %get3A_125 = arith.constant 0 : i32
    %get3A_126 = arith.index_cast %get3A_125 : i32 to index
    %get3A_127 = arith.constant 80 : index
    %get3A_128 = tpu.vector_load %arg5[%get3A_126, %get3A_127] {strides = array<i32>} : memref<80x128xi32, #tpu.memory_space<vmem>>, vector<1x16xi32>,
    %get3A_129 = vector.shape_cast %get3A_128 : vector<1x16xi32> to vector<16xi32>
    %and3A_130 = arith.constant 127 : i32
    %and3A_131 = vector.broadcast %and3A_130 : i32 to vector<16xi32>
    %and3A_132 = arith.andi %get3A_129, %and3A_131 : vector<16xi32>
    %swap3A_133 = arith.constant 0 : i32
    %swap3A_134 = arith.index_cast %swap3A_133 : i32 to index
    %swap3A_135 = arith.constant 80 : index
    %swap3A_136 = tpu.vector_load %arg6[%swap3A_134, %swap3A_135] {strides = array<i32>} : memref<4x128xi32, #tpu.memory_space<vmem>>, vector<1x16xi32>,
    %swap3A_137 = vector.shape_cast %swap3A_136 : vector<1x16xi32> to vector<16xi32>
    %swap3A_138 = vector.shape_cast %and3A_132 : vector<16xi32> to vector<1x16xi32>
    tpu.vector_store %arg6[%swap3A_134, %swap3A_135], %swap3A_138 {strides = array<i32>} : memref<4x128xi32, #tpu.memory_space<vmem>>, vector<1x16xi32>,
    %shift_right_logical3A_139 = arith.constant 7 : i32
    %shift_right_logical3A_140 = vector.broadcast %shift_right_logical3A_139 : i32 to vector<16xi32>
    %shift_right_logical3A_141 = arith.shrui %get3A_129, %shift_right_logical3A_140 : vector<16xi32>
    %swap3A_142 = arith.constant 0 : i32
    %swap3A_143 = arith.index_cast %swap3A_142 : i32 to index
    %swap3A_144 = arith.constant 80 : index
    %swap3A_145 = tpu.vector_load %arg7[%swap3A_143, %swap3A_144] {strides = array<i32>} : memref<4x128xi32, #tpu.memory_space<vmem>>, vector<1x16xi32>,
    %swap3A_146 = vector.shape_cast %swap3A_145 : vector<1x16xi32> to vector<16xi32>
    %swap3A_147 = vector.shape_cast %shift_right_logical3A_141 : vector<16xi32> to vector<1x16xi32>
    tpu.vector_store %arg7[%swap3A_143, %swap3A_144], %swap3A_147 {strides = array<i32>} : memref<4x128xi32, #tpu.memory_space<vmem>>, vector<1x16xi32>,
    %get3A_148 = arith.constant 0 : i32
    %get3A_149 = arith.index_cast %get3A_148 : i32 to index
    %get3A_150 = arith.constant 96 : index
    %get3A_151 = tpu.vector_load %arg5[%get3A_149, %get3A_150] {strides = array<i32>} : memref<80x128xi32, #tpu.memory_space<vmem>>, vector<1x16xi32>,
    %get3A_152 = vector.shape_cast %get3A_151 : vector<1x16xi32> to vector<16xi32>
    %and3A_153 = arith.constant 127 : i32
    %and3A_154 = vector.broadcast %and3A_153 : i32 to vector<16xi32>
    %and3A_155 = arith.andi %get3A_152, %and3A_154 : vector<16xi32>
    %swap3A_156 = arith.constant 0 : i32
    %swap3A_157 = arith.index_cast %swap3A_156 : i32 to index
    %swap3A_158 = arith.constant 96 : index
    %swap3A_159 = tpu.vector_load %arg6[%swap3A_157, %swap3A_158] {strides = array<i32>} : memref<4x128xi32, #tpu.memory_space<vmem>>, vector<1x16xi32>,
    %swap3A_160 = vector.shape_cast %swap3A_159 : vector<1x16xi32> to vector<16xi32>
    %swap3A_161 = vector.shape_cast %and3A_155 : vector<16xi32> to vector<1x16xi32>
    tpu.vector_store %arg6[%swap3A_157, %swap3A_158], %swap3A_161 {strides = array<i32>} : memref<4x128xi32, #tpu.memory_space<vmem>>, vector<1x16xi32>,
    %shift_right_logical3A_162 = arith.constant 7 : i32
    %shift_right_logical3A_163 = vector.broadcast %shift_right_logical3A_162 : i32 to vector<16xi32>
    %shift_right_logical3A_164 = arith.shrui %get3A_152, %shift_right_logical3A_163 : vector<16xi32>
    %swap3A_165 = arith.constant 0 : i32
    %swap3A_166 = arith.index_cast %swap3A_165 : i32 to index
    %swap3A_167 = arith.constant 96 : index
    %swap3A_168 = tpu.vector_load %arg7[%swap3A_166, %swap3A_167] {strides = array<i32>} : memref<4x128xi32, #tpu.memory_space<vmem>>, vector<1x16xi32>,
    %swap3A_169 = vector.shape_cast %swap3A_168 : vector<1x16xi32> to vector<16xi32>
    %swap3A_170 = vector.shape_cast %shift_right_logical3A_164 : vector<16xi32> to vector<1x16xi32>
    tpu.vector_store %arg7[%swap3A_166, %swap3A_167], %swap3A_170 {strides = array<i32>} : memref<4x128xi32, #tpu.memory_space<vmem>>, vector<1x16xi32>,
    %get3A_171 = arith.constant 0 : i32
    %get3A_172 = arith.index_cast %get3A_171 : i32 to index
    %get3A_173 = arith.constant 112 : index
    %get3A_174 = tpu.vector_load %arg5[%get3A_172, %get3A_173] {strides = array<i32>} : memref<80x128xi32, #tpu.memory_space<vmem>>, vector<1x16xi32>,
    %get3A_175 = vector.shape_cast %get3A_174 : vector<1x16xi32> to vector<16xi32>
    %and3A_176 = arith.constant 127 : i32
    %and3A_177 = vector.broadcast %and3A_176 : i32 to vector<16xi32>
    %and3A_178 = arith.andi %get3A_175, %and3A_177 : vector<16xi32>
    %swap3A_179 = arith.constant 0 : i32
    %swap3A_180 = arith.index_cast %swap3A_179 : i32 to index
    %swap3A_181 = arith.constant 112 : index
    %swap3A_182 = tpu.vector_load %arg6[%swap3A_180, %swap3A_181] {strides = array<i32>} : memref<4x128xi32, #tpu.memory_space<vmem>>, vector<1x16xi32>,
    %swap3A_183 = vector.shape_cast %swap3A_182 : vector<1x16xi32> to vector<16xi32>
    %swap3A_184 = vector.shape_cast %and3A_178 : vector<16xi32> to vector<1x16xi32>
    tpu.vector_store %arg6[%swap3A_180, %swap3A_181], %swap3A_184 {strides = array<i32>} : memref<4x128xi32, #tpu.memory_space<vmem>>, vector<1x16xi32>,
    %shift_right_logical3A_185 = arith.constant 7 : i32
    %shift_right_logical3A_186 = vector.broadcast %shift_right_logical3A_185 : i32 to vector<16xi32>
    %shift_right_logical3A_187 = arith.shrui %get3A_175, %shift_right_logical3A_186 : vector<16xi32>
    %swap3A_188 = arith.constant 0 : i32
    %swap3A_189 = arith.index_cast %swap3A_188 : i32 to index
    %swap3A_190 = arith.constant 112 : index
    %swap3A_191 = tpu.vector_load %arg7[%swap3A_189, %swap3A_190] {strides = array<i32>} : memref<4x128xi32, #tpu.memory_space<vmem>>, vector<1x16xi32>,
    %swap3A_192 = vector.shape_cast %swap3A_191 : vector<1x16xi32> to vector<16xi32>
    %swap3A_193 = vector.shape_cast %shift_right_logical3A_187 : vector<16xi32> to vector<1x16xi32>
    tpu.vector_store %arg7[%swap3A_189, %swap3A_190], %swap3A_193 {strides = array<i32>} : memref<4x128xi32, #tpu.memory_space<vmem>>, vector<1x16xi32>,
    %dma_start3A = arith.constant 0 : i32
    %dma_start3A_194 = arith.constant 0 : i32
    %dma_start3A_195 = tpu.memref_slice %arg6[%dma_start3A, %dma_start3A_194] : memref<4x128xi32, #tpu.memory_space<vmem>> -> memref<1x128xi32, #tpu.memory_space<vmem>>
    %dma_start3A_196 = tpu.memref_squeeze %dma_start3A_195 : memref<1x128xi32, #tpu.memory_space<vmem>> -> memref<128xi32, #tpu.memory_space<vmem>>
    %dma_start3A_197 = arith.constant 0 : i32
    %dma_start3A_198 = arith.constant 0 : i32
    %dma_start3A_199 = tpu.memref_slice %arg13[%dma_start3A_197, %dma_start3A_198] : memref<128x128xf32, #tpu.memory_space<vmem_shared>> -> memref<128x128xf32, #tpu.memory_space<vmem_shared>>
    tpu.enqueue_indirect_dma source(%dma_start3A_199 : memref<128x128xf32, #tpu.memory_space<vmem_shared>>) target(%arg8 : memref<128x128xf32, #tpu.memory_space<vmem>>) offsets(%dma_start3A_196 : memref<128xi32, #tpu.memory_space<vmem>>) semaphore(%arg15 : memref<!tpu.dma_semaphore, #tpu.memory_space<semaphore_mem>>)
    %get3A_200 = arith.constant 1 : i32
    %get3A_201 = arith.index_cast %get3A_200 : i32 to index
    %get3A_202 = arith.constant 0 : index
    %get3A_203 = tpu.vector_load %arg5[%get3A_201, %get3A_202] {strides = array<i32>} : memref<80x128xi32, #tpu.memory_space<vmem>>, vector<1x16xi32>,
    %get3A_204 = vector.shape_cast %get3A_203 : vector<1x16xi32> to vector<16xi32>
    %and3A_205 = arith.constant 127 : i32
    %and3A_206 = vector.broadcast %and3A_205 : i32 to vector<16xi32>
    %and3A_207 = arith.andi %get3A_204, %and3A_206 : vector<16xi32>
    %swap3A_208 = arith.constant 1 : i32
    %swap3A_209 = arith.index_cast %swap3A_208 : i32 to index
    %swap3A_210 = arith.constant 0 : index
    %swap3A_211 = tpu.vector_load %arg6[%swap3A_209, %swap3A_210] {strides = array<i32>} : memref<4x128xi32, #tpu.memory_space<vmem>>, vector<1x16xi32>,
    %swap3A_212 = vector.shape_cast %swap3A_211 : vector<1x16xi32> to vector<16xi32>
    %swap3A_213 = vector.shape_cast %and3A_207 : vector<16xi32> to vector<1x16xi32>
    tpu.vector_store %arg6[%swap3A_209, %swap3A_210], %swap3A_213 {strides = array<i32>} : memref<4x128xi32, #tpu.memory_space<vmem>>, vector<1x16xi32>,
    %shift_right_logical3A_214 = arith.constant 7 : i32
    %shift_right_logical3A_215 = vector.broadcast %shift_right_logical3A_214 : i32 to vector<16xi32>
    %shift_right_logical3A_216 = arith.shrui %get3A_204, %shift_right_logical3A_215 : vector<16xi32>
    %swap3A_217 = arith.constant 1 : i32
    %swap3A_218 = arith.index_cast %swap3A_217 : i32 to index
    %swap3A_219 = arith.constant 0 : index
    %swap3A_220 = tpu.vector_load %arg7[%swap3A_218, %swap3A_219] {strides = array<i32>} : memref<4x128xi32, #tpu.memory_space<vmem>>, vector<1x16xi32>,
    %swap3A_221 = vector.shape_cast %swap3A_220 : vector<1x16xi32> to vector<16xi32>
    %swap3A_222 = vector.shape_cast %shift_right_logical3A_216 : vector<16xi32> to vector<1x16xi32>
    tpu.vector_store %arg7[%swap3A_218, %swap3A_219], %swap3A_222 {strides = array<i32>} : memref<4x128xi32, #tpu.memory_space<vmem>>, vector<1x16xi32>,
    %get3A_223 = arith.constant 1 : i32
    %get3A_224 = arith.index_cast %get3A_223 : i32 to index
    %get3A_225 = arith.constant 16 : index
    %get3A_226 = tpu.vector_load %arg5[%get3A_224, %get3A_225] {strides = array<i32>} : memref<80x128xi32, #tpu.memory_space<vmem>>, vector<1x16xi32>,
    %get3A_227 = vector.shape_cast %get3A_226 : vector<1x16xi32> to vector<16xi32>
    %and3A_228 = arith.constant 127 : i32
    %and3A_229 = vector.broadcast %and3A_228 : i32 to vector<16xi32>
    %and3A_230 = arith.andi %get3A_227, %and3A_229 : vector<16xi32>
    %swap3A_231 = arith.constant 1 : i32
    %swap3A_232 = arith.index_cast %swap3A_231 : i32 to index
    %swap3A_233 = arith.constant 16 : index
    %swap3A_234 = tpu.vector_load %arg6[%swap3A_232, %swap3A_233] {strides = array<i32>} : memref<4x128xi32, #tpu.memory_space<vmem>>, vector<1x16xi32>,
    %swap3A_235 = vector.shape_cast %swap3A_234 : vector<1x16xi32> to vector<16xi32>
    %swap3A_236 = vector.shape_cast %and3A_230 : vector<16xi32> to vector<1x16xi32>
    tpu.vector_store %arg6[%swap3A_232, %swap3A_233], %swap3A_236 {strides = array<i32>} : memref<4x128xi32, #tpu.memory_space<vmem>>, vector<1x16xi32>,
    %shift_right_logical3A_237 = arith.constant 7 : i32
    %shift_right_logical3A_238 = vector.broadcast %shift_right_logical3A_237 : i32 to vector<16xi32>
    %shift_right_logical3A_239 = arith.shrui %get3A_227, %shift_right_logical3A_238 : vector<16xi32>
    %swap3A_240 = arith.constant 1 : i32
    %swap3A_241 = arith.index_cast %swap3A_240 : i32 to index
    %swap3A_242 = arith.constant 16 : index
    %swap3A_243 = tpu.vector_load %arg7[%swap3A_241, %swap3A_242] {strides = array<i32>} : memref<4x128xi32, #tpu.memory_space<vmem>>, vector<1x16xi32>,
    %swap3A_244 = vector.shape_cast %swap3A_243 : vector<1x16xi32> to vector<16xi32>
    %swap3A_245 = vector.shape_cast %shift_right_logical3A_239 : vector<16xi32> to vector<1x16xi32>
    tpu.vector_store %arg7[%swap3A_241, %swap3A_242], %swap3A_245 {strides = array<i32>} : memref<4x128xi32, #tpu.memory_space<vmem>>, vector<1x16xi32>,
    %get3A_246 = arith.constant 1 : i32
    %get3A_247 = arith.index_cast %get3A_246 : i32 to index
    %get3A_248 = arith.constant 32 : index
    %get3A_249 = tpu.vector_load %arg5[%get3A_247, %get3A_248] {strides = array<i32>} : memref<80x128xi32, #tpu.memory_space<vmem>>, vector<1x16xi32>,
    %get3A_250 = vector.shape_cast %get3A_249 : vector<1x16xi32> to vector<16xi32>
    %and3A_251 = arith.constant 127 : i32
    %and3A_252 = vector.broadcast %and3A_251 : i32 to vector<16xi32>
    %and3A_253 = arith.andi %get3A_250, %and3A_252 : vector<16xi32>
    %swap3A_254 = arith.constant 1 : i32
    %swap3A_255 = arith.index_cast %swap3A_254 : i32 to index
    %swap3A_256 = arith.constant 32 : index
    %swap3A_257 = tpu.vector_load %arg6[%swap3A_255, %swap3A_256] {strides = array<i32>} : memref<4x128xi32, #tpu.memory_space<vmem>>, vector<1x16xi32>,
    %swap3A_258 = vector.shape_cast %swap3A_257 : vector<1x16xi32> to vector<16xi32>
    %swap3A_259 = vector.shape_cast %and3A_253 : vector<16xi32> to vector<1x16xi32>
    tpu.vector_store %arg6[%swap3A_255, %swap3A_256], %swap3A_259 {strides = array<i32>} : memref<4x128xi32, #tpu.memory_space<vmem>>, vector<1x16xi32>,
    %shift_right_logical3A_260 = arith.constant 7 : i32
    %shift_right_logical3A_261 = vector.broadcast %shift_right_logical3A_260 : i32 to vector<16xi32>
    %shift_right_logical3A_262 = arith.shrui %get3A_250, %shift_right_logical3A_261 : vector<16xi32>
    %swap3A_263 = arith.constant 1 : i32
    %swap3A_264 = arith.index_cast %swap3A_263 : i32 to index
    %swap3A_265 = arith.constant 32 : index
    %swap3A_266 = tpu.vector_load %arg7[%swap3A_264, %swap3A_265] {strides = array<i32>} : memref<4x128xi32, #tpu.memory_space<vmem>>, vector<1x16xi32>,
    %swap3A_267 = vector.shape_cast %swap3A_266 : vector<1x16xi32> to vector<16xi32>
    %swap3A_268 = vector.shape_cast %shift_right_logical3A_262 : vector<16xi32> to vector<1x16xi32>
    tpu.vector_store %arg7[%swap3A_264, %swap3A_265], %swap3A_268 {strides = array<i32>} : memref<4x128xi32, #tpu.memory_space<vmem>>, vector<1x16xi32>,
    %get3A_269 = arith.constant 1 : i32
    %get3A_270 = arith.index_cast %get3A_269 : i32 to index
    %get3A_271 = arith.constant 48 : index
    %get3A_272 = tpu.vector_load %arg5[%get3A_270, %get3A_271] {strides = array<i32>} : memref<80x128xi32, #tpu.memory_space<vmem>>, vector<1x16xi32>,
    %get3A_273 = vector.shape_cast %get3A_272 : vector<1x16xi32> to vector<16xi32>
    %and3A_274 = arith.constant 127 : i32
    %and3A_275 = vector.broadcast %and3A_274 : i32 to vector<16xi32>
    %and3A_276 = arith.andi %get3A_273, %and3A_275 : vector<16xi32>
    %swap3A_277 = arith.constant 1 : i32
    %swap3A_278 = arith.index_cast %swap3A_277 : i32 to index
    %swap3A_279 = arith.constant 48 : index
    %swap3A_280 = tpu.vector_load %arg6[%swap3A_278, %swap3A_279] {strides = array<i32>} : memref<4x128xi32, #tpu.memory_space<vmem>>, vector<1x16xi32>,
    %swap3A_281 = vector.shape_cast %swap3A_280 : vector<1x16xi32> to vector<16xi32>
    %swap3A_282 = vector.shape_cast %and3A_276 : vector<16xi32> to vector<1x16xi32>
    tpu.vector_store %arg6[%swap3A_278, %swap3A_279], %swap3A_282 {strides = array<i32>} : memref<4x128xi32, #tpu.memory_space<vmem>>, vector<1x16xi32>,
    %shift_right_logical3A_283 = arith.constant 7 : i32
    %shift_right_logical3A_284 = vector.broadcast %shift_right_logical3A_283 : i32 to vector<16xi32>
    %shift_right_logical3A_285 = arith.shrui %get3A_273, %shift_right_logical3A_284 : vector<16xi32>
    %swap3A_286 = arith.constant 1 : i32
    %swap3A_287 = arith.index_cast %swap3A_286 : i32 to index
    %swap3A_288 = arith.constant 48 : index
    %swap3A_289 = tpu.vector_load %arg7[%swap3A_287, %swap3A_288] {strides = array<i32>} : memref<4x128xi32, #tpu.memory_space<vmem>>, vector<1x16xi32>,
    %swap3A_290 = vector.shape_cast %swap3A_289 : vector<1x16xi32> to vector<16xi32>
    %swap3A_291 = vector.shape_cast %shift_right_logical3A_285 : vector<16xi32> to vector<1x16xi32>
    tpu.vector_store %arg7[%swap3A_287, %swap3A_288], %swap3A_291 {strides = array<i32>} : memref<4x128xi32, #tpu.memory_space<vmem>>, vector<1x16xi32>,
    %get3A_292 = arith.constant 1 : i32
    %get3A_293 = arith.index_cast %get3A_292 : i32 to index
    %get3A_294 = arith.constant 64 : index
    %get3A_295 = tpu.vector_load %arg5[%get3A_293, %get3A_294] {strides = array<i32>} : memref<80x128xi32, #tpu.memory_space<vmem>>, vector<1x16xi32>,
    %get3A_296 = vector.shape_cast %get3A_295 : vector<1x16xi32> to vector<16xi32>
    %and3A_297 = arith.constant 127 : i32
    %and3A_298 = vector.broadcast %and3A_297 : i32 to vector<16xi32>
    %and3A_299 = arith.andi %get3A_296, %and3A_298 : vector<16xi32>
    %swap3A_300 = arith.constant 1 : i32
    %swap3A_301 = arith.index_cast %swap3A_300 : i32 to index
    %swap3A_302 = arith.constant 64 : index
    %swap3A_303 = tpu.vector_load %arg6[%swap3A_301, %swap3A_302] {strides = array<i32>} : memref<4x128xi32, #tpu.memory_space<vmem>>, vector<1x16xi32>,
    %swap3A_304 = vector.shape_cast %swap3A_303 : vector<1x16xi32> to vector<16xi32>
    %swap3A_305 = vector.shape_cast %and3A_299 : vector<16xi32> to vector<1x16xi32>
    tpu.vector_store %arg6[%swap3A_301, %swap3A_302], %swap3A_305 {strides = array<i32>} : memref<4x128xi32, #tpu.memory_space<vmem>>, vector<1x16xi32>,
    %shift_right_logical3A_306 = arith.constant 7 : i32
    %shift_right_logical3A_307 = vector.broadcast %shift_right_logical3A_306 : i32 to vector<16xi32>
    %shift_right_logical3A_308 = arith.shrui %get3A_296, %shift_right_logical3A_307 : vector<16xi32>
    %swap3A_309 = arith.constant 1 : i32
    %swap3A_310 = arith.index_cast %swap3A_309 : i32 to index
    %swap3A_311 = arith.constant 64 : index
    %swap3A_312 = tpu.vector_load %arg7[%swap3A_310, %swap3A_311] {strides = array<i32>} : memref<4x128xi32, #tpu.memory_space<vmem>>, vector<1x16xi32>,
    %swap3A_313 = vector.shape_cast %swap3A_312 : vector<1x16xi32> to vector<16xi32>
    %swap3A_314 = vector.shape_cast %shift_right_logical3A_308 : vector<16xi32> to vector<1x16xi32>
    tpu.vector_store %arg7[%swap3A_310, %swap3A_311], %swap3A_314 {strides = array<i32>} : memref<4x128xi32, #tpu.memory_space<vmem>>, vector<1x16xi32>,
    %get3A_315 = arith.constant 1 : i32
    %get3A_316 = arith.index_cast %get3A_315 : i32 to index
    %get3A_317 = arith.constant 80 : index
    %get3A_318 = tpu.vector_load %arg5[%get3A_316, %get3A_317] {strides = array<i32>} : memref<80x128xi32, #tpu.memory_space<vmem>>, vector<1x16xi32>,
    %get3A_319 = vector.shape_cast %get3A_318 : vector<1x16xi32> to vector<16xi32>
    %and3A_320 = arith.constant 127 : i32
    %and3A_321 = vector.broadcast %and3A_320 : i32 to vector<16xi32>
    %and3A_322 = arith.andi %get3A_319, %and3A_321 : vector<16xi32>
    %swap3A_323 = arith.constant 1 : i32
    %swap3A_324 = arith.index_cast %swap3A_323 : i32 to index
    %swap3A_325 = arith.constant 80 : index
    %swap3A_326 = tpu.vector_load %arg6[%swap3A_324, %swap3A_325] {strides = array<i32>} : memref<4x128xi32, #tpu.memory_space<vmem>>, vector<1x16xi32>,
    %swap3A_327 = vector.shape_cast %swap3A_326 : vector<1x16xi32> to vector<16xi32>
    %swap3A_328 = vector.shape_cast %and3A_322 : vector<16xi32> to vector<1x16xi32>
    tpu.vector_store %arg6[%swap3A_324, %swap3A_325], %swap3A_328 {strides = array<i32>} : memref<4x128xi32, #tpu.memory_space<vmem>>, vector<1x16xi32>,
    %shift_right_logical3A_329 = arith.constant 7 : i32
    %shift_right_logical3A_330 = vector.broadcast %shift_right_logical3A_329 : i32 to vector<16xi32>
    %shift_right_logical3A_331 = arith.shrui %get3A_319, %shift_right_logical3A_330 : vector<16xi32>
    %swap3A_332 = arith.constant 1 : i32
    %swap3A_333 = arith.index_cast %swap3A_332 : i32 to index
    %swap3A_334 = arith.constant 80 : index
    %swap3A_335 = tpu.vector_load %arg7[%swap3A_333, %swap3A_334] {strides = array<i32>} : memref<4x128xi32, #tpu.memory_space<vmem>>, vector<1x16xi32>,
    %swap3A_336 = vector.shape_cast %swap3A_335 : vector<1x16xi32> to vector<16xi32>
    %swap3A_337 = vector.shape_cast %shift_right_logical3A_331 : vector<16xi32> to vector<1x16xi32>
    tpu.vector_store %arg7[%swap3A_333, %swap3A_334], %swap3A_337 {strides = array<i32>} : memref<4x128xi32, #tpu.memory_space<vmem>>, vector<1x16xi32>,
    %get3A_338 = arith.constant 1 : i32
    %get3A_339 = arith.index_cast %get3A_338 : i32 to index
    %get3A_340 = arith.constant 96 : index
    %get3A_341 = tpu.vector_load %arg5[%get3A_339, %get3A_340] {strides = array<i32>} : memref<80x128xi32, #tpu.memory_space<vmem>>, vector<1x16xi32>,
    %get3A_342 = vector.shape_cast %get3A_341 : vector<1x16xi32> to vector<16xi32>
    %and3A_343 = arith.constant 127 : i32
    %and3A_344 = vector.broadcast %and3A_343 : i32 to vector<16xi32>
    %and3A_345 = arith.andi %get3A_342, %and3A_344 : vector<16xi32>
    %swap3A_346 = arith.constant 1 : i32
    %swap3A_347 = arith.index_cast %swap3A_346 : i32 to index
    %swap3A_348 = arith.constant 96 : index
    %swap3A_349 = tpu.vector_load %arg6[%swap3A_347, %swap3A_348] {strides = array<i32>} : memref<4x128xi32, #tpu.memory_space<vmem>>, vector<1x16xi32>,
    %swap3A_350 = vector.shape_cast %swap3A_349 : vector<1x16xi32> to vector<16xi32>
    %swap3A_351 = vector.shape_cast %and3A_345 : vector<16xi32> to vector<1x16xi32>
    tpu.vector_store %arg6[%swap3A_347, %swap3A_348], %swap3A_351 {strides = array<i32>} : memref<4x128xi32, #tpu.memory_space<vmem>>, vector<1x16xi32>,
    %shift_right_logical3A_352 = arith.constant 7 : i32
    %shift_right_logical3A_353 = vector.broadcast %shift_right_logical3A_352 : i32 to vector<16xi32>
    %shift_right_logical3A_354 = arith.shrui %get3A_342, %shift_right_logical3A_353 : vector<16xi32>
    %swap3A_355 = arith.constant 1 : i32
    %swap3A_356 = arith.index_cast %swap3A_355 : i32 to index
    %swap3A_357 = arith.constant 96 : index
    %swap3A_358 = tpu.vector_load %arg7[%swap3A_356, %swap3A_357] {strides = array<i32>} : memref<4x128xi32, #tpu.memory_space<vmem>>, vector<1x16xi32>,
    %swap3A_359 = vector.shape_cast %swap3A_358 : vector<1x16xi32> to vector<16xi32>
    %swap3A_360 = vector.shape_cast %shift_right_logical3A_354 : vector<16xi32> to vector<1x16xi32>
    tpu.vector_store %arg7[%swap3A_356, %swap3A_357], %swap3A_360 {strides = array<i32>} : memref<4x128xi32, #tpu.memory_space<vmem>>, vector<1x16xi32>,
    %get3A_361 = arith.constant 1 : i32
    %get3A_362 = arith.index_cast %get3A_361 : i32 to index
    %get3A_363 = arith.constant 112 : index
    %get3A_364 = tpu.vector_load %arg5[%get3A_362, %get3A_363] {strides = array<i32>} : memref<80x128xi32, #tpu.memory_space<vmem>>, vector<1x16xi32>,
    %get3A_365 = vector.shape_cast %get3A_364 : vector<1x16xi32> to vector<16xi32>
    %and3A_366 = arith.constant 127 : i32
    %and3A_367 = vector.broadcast %and3A_366 : i32 to vector<16xi32>
    %and3A_368 = arith.andi %get3A_365, %and3A_367 : vector<16xi32>
    %swap3A_369 = arith.constant 1 : i32
    %swap3A_370 = arith.index_cast %swap3A_369 : i32 to index
    %swap3A_371 = arith.constant 112 : index
    %swap3A_372 = tpu.vector_load %arg6[%swap3A_370, %swap3A_371] {strides = array<i32>} : memref<4x128xi32, #tpu.memory_space<vmem>>, vector<1x16xi32>,
    %swap3A_373 = vector.shape_cast %swap3A_372 : vector<1x16xi32> to vector<16xi32>
    %swap3A_374 = vector.shape_cast %and3A_368 : vector<16xi32> to vector<1x16xi32>
    tpu.vector_store %arg6[%swap3A_370, %swap3A_371], %swap3A_374 {strides = array<i32>} : memref<4x128xi32, #tpu.memory_space<vmem>>, vector<1x16xi32>,
    %shift_right_logical3A_375 = arith.constant 7 : i32
    %shift_right_logical3A_376 = vector.broadcast %shift_right_logical3A_375 : i32 to vector<16xi32>
    %shift_right_logical3A_377 = arith.shrui %get3A_365, %shift_right_logical3A_376 : vector<16xi32>
    %swap3A_378 = arith.constant 1 : i32
    %swap3A_379 = arith.index_cast %swap3A_378 : i32 to index
    %swap3A_380 = arith.constant 112 : index
    %swap3A_381 = tpu.vector_load %arg7[%swap3A_379, %swap3A_380] {strides = array<i32>} : memref<4x128xi32, #tpu.memory_space<vmem>>, vector<1x16xi32>,
    %swap3A_382 = vector.shape_cast %swap3A_381 : vector<1x16xi32> to vector<16xi32>
    %swap3A_383 = vector.shape_cast %shift_right_logical3A_377 : vector<16xi32> to vector<1x16xi32>
    tpu.vector_store %arg7[%swap3A_379, %swap3A_380], %swap3A_383 {strides = array<i32>} : memref<4x128xi32, #tpu.memory_space<vmem>>, vector<1x16xi32>,
    %dma_start3A_384 = arith.constant 1 : i32
    %dma_start3A_385 = arith.constant 0 : i32
    %dma_start3A_386 = tpu.memref_slice %arg6[%dma_start3A_384, %dma_start3A_385] : memref<4x128xi32, #tpu.memory_space<vmem>> -> memref<1x128xi32, #tpu.memory_space<vmem>>
    %dma_start3A_387 = tpu.memref_squeeze %dma_start3A_386 : memref<1x128xi32, #tpu.memory_space<vmem>> -> memref<128xi32, #tpu.memory_space<vmem>>
    %dma_start3A_388 = arith.constant 0 : i32
    %dma_start3A_389 = arith.constant 0 : i32
    %dma_start3A_390 = tpu.memref_slice %arg13[%dma_start3A_388, %dma_start3A_389] : memref<128x128xf32, #tpu.memory_space<vmem_shared>> -> memref<128x128xf32, #tpu.memory_space<vmem_shared>>
    tpu.enqueue_indirect_dma source(%dma_start3A_390 : memref<128x128xf32, #tpu.memory_space<vmem_shared>>) target(%arg9 : memref<128x128xf32, #tpu.memory_space<vmem>>) offsets(%dma_start3A_387 : memref<128xi32, #tpu.memory_space<vmem>>) semaphore(%arg16 : memref<!tpu.dma_semaphore, #tpu.memory_space<semaphore_mem>>)
    %get3A_391 = arith.constant 2 : i32
    %get3A_392 = arith.index_cast %get3A_391 : i32 to index
    %get3A_393 = arith.constant 0 : index
    %get3A_394 = tpu.vector_load %arg5[%get3A_392, %get3A_393] {strides = array<i32>} : memref<80x128xi32, #tpu.memory_space<vmem>>, vector<1x16xi32>,
    %get3A_395 = vector.shape_cast %get3A_394 : vector<1x16xi32> to vector<16xi32>
    %and3A_396 = arith.constant 127 : i32
    %and3A_397 = vector.broadcast %and3A_396 : i32 to vector<16xi32>
    %and3A_398 = arith.andi %get3A_395, %and3A_397 : vector<16xi32>
    %swap3A_399 = arith.constant 2 : i32
    %swap3A_400 = arith.index_cast %swap3A_399 : i32 to index
    %swap3A_401 = arith.constant 0 : index
    %swap3A_402 = tpu.vector_load %arg6[%swap3A_400, %swap3A_401] {strides = array<i32>} : memref<4x128xi32, #tpu.memory_space<vmem>>, vector<1x16xi32>,
    %swap3A_403 = vector.shape_cast %swap3A_402 : vector<1x16xi32> to vector<16xi32>
    %swap3A_404 = vector.shape_cast %and3A_398 : vector<16xi32> to vector<1x16xi32>
    tpu.vector_store %arg6[%swap3A_400, %swap3A_401], %swap3A_404 {strides = array<i32>} : memref<4x128xi32, #tpu.memory_space<vmem>>, vector<1x16xi32>,
    %shift_right_logical3A_405 = arith.constant 7 : i32
    %shift_right_logical3A_406 = vector.broadcast %shift_right_logical3A_405 : i32 to vector<16xi32>
    %shift_right_logical3A_407 = arith.shrui %get3A_395, %shift_right_logical3A_406 : vector<16xi32>
    %swap3A_408 = arith.constant 2 : i32
    %swap3A_409 = arith.index_cast %swap3A_408 : i32 to index
    %swap3A_410 = arith.constant 0 : index
    %swap3A_411 = tpu.vector_load %arg7[%swap3A_409, %swap3A_410] {strides = array<i32>} : memref<4x128xi32, #tpu.memory_space<vmem>>, vector<1x16xi32>,
    %swap3A_412 = vector.shape_cast %swap3A_411 : vector<1x16xi32> to vector<16xi32>
    %swap3A_413 = vector.shape_cast %shift_right_logical3A_407 : vector<16xi32> to vector<1x16xi32>
    tpu.vector_store %arg7[%swap3A_409, %swap3A_410], %swap3A_413 {strides = array<i32>} : memref<4x128xi32, #tpu.memory_space<vmem>>, vector<1x16xi32>,
    %get3A_414 = arith.constant 2 : i32
    %get3A_415 = arith.index_cast %get3A_414 : i32 to index
    %get3A_416 = arith.constant 16 : index
    %get3A_417 = tpu.vector_load %arg5[%get3A_415, %get3A_416] {strides = array<i32>} : memref<80x128xi32, #tpu.memory_space<vmem>>, vector<1x16xi32>,
    %get3A_418 = vector.shape_cast %get3A_417 : vector<1x16xi32> to vector<16xi32>
    %and3A_419 = arith.constant 127 : i32
    %and3A_420 = vector.broadcast %and3A_419 : i32 to vector<16xi32>
    %and3A_421 = arith.andi %get3A_418, %and3A_420 : vector<16xi32>
    %swap3A_422 = arith.constant 2 : i32
    %swap3A_423 = arith.index_cast %swap3A_422 : i32 to index
    %swap3A_424 = arith.constant 16 : index
    %swap3A_425 = tpu.vector_load %arg6[%swap3A_423, %swap3A_424] {strides = array<i32>} : memref<4x128xi32, #tpu.memory_space<vmem>>, vector<1x16xi32>,
    %swap3A_426 = vector.shape_cast %swap3A_425 : vector<1x16xi32> to vector<16xi32>
    %swap3A_427 = vector.shape_cast %and3A_421 : vector<16xi32> to vector<1x16xi32>
    tpu.vector_store %arg6[%swap3A_423, %swap3A_424], %swap3A_427 {strides = array<i32>} : memref<4x128xi32, #tpu.memory_space<vmem>>, vector<1x16xi32>,
    %shift_right_logical3A_428 = arith.constant 7 : i32
    %shift_right_logical3A_429 = vector.broadcast %shift_right_logical3A_428 : i32 to vector<16xi32>
    %shift_right_logical3A_430 = arith.shrui %get3A_418, %shift_right_logical3A_429 : vector<16xi32>
    %swap3A_431 = arith.constant 2 : i32
    %swap3A_432 = arith.index_cast %swap3A_431 : i32 to index
    %swap3A_433 = arith.constant 16 : index
    %swap3A_434 = tpu.vector_load %arg7[%swap3A_432, %swap3A_433] {strides = array<i32>} : memref<4x128xi32, #tpu.memory_space<vmem>>, vector<1x16xi32>,
    %swap3A_435 = vector.shape_cast %swap3A_434 : vector<1x16xi32> to vector<16xi32>
    %swap3A_436 = vector.shape_cast %shift_right_logical3A_430 : vector<16xi32> to vector<1x16xi32>
    tpu.vector_store %arg7[%swap3A_432, %swap3A_433], %swap3A_436 {strides = array<i32>} : memref<4x128xi32, #tpu.memory_space<vmem>>, vector<1x16xi32>,
    %get3A_437 = arith.constant 2 : i32
    %get3A_438 = arith.index_cast %get3A_437 : i32 to index
    %get3A_439 = arith.constant 32 : index
    %get3A_440 = tpu.vector_load %arg5[%get3A_438, %get3A_439] {strides = array<i32>} : memref<80x128xi32, #tpu.memory_space<vmem>>, vector<1x16xi32>,
    %get3A_441 = vector.shape_cast %get3A_440 : vector<1x16xi32> to vector<16xi32>
    %and3A_442 = arith.constant 127 : i32
    %and3A_443 = vector.broadcast %and3A_442 : i32 to vector<16xi32>
    %and3A_444 = arith.andi %get3A_441, %and3A_443 : vector<16xi32>
    %swap3A_445 = arith.constant 2 : i32
    %swap3A_446 = arith.index_cast %swap3A_445 : i32 to index
    %swap3A_447 = arith.constant 32 : index
    %swap3A_448 = tpu.vector_load %arg6[%swap3A_446, %swap3A_447] {strides = array<i32>} : memref<4x128xi32, #tpu.memory_space<vmem>>, vector<1x16xi32>,
    %swap3A_449 = vector.shape_cast %swap3A_448 : vector<1x16xi32> to vector<16xi32>
    %swap3A_450 = vector.shape_cast %and3A_444 : vector<16xi32> to vector<1x16xi32>
    tpu.vector_store %arg6[%swap3A_446, %swap3A_447], %swap3A_450 {strides = array<i32>} : memref<4x128xi32, #tpu.memory_space<vmem>>, vector<1x16xi32>,
    %shift_right_logical3A_451 = arith.constant 7 : i32
    %shift_right_logical3A_452 = vector.broadcast %shift_right_logical3A_451 : i32 to vector<16xi32>
    %shift_right_logical3A_453 = arith.shrui %get3A_441, %shift_right_logical3A_452 : vector<16xi32>
    %swap3A_454 = arith.constant 2 : i32
    %swap3A_455 = arith.index_cast %swap3A_454 : i32 to index
    %swap3A_456 = arith.constant 32 : index
    %swap3A_457 = tpu.vector_load %arg7[%swap3A_455, %swap3A_456] {strides = array<i32>} : memref<4x128xi32, #tpu.memory_space<vmem>>, vector<1x16xi32>,
    %swap3A_458 = vector.shape_cast %swap3A_457 : vector<1x16xi32> to vector<16xi32>
    %swap3A_459 = vector.shape_cast %shift_right_logical3A_453 : vector<16xi32> to vector<1x16xi32>
    tpu.vector_store %arg7[%swap3A_455, %swap3A_456], %swap3A_459 {strides = array<i32>} : memref<4x128xi32, #tpu.memory_space<vmem>>, vector<1x16xi32>,
    %get3A_460 = arith.constant 2 : i32
    %get3A_461 = arith.index_cast %get3A_460 : i32 to index
    %get3A_462 = arith.constant 48 : index
    %get3A_463 = tpu.vector_load %arg5[%get3A_461, %get3A_462] {strides = array<i32>} : memref<80x128xi32, #tpu.memory_space<vmem>>, vector<1x16xi32>,
    %get3A_464 = vector.shape_cast %get3A_463 : vector<1x16xi32> to vector<16xi32>
    %and3A_465 = arith.constant 127 : i32
    %and3A_466 = vector.broadcast %and3A_465 : i32 to vector<16xi32>
    %and3A_467 = arith.andi %get3A_464, %and3A_466 : vector<16xi32>
    %swap3A_468 = arith.constant 2 : i32
    %swap3A_469 = arith.index_cast %swap3A_468 : i32 to index
    %swap3A_470 = arith.constant 48 : index
    %swap3A_471 = tpu.vector_load %arg6[%swap3A_469, %swap3A_470] {strides = array<i32>} : memref<4x128xi32, #tpu.memory_space<vmem>>, vector<1x16xi32>,
    %swap3A_472 = vector.shape_cast %swap3A_471 : vector<1x16xi32> to vector<16xi32>
    %swap3A_473 = vector.shape_cast %and3A_467 : vector<16xi32> to vector<1x16xi32>
    tpu.vector_store %arg6[%swap3A_469, %swap3A_470], %swap3A_473 {strides = array<i32>} : memref<4x128xi32, #tpu.memory_space<vmem>>, vector<1x16xi32>,
    %shift_right_logical3A_474 = arith.constant 7 : i32
    %shift_right_logical3A_475 = vector.broadcast %shift_right_logical3A_474 : i32 to vector<16xi32>
    %shift_right_logical3A_476 = arith.shrui %get3A_464, %shift_right_logical3A_475 : vector<16xi32>
    %swap3A_477 = arith.constant 2 : i32
    %swap3A_478 = arith.index_cast %swap3A_477 : i32 to index
    %swap3A_479 = arith.constant 48 : index
    %swap3A_480 = tpu.vector_load %arg7[%swap3A_478, %swap3A_479] {strides = array<i32>} : memref<4x128xi32, #tpu.memory_space<vmem>>, vector<1x16xi32>,
    %swap3A_481 = vector.shape_cast %swap3A_480 : vector<1x16xi32> to vector<16xi32>
    %swap3A_482 = vector.shape_cast %shift_right_logical3A_476 : vector<16xi32> to vector<1x16xi32>
    tpu.vector_store %arg7[%swap3A_478, %swap3A_479], %swap3A_482 {strides = array<i32>} : memref<4x128xi32, #tpu.memory_space<vmem>>, vector<1x16xi32>,
    %get3A_483 = arith.constant 2 : i32
    %get3A_484 = arith.index_cast %get3A_483 : i32 to index
    %get3A_485 = arith.constant 64 : index
    %get3A_486 = tpu.vector_load %arg5[%get3A_484, %get3A_485] {strides = array<i32>} : memref<80x128xi32, #tpu.memory_space<vmem>>, vector<1x16xi32>,
    %get3A_487 = vector.shape_cast %get3A_486 : vector<1x16xi32> to vector<16xi32>
    %and3A_488 = arith.constant 127 : i32
    %and3A_489 = vector.broadcast %and3A_488 : i32 to vector<16xi32>
    %and3A_490 = arith.andi %get3A_487, %and3A_489 : vector<16xi32>
    %swap3A_491 = arith.constant 2 : i32
    %swap3A_492 = arith.index_cast %swap3A_491 : i32 to index
    %swap3A_493 = arith.constant 64 : index
    %swap3A_494 = tpu.vector_load %arg6[%swap3A_492, %swap3A_493] {strides = array<i32>} : memref<4x128xi32, #tpu.memory_space<vmem>>, vector<1x16xi32>,
    %swap3A_495 = vector.shape_cast %swap3A_494 : vector<1x16xi32> to vector<16xi32>
    %swap3A_496 = vector.shape_cast %and3A_490 : vector<16xi32> to vector<1x16xi32>
    tpu.vector_store %arg6[%swap3A_492, %swap3A_493], %swap3A_496 {strides = array<i32>} : memref<4x128xi32, #tpu.memory_space<vmem>>, vector<1x16xi32>,
    %shift_right_logical3A_497 = arith.constant 7 : i32
    %shift_right_logical3A_498 = vector.broadcast %shift_right_logical3A_497 : i32 to vector<16xi32>
    %shift_right_logical3A_499 = arith.shrui %get3A_487, %shift_right_logical3A_498 : vector<16xi32>
    %swap3A_500 = arith.constant 2 : i32
    %swap3A_501 = arith.index_cast %swap3A_500 : i32 to index
    %swap3A_502 = arith.constant 64 : index
    %swap3A_503 = tpu.vector_load %arg7[%swap3A_501, %swap3A_502] {strides = array<i32>} : memref<4x128xi32, #tpu.memory_space<vmem>>, vector<1x16xi32>,
    %swap3A_504 = vector.shape_cast %swap3A_503 : vector<1x16xi32> to vector<16xi32>
    %swap3A_505 = vector.shape_cast %shift_right_logical3A_499 : vector<16xi32> to vector<1x16xi32>
    tpu.vector_store %arg7[%swap3A_501, %swap3A_502], %swap3A_505 {strides = array<i32>} : memref<4x128xi32, #tpu.memory_space<vmem>>, vector<1x16xi32>,
    %get3A_506 = arith.constant 2 : i32
    %get3A_507 = arith.index_cast %get3A_506 : i32 to index
    %get3A_508 = arith.constant 80 : index
    %get3A_509 = tpu.vector_load %arg5[%get3A_507, %get3A_508] {strides = array<i32>} : memref<80x128xi32, #tpu.memory_space<vmem>>, vector<1x16xi32>,
    %get3A_510 = vector.shape_cast %get3A_509 : vector<1x16xi32> to vector<16xi32>
    %and3A_511 = arith.constant 127 : i32
    %and3A_512 = vector.broadcast %and3A_511 : i32 to vector<16xi32>
    %and3A_513 = arith.andi %get3A_510, %and3A_512 : vector<16xi32>
    %swap3A_514 = arith.constant 2 : i32
    %swap3A_515 = arith.index_cast %swap3A_514 : i32 to index
    %swap3A_516 = arith.constant 80 : index
    %swap3A_517 = tpu.vector_load %arg6[%swap3A_515, %swap3A_516] {strides = array<i32>} : memref<4x128xi32, #tpu.memory_space<vmem>>, vector<1x16xi32>,
    %swap3A_518 = vector.shape_cast %swap3A_517 : vector<1x16xi32> to vector<16xi32>
    %swap3A_519 = vector.shape_cast %and3A_513 : vector<16xi32> to vector<1x16xi32>
    tpu.vector_store %arg6[%swap3A_515, %swap3A_516], %swap3A_519 {strides = array<i32>} : memref<4x128xi32, #tpu.memory_space<vmem>>, vector<1x16xi32>,
    %shift_right_logical3A_520 = arith.constant 7 : i32
    %shift_right_logical3A_521 = vector.broadcast %shift_right_logical3A_520 : i32 to vector<16xi32>
    %shift_right_logical3A_522 = arith.shrui %get3A_510, %shift_right_logical3A_521 : vector<16xi32>
    %swap3A_523 = arith.constant 2 : i32
    %swap3A_524 = arith.index_cast %swap3A_523 : i32 to index
    %swap3A_525 = arith.constant 80 : index
    %swap3A_526 = tpu.vector_load %arg7[%swap3A_524, %swap3A_525] {strides = array<i32>} : memref<4x128xi32, #tpu.memory_space<vmem>>, vector<1x16xi32>,
    %swap3A_527 = vector.shape_cast %swap3A_526 : vector<1x16xi32> to vector<16xi32>
    %swap3A_528 = vector.shape_cast %shift_right_logical3A_522 : vector<16xi32> to vector<1x16xi32>
    tpu.vector_store %arg7[%swap3A_524, %swap3A_525], %swap3A_528 {strides = array<i32>} : memref<4x128xi32, #tpu.memory_space<vmem>>, vector<1x16xi32>,
    %get3A_529 = arith.constant 2 : i32
    %get3A_530 = arith.index_cast %get3A_529 : i32 to index
    %get3A_531 = arith.constant 96 : index
    %get3A_532 = tpu.vector_load %arg5[%get3A_530, %get3A_531] {strides = array<i32>} : memref<80x128xi32, #tpu.memory_space<vmem>>, vector<1x16xi32>,
    %get3A_533 = vector.shape_cast %get3A_532 : vector<1x16xi32> to vector<16xi32>
    %and3A_534 = arith.constant 127 : i32
    %and3A_535 = vector.broadcast %and3A_534 : i32 to vector<16xi32>
    %and3A_536 = arith.andi %get3A_533, %and3A_535 : vector<16xi32>
    %swap3A_537 = arith.constant 2 : i32
    %swap3A_538 = arith.index_cast %swap3A_537 : i32 to index
    %swap3A_539 = arith.constant 96 : index
    %swap3A_540 = tpu.vector_load %arg6[%swap3A_538, %swap3A_539] {strides = array<i32>} : memref<4x128xi32, #tpu.memory_space<vmem>>, vector<1x16xi32>,
    %swap3A_541 = vector.shape_cast %swap3A_540 : vector<1x16xi32> to vector<16xi32>
    %swap3A_542 = vector.shape_cast %and3A_536 : vector<16xi32> to vector<1x16xi32>
    tpu.vector_store %arg6[%swap3A_538, %swap3A_539], %swap3A_542 {strides = array<i32>} : memref<4x128xi32, #tpu.memory_space<vmem>>, vector<1x16xi32>,
    %shift_right_logical3A_543 = arith.constant 7 : i32
    %shift_right_logical3A_544 = vector.broadcast %shift_right_logical3A_543 : i32 to vector<16xi32>
    %shift_right_logical3A_545 = arith.shrui %get3A_533, %shift_right_logical3A_544 : vector<16xi32>
    %swap3A_546 = arith.constant 2 : i32
    %swap3A_547 = arith.index_cast %swap3A_546 : i32 to index
    %swap3A_548 = arith.constant 96 : index
    %swap3A_549 = tpu.vector_load %arg7[%swap3A_547, %swap3A_548] {strides = array<i32>} : memref<4x128xi32, #tpu.memory_space<vmem>>, vector<1x16xi32>,
    %swap3A_550 = vector.shape_cast %swap3A_549 : vector<1x16xi32> to vector<16xi32>
    %swap3A_551 = vector.shape_cast %shift_right_logical3A_545 : vector<16xi32> to vector<1x16xi32>
    tpu.vector_store %arg7[%swap3A_547, %swap3A_548], %swap3A_551 {strides = array<i32>} : memref<4x128xi32, #tpu.memory_space<vmem>>, vector<1x16xi32>,
    %get3A_552 = arith.constant 2 : i32
    %get3A_553 = arith.index_cast %get3A_552 : i32 to index
    %get3A_554 = arith.constant 112 : index
    %get3A_555 = tpu.vector_load %arg5[%get3A_553, %get3A_554] {strides = array<i32>} : memref<80x128xi32, #tpu.memory_space<vmem>>, vector<1x16xi32>,
    %get3A_556 = vector.shape_cast %get3A_555 : vector<1x16xi32> to vector<16xi32>
    %and3A_557 = arith.constant 127 : i32
    %and3A_558 = vector.broadcast %and3A_557 : i32 to vector<16xi32>
    %and3A_559 = arith.andi %get3A_556, %and3A_558 : vector<16xi32>
    %swap3A_560 = arith.constant 2 : i32
    %swap3A_561 = arith.index_cast %swap3A_560 : i32 to index
    %swap3A_562 = arith.constant 112 : index
    %swap3A_563 = tpu.vector_load %arg6[%swap3A_561, %swap3A_562] {strides = array<i32>} : memref<4x128xi32, #tpu.memory_space<vmem>>, vector<1x16xi32>,
    %swap3A_564 = vector.shape_cast %swap3A_563 : vector<1x16xi32> to vector<16xi32>
    %swap3A_565 = vector.shape_cast %and3A_559 : vector<16xi32> to vector<1x16xi32>
    tpu.vector_store %arg6[%swap3A_561, %swap3A_562], %swap3A_565 {strides = array<i32>} : memref<4x128xi32, #tpu.memory_space<vmem>>, vector<1x16xi32>,
    %shift_right_logical3A_566 = arith.constant 7 : i32
    %shift_right_logical3A_567 = vector.broadcast %shift_right_logical3A_566 : i32 to vector<16xi32>
    %shift_right_logical3A_568 = arith.shrui %get3A_556, %shift_right_logical3A_567 : vector<16xi32>
    %swap3A_569 = arith.constant 2 : i32
    %swap3A_570 = arith.index_cast %swap3A_569 : i32 to index
    %swap3A_571 = arith.constant 112 : index
    %swap3A_572 = tpu.vector_load %arg7[%swap3A_570, %swap3A_571] {strides = array<i32>} : memref<4x128xi32, #tpu.memory_space<vmem>>, vector<1x16xi32>,
    %swap3A_573 = vector.shape_cast %swap3A_572 : vector<1x16xi32> to vector<16xi32>
    %swap3A_574 = vector.shape_cast %shift_right_logical3A_568 : vector<16xi32> to vector<1x16xi32>
    tpu.vector_store %arg7[%swap3A_570, %swap3A_571], %swap3A_574 {strides = array<i32>} : memref<4x128xi32, #tpu.memory_space<vmem>>, vector<1x16xi32>,
    %dma_start3A_575 = arith.constant 2 : i32
    %dma_start3A_576 = arith.constant 0 : i32
    %dma_start3A_577 = tpu.memref_slice %arg6[%dma_start3A_575, %dma_start3A_576] : memref<4x128xi32, #tpu.memory_space<vmem>> -> memref<1x128xi32, #tpu.memory_space<vmem>>
    %dma_start3A_578 = tpu.memref_squeeze %dma_start3A_577 : memref<1x128xi32, #tpu.memory_space<vmem>> -> memref<128xi32, #tpu.memory_space<vmem>>
    %dma_start3A_579 = arith.constant 0 : i32
    %dma_start3A_580 = arith.constant 0 : i32
    %dma_start3A_581 = tpu.memref_slice %arg13[%dma_start3A_579, %dma_start3A_580] : memref<128x128xf32, #tpu.memory_space<vmem_shared>> -> memref<128x128xf32, #tpu.memory_space<vmem_shared>>
    tpu.enqueue_indirect_dma source(%dma_start3A_581 : memref<128x128xf32, #tpu.memory_space<vmem_shared>>) target(%arg10 : memref<128x128xf32, #tpu.memory_space<vmem>>) offsets(%dma_start3A_578 : memref<128xi32, #tpu.memory_space<vmem>>) semaphore(%arg17 : memref<!tpu.dma_semaphore, #tpu.memory_space<semaphore_mem>>)
    %get3A_582 = arith.constant 3 : i32
    %get3A_583 = arith.index_cast %get3A_582 : i32 to index
    %get3A_584 = arith.constant 0 : index
    %get3A_585 = tpu.vector_load %arg5[%get3A_583, %get3A_584] {strides = array<i32>} : memref<80x128xi32, #tpu.memory_space<vmem>>, vector<1x16xi32>,
    %get3A_586 = vector.shape_cast %get3A_585 : vector<1x16xi32> to vector<16xi32>
    %and3A_587 = arith.constant 127 : i32
    %and3A_588 = vector.broadcast %and3A_587 : i32 to vector<16xi32>
    %and3A_589 = arith.andi %get3A_586, %and3A_588 : vector<16xi32>
    %swap3A_590 = arith.constant 3 : i32
    %swap3A_591 = arith.index_cast %swap3A_590 : i32 to index
    %swap3A_592 = arith.constant 0 : index
    %swap3A_593 = tpu.vector_load %arg6[%swap3A_591, %swap3A_592] {strides = array<i32>} : memref<4x128xi32, #tpu.memory_space<vmem>>, vector<1x16xi32>,
    %swap3A_594 = vector.shape_cast %swap3A_593 : vector<1x16xi32> to vector<16xi32>
    %swap3A_595 = vector.shape_cast %and3A_589 : vector<16xi32> to vector<1x16xi32>
    tpu.vector_store %arg6[%swap3A_591, %swap3A_592], %swap3A_595 {strides = array<i32>} : memref<4x128xi32, #tpu.memory_space<vmem>>, vector<1x16xi32>,
    %shift_right_logical3A_596 = arith.constant 7 : i32
    %shift_right_logical3A_597 = vector.broadcast %shift_right_logical3A_596 : i32 to vector<16xi32>
    %shift_right_logical3A_598 = arith.shrui %get3A_586, %shift_right_logical3A_597 : vector<16xi32>
    %swap3A_599 = arith.constant 3 : i32
    %swap3A_600 = arith.index_cast %swap3A_599 : i32 to index
    %swap3A_601 = arith.constant 0 : index
    %swap3A_602 = tpu.vector_load %arg7[%swap3A_600, %swap3A_601] {strides = array<i32>} : memref<4x128xi32, #tpu.memory_space<vmem>>, vector<1x16xi32>,
    %swap3A_603 = vector.shape_cast %swap3A_602 : vector<1x16xi32> to vector<16xi32>
    %swap3A_604 = vector.shape_cast %shift_right_logical3A_598 : vector<16xi32> to vector<1x16xi32>
    tpu.vector_store %arg7[%swap3A_600, %swap3A_601], %swap3A_604 {strides = array<i32>} : memref<4x128xi32, #tpu.memory_space<vmem>>, vector<1x16xi32>,
    %get3A_605 = arith.constant 3 : i32
    %get3A_606 = arith.index_cast %get3A_605 : i32 to index
    %get3A_607 = arith.constant 16 : index
    %get3A_608 = tpu.vector_load %arg5[%get3A_606, %get3A_607] {strides = array<i32>} : memref<80x128xi32, #tpu.memory_space<vmem>>, vector<1x16xi32>,
    %get3A_609 = vector.shape_cast %get3A_608 : vector<1x16xi32> to vector<16xi32>
    %and3A_610 = arith.constant 127 : i32
    %and3A_611 = vector.broadcast %and3A_610 : i32 to vector<16xi32>
    %and3A_612 = arith.andi %get3A_609, %and3A_611 : vector<16xi32>
    %swap3A_613 = arith.constant 3 : i32
    %swap3A_614 = arith.index_cast %swap3A_613 : i32 to index
    %swap3A_615 = arith.constant 16 : index
    %swap3A_616 = tpu.vector_load %arg6[%swap3A_614, %swap3A_615] {strides = array<i32>} : memref<4x128xi32, #tpu.memory_space<vmem>>, vector<1x16xi32>,
    %swap3A_617 = vector.shape_cast %swap3A_616 : vector<1x16xi32> to vector<16xi32>
    %swap3A_618 = vector.shape_cast %and3A_612 : vector<16xi32> to vector<1x16xi32>
    tpu.vector_store %arg6[%swap3A_614, %swap3A_615], %swap3A_618 {strides = array<i32>} : memref<4x128xi32, #tpu.memory_space<vmem>>, vector<1x16xi32>,
    %shift_right_logical3A_619 = arith.constant 7 : i32
    %shift_right_logical3A_620 = vector.broadcast %shift_right_logical3A_619 : i32 to vector<16xi32>
    %shift_right_logical3A_621 = arith.shrui %get3A_609, %shift_right_logical3A_620 : vector<16xi32>
    %swap3A_622 = arith.constant 3 : i32
    %swap3A_623 = arith.index_cast %swap3A_622 : i32 to index
    %swap3A_624 = arith.constant 16 : index
    %swap3A_625 = tpu.vector_load %arg7[%swap3A_623, %swap3A_624] {strides = array<i32>} : memref<4x128xi32, #tpu.memory_space<vmem>>, vector<1x16xi32>,
    %swap3A_626 = vector.shape_cast %swap3A_625 : vector<1x16xi32> to vector<16xi32>
    %swap3A_627 = vector.shape_cast %shift_right_logical3A_621 : vector<16xi32> to vector<1x16xi32>
    tpu.vector_store %arg7[%swap3A_623, %swap3A_624], %swap3A_627 {strides = array<i32>} : memref<4x128xi32, #tpu.memory_space<vmem>>, vector<1x16xi32>,
    %get3A_628 = arith.constant 3 : i32
    %get3A_629 = arith.index_cast %get3A_628 : i32 to index
    %get3A_630 = arith.constant 32 : index
    %get3A_631 = tpu.vector_load %arg5[%get3A_629, %get3A_630] {strides = array<i32>} : memref<80x128xi32, #tpu.memory_space<vmem>>, vector<1x16xi32>,
    %get3A_632 = vector.shape_cast %get3A_631 : vector<1x16xi32> to vector<16xi32>
    %and3A_633 = arith.constant 127 : i32
    %and3A_634 = vector.broadcast %and3A_633 : i32 to vector<16xi32>
    %and3A_635 = arith.andi %get3A_632, %and3A_634 : vector<16xi32>
    %swap3A_636 = arith.constant 3 : i32
    %swap3A_637 = arith.index_cast %swap3A_636 : i32 to index
    %swap3A_638 = arith.constant 32 : index
    %swap3A_639 = tpu.vector_load %arg6[%swap3A_637, %swap3A_638] {strides = array<i32>} : memref<4x128xi32, #tpu.memory_space<vmem>>, vector<1x16xi32>,
    %swap3A_640 = vector.shape_cast %swap3A_639 : vector<1x16xi32> to vector<16xi32>
    %swap3A_641 = vector.shape_cast %and3A_635 : vector<16xi32> to vector<1x16xi32>
    tpu.vector_store %arg6[%swap3A_637, %swap3A_638], %swap3A_641 {strides = array<i32>} : memref<4x128xi32, #tpu.memory_space<vmem>>, vector<1x16xi32>,
    %shift_right_logical3A_642 = arith.constant 7 : i32
    %shift_right_logical3A_643 = vector.broadcast %shift_right_logical3A_642 : i32 to vector<16xi32>
    %shift_right_logical3A_644 = arith.shrui %get3A_632, %shift_right_logical3A_643 : vector<16xi32>
    %swap3A_645 = arith.constant 3 : i32
    %swap3A_646 = arith.index_cast %swap3A_645 : i32 to index
    %swap3A_647 = arith.constant 32 : index
    %swap3A_648 = tpu.vector_load %arg7[%swap3A_646, %swap3A_647] {strides = array<i32>} : memref<4x128xi32, #tpu.memory_space<vmem>>, vector<1x16xi32>,
    %swap3A_649 = vector.shape_cast %swap3A_648 : vector<1x16xi32> to vector<16xi32>
    %swap3A_650 = vector.shape_cast %shift_right_logical3A_644 : vector<16xi32> to vector<1x16xi32>
    tpu.vector_store %arg7[%swap3A_646, %swap3A_647], %swap3A_650 {strides = array<i32>} : memref<4x128xi32, #tpu.memory_space<vmem>>, vector<1x16xi32>,
    %get3A_651 = arith.constant 3 : i32
    %get3A_652 = arith.index_cast %get3A_651 : i32 to index
    %get3A_653 = arith.constant 48 : index
    %get3A_654 = tpu.vector_load %arg5[%get3A_652, %get3A_653] {strides = array<i32>} : memref<80x128xi32, #tpu.memory_space<vmem>>, vector<1x16xi32>,
    %get3A_655 = vector.shape_cast %get3A_654 : vector<1x16xi32> to vector<16xi32>
    %and3A_656 = arith.constant 127 : i32
    %and3A_657 = vector.broadcast %and3A_656 : i32 to vector<16xi32>
    %and3A_658 = arith.andi %get3A_655, %and3A_657 : vector<16xi32>
    %swap3A_659 = arith.constant 3 : i32
    %swap3A_660 = arith.index_cast %swap3A_659 : i32 to index
    %swap3A_661 = arith.constant 48 : index
    %swap3A_662 = tpu.vector_load %arg6[%swap3A_660, %swap3A_661] {strides = array<i32>} : memref<4x128xi32, #tpu.memory_space<vmem>>, vector<1x16xi32>,
    %swap3A_663 = vector.shape_cast %swap3A_662 : vector<1x16xi32> to vector<16xi32>
    %swap3A_664 = vector.shape_cast %and3A_658 : vector<16xi32> to vector<1x16xi32>
    tpu.vector_store %arg6[%swap3A_660, %swap3A_661], %swap3A_664 {strides = array<i32>} : memref<4x128xi32, #tpu.memory_space<vmem>>, vector<1x16xi32>,
    %shift_right_logical3A_665 = arith.constant 7 : i32
    %shift_right_logical3A_666 = vector.broadcast %shift_right_logical3A_665 : i32 to vector<16xi32>
    %shift_right_logical3A_667 = arith.shrui %get3A_655, %shift_right_logical3A_666 : vector<16xi32>
    %swap3A_668 = arith.constant 3 : i32
    %swap3A_669 = arith.index_cast %swap3A_668 : i32 to index
    %swap3A_670 = arith.constant 48 : index
    %swap3A_671 = tpu.vector_load %arg7[%swap3A_669, %swap3A_670] {strides = array<i32>} : memref<4x128xi32, #tpu.memory_space<vmem>>, vector<1x16xi32>,
    %swap3A_672 = vector.shape_cast %swap3A_671 : vector<1x16xi32> to vector<16xi32>
    %swap3A_673 = vector.shape_cast %shift_right_logical3A_667 : vector<16xi32> to vector<1x16xi32>
    tpu.vector_store %arg7[%swap3A_669, %swap3A_670], %swap3A_673 {strides = array<i32>} : memref<4x128xi32, #tpu.memory_space<vmem>>, vector<1x16xi32>,
    %get3A_674 = arith.constant 3 : i32
    %get3A_675 = arith.index_cast %get3A_674 : i32 to index
    %get3A_676 = arith.constant 64 : index
    %get3A_677 = tpu.vector_load %arg5[%get3A_675, %get3A_676] {strides = array<i32>} : memref<80x128xi32, #tpu.memory_space<vmem>>, vector<1x16xi32>,
    %get3A_678 = vector.shape_cast %get3A_677 : vector<1x16xi32> to vector<16xi32>
    %and3A_679 = arith.constant 127 : i32
    %and3A_680 = vector.broadcast %and3A_679 : i32 to vector<16xi32>
    %and3A_681 = arith.andi %get3A_678, %and3A_680 : vector<16xi32>
    %swap3A_682 = arith.constant 3 : i32
    %swap3A_683 = arith.index_cast %swap3A_682 : i32 to index
    %swap3A_684 = arith.constant 64 : index
    %swap3A_685 = tpu.vector_load %arg6[%swap3A_683, %swap3A_684] {strides = array<i32>} : memref<4x128xi32, #tpu.memory_space<vmem>>, vector<1x16xi32>,
    %swap3A_686 = vector.shape_cast %swap3A_685 : vector<1x16xi32> to vector<16xi32>
    %swap3A_687 = vector.shape_cast %and3A_681 : vector<16xi32> to vector<1x16xi32>
    tpu.vector_store %arg6[%swap3A_683, %swap3A_684], %swap3A_687 {strides = array<i32>} : memref<4x128xi32, #tpu.memory_space<vmem>>, vector<1x16xi32>,
    %shift_right_logical3A_688 = arith.constant 7 : i32
    %shift_right_logical3A_689 = vector.broadcast %shift_right_logical3A_688 : i32 to vector<16xi32>
    %shift_right_logical3A_690 = arith.shrui %get3A_678, %shift_right_logical3A_689 : vector<16xi32>
    %swap3A_691 = arith.constant 3 : i32
    %swap3A_692 = arith.index_cast %swap3A_691 : i32 to index
    %swap3A_693 = arith.constant 64 : index
    %swap3A_694 = tpu.vector_load %arg7[%swap3A_692, %swap3A_693] {strides = array<i32>} : memref<4x128xi32, #tpu.memory_space<vmem>>, vector<1x16xi32>,
    %swap3A_695 = vector.shape_cast %swap3A_694 : vector<1x16xi32> to vector<16xi32>
    %swap3A_696 = vector.shape_cast %shift_right_logical3A_690 : vector<16xi32> to vector<1x16xi32>
    tpu.vector_store %arg7[%swap3A_692, %swap3A_693], %swap3A_696 {strides = array<i32>} : memref<4x128xi32, #tpu.memory_space<vmem>>, vector<1x16xi32>,
    %get3A_697 = arith.constant 3 : i32
    %get3A_698 = arith.index_cast %get3A_697 : i32 to index
    %get3A_699 = arith.constant 80 : index
    %get3A_700 = tpu.vector_load %arg5[%get3A_698, %get3A_699] {strides = array<i32>} : memref<80x128xi32, #tpu.memory_space<vmem>>, vector<1x16xi32>,
    %get3A_701 = vector.shape_cast %get3A_700 : vector<1x16xi32> to vector<16xi32>
    %and3A_702 = arith.constant 127 : i32
    %and3A_703 = vector.broadcast %and3A_702 : i32 to vector<16xi32>
    %and3A_704 = arith.andi %get3A_701, %and3A_703 : vector<16xi32>
    %swap3A_705 = arith.constant 3 : i32
    %swap3A_706 = arith.index_cast %swap3A_705 : i32 to index
    %swap3A_707 = arith.constant 80 : index
    %swap3A_708 = tpu.vector_load %arg6[%swap3A_706, %swap3A_707] {strides = array<i32>} : memref<4x128xi32, #tpu.memory_space<vmem>>, vector<1x16xi32>,
    %swap3A_709 = vector.shape_cast %swap3A_708 : vector<1x16xi32> to vector<16xi32>
    %swap3A_710 = vector.shape_cast %and3A_704 : vector<16xi32> to vector<1x16xi32>
    tpu.vector_store %arg6[%swap3A_706, %swap3A_707], %swap3A_710 {strides = array<i32>} : memref<4x128xi32, #tpu.memory_space<vmem>>, vector<1x16xi32>,
    %shift_right_logical3A_711 = arith.constant 7 : i32
    %shift_right_logical3A_712 = vector.broadcast %shift_right_logical3A_711 : i32 to vector<16xi32>
    %shift_right_logical3A_713 = arith.shrui %get3A_701, %shift_right_logical3A_712 : vector<16xi32>
    %swap3A_714 = arith.constant 3 : i32
    %swap3A_715 = arith.index_cast %swap3A_714 : i32 to index
    %swap3A_716 = arith.constant 80 : index
    %swap3A_717 = tpu.vector_load %arg7[%swap3A_715, %swap3A_716] {strides = array<i32>} : memref<4x128xi32, #tpu.memory_space<vmem>>, vector<1x16xi32>,
    %swap3A_718 = vector.shape_cast %swap3A_717 : vector<1x16xi32> to vector<16xi32>
    %swap3A_719 = vector.shape_cast %shift_right_logical3A_713 : vector<16xi32> to vector<1x16xi32>
    tpu.vector_store %arg7[%swap3A_715, %swap3A_716], %swap3A_719 {strides = array<i32>} : memref<4x128xi32, #tpu.memory_space<vmem>>, vector<1x16xi32>,
    %get3A_720 = arith.constant 3 : i32
    %get3A_721 = arith.index_cast %get3A_720 : i32 to index
    %get3A_722 = arith.constant 96 : index
    %get3A_723 = tpu.vector_load %arg5[%get3A_721, %get3A_722] {strides = array<i32>} : memref<80x128xi32, #tpu.memory_space<vmem>>, vector<1x16xi32>,
    %get3A_724 = vector.shape_cast %get3A_723 : vector<1x16xi32> to vector<16xi32>
    %and3A_725 = arith.constant 127 : i32
    %and3A_726 = vector.broadcast %and3A_725 : i32 to vector<16xi32>
    %and3A_727 = arith.andi %get3A_724, %and3A_726 : vector<16xi32>
    %swap3A_728 = arith.constant 3 : i32
    %swap3A_729 = arith.index_cast %swap3A_728 : i32 to index
    %swap3A_730 = arith.constant 96 : index
    %swap3A_731 = tpu.vector_load %arg6[%swap3A_729, %swap3A_730] {strides = array<i32>} : memref<4x128xi32, #tpu.memory_space<vmem>>, vector<1x16xi32>,
    %swap3A_732 = vector.shape_cast %swap3A_731 : vector<1x16xi32> to vector<16xi32>
    %swap3A_733 = vector.shape_cast %and3A_727 : vector<16xi32> to vector<1x16xi32>
    tpu.vector_store %arg6[%swap3A_729, %swap3A_730], %swap3A_733 {strides = array<i32>} : memref<4x128xi32, #tpu.memory_space<vmem>>, vector<1x16xi32>,
    %shift_right_logical3A_734 = arith.constant 7 : i32
    %shift_right_logical3A_735 = vector.broadcast %shift_right_logical3A_734 : i32 to vector<16xi32>
    %shift_right_logical3A_736 = arith.shrui %get3A_724, %shift_right_logical3A_735 : vector<16xi32>
    %swap3A_737 = arith.constant 3 : i32
    %swap3A_738 = arith.index_cast %swap3A_737 : i32 to index
    %swap3A_739 = arith.constant 96 : index
    %swap3A_740 = tpu.vector_load %arg7[%swap3A_738, %swap3A_739] {strides = array<i32>} : memref<4x128xi32, #tpu.memory_space<vmem>>, vector<1x16xi32>,
    %swap3A_741 = vector.shape_cast %swap3A_740 : vector<1x16xi32> to vector<16xi32>
    %swap3A_742 = vector.shape_cast %shift_right_logical3A_736 : vector<16xi32> to vector<1x16xi32>
    tpu.vector_store %arg7[%swap3A_738, %swap3A_739], %swap3A_742 {strides = array<i32>} : memref<4x128xi32, #tpu.memory_space<vmem>>, vector<1x16xi32>,
    %get3A_743 = arith.constant 3 : i32
    %get3A_744 = arith.index_cast %get3A_743 : i32 to index
    %get3A_745 = arith.constant 112 : index
    %get3A_746 = tpu.vector_load %arg5[%get3A_744, %get3A_745] {strides = array<i32>} : memref<80x128xi32, #tpu.memory_space<vmem>>, vector<1x16xi32>,
    %get3A_747 = vector.shape_cast %get3A_746 : vector<1x16xi32> to vector<16xi32>
    %and3A_748 = arith.constant 127 : i32
    %and3A_749 = vector.broadcast %and3A_748 : i32 to vector<16xi32>
    %and3A_750 = arith.andi %get3A_747, %and3A_749 : vector<16xi32>
    %swap3A_751 = arith.constant 3 : i32
    %swap3A_752 = arith.index_cast %swap3A_751 : i32 to index
    %swap3A_753 = arith.constant 112 : index
    %swap3A_754 = tpu.vector_load %arg6[%swap3A_752, %swap3A_753] {strides = array<i32>} : memref<4x128xi32, #tpu.memory_space<vmem>>, vector<1x16xi32>,
    %swap3A_755 = vector.shape_cast %swap3A_754 : vector<1x16xi32> to vector<16xi32>
    %swap3A_756 = vector.shape_cast %and3A_750 : vector<16xi32> to vector<1x16xi32>
    tpu.vector_store %arg6[%swap3A_752, %swap3A_753], %swap3A_756 {strides = array<i32>} : memref<4x128xi32, #tpu.memory_space<vmem>>, vector<1x16xi32>,
    %shift_right_logical3A_757 = arith.constant 7 : i32
    %shift_right_logical3A_758 = vector.broadcast %shift_right_logical3A_757 : i32 to vector<16xi32>
    %shift_right_logical3A_759 = arith.shrui %get3A_747, %shift_right_logical3A_758 : vector<16xi32>
    %swap3A_760 = arith.constant 3 : i32
    %swap3A_761 = arith.index_cast %swap3A_760 : i32 to index
    %swap3A_762 = arith.constant 112 : index
    %swap3A_763 = tpu.vector_load %arg7[%swap3A_761, %swap3A_762] {strides = array<i32>} : memref<4x128xi32, #tpu.memory_space<vmem>>, vector<1x16xi32>,
    %swap3A_764 = vector.shape_cast %swap3A_763 : vector<1x16xi32> to vector<16xi32>
    %swap3A_765 = vector.shape_cast %shift_right_logical3A_759 : vector<16xi32> to vector<1x16xi32>
    tpu.vector_store %arg7[%swap3A_761, %swap3A_762], %swap3A_765 {strides = array<i32>} : memref<4x128xi32, #tpu.memory_space<vmem>>, vector<1x16xi32>,
    %dma_start3A_766 = arith.constant 3 : i32
    %dma_start3A_767 = arith.constant 0 : i32
    %dma_start3A_768 = tpu.memref_slice %arg6[%dma_start3A_766, %dma_start3A_767] : memref<4x128xi32, #tpu.memory_space<vmem>> -> memref<1x128xi32, #tpu.memory_space<vmem>>
    %dma_start3A_769 = tpu.memref_squeeze %dma_start3A_768 : memref<1x128xi32, #tpu.memory_space<vmem>> -> memref<128xi32, #tpu.memory_space<vmem>>
    %dma_start3A_770 = arith.constant 0 : i32
    %dma_start3A_771 = arith.constant 0 : i32
    %dma_start3A_772 = tpu.memref_slice %arg13[%dma_start3A_770, %dma_start3A_771] : memref<128x128xf32, #tpu.memory_space<vmem_shared>> -> memref<128x128xf32, #tpu.memory_space<vmem_shared>>
    tpu.enqueue_indirect_dma source(%dma_start3A_772 : memref<128x128xf32, #tpu.memory_space<vmem_shared>>) target(%arg11 : memref<128x128xf32, #tpu.memory_space<vmem>>) offsets(%dma_start3A_769 : memref<128xi32, #tpu.memory_space<vmem>>) semaphore(%arg18 : memref<!tpu.dma_semaphore, #tpu.memory_space<semaphore_mem>>)
    %barrier3A = arith.constant 0 : index
    tpu.barrier barrier_id(%barrier3A)
    %scan3A_773 = arith.constant 0 : i32
    %scan3A_774 = arith.constant 0 : i32
    %scan3A_775 = arith.constant 20 : i32
    %scan3A_776 = arith.addi %scan3A_774, %scan3A_775 : i32
    %scan3A_777 = arith.constant 1 : i32
    scf.for %scan3A_785 = %scan3A_774 to %scan3A_776 step %scan3A_777  : i32 {
      %mul3A_786 = arith.constant 4 : i32
      %mul3A_787 = arith.muli %scan3A_785, %mul3A_786 : i32
      %add3A_788 = arith.constant 0 : i32
      %add3A_789 = arith.addi %mul3A_787, %add3A_788 : i32
      %dma_wait3A = arith.constant 0 : i32
      %dma_wait3A_790 = arith.constant 0 : i32
      %dma_wait3A_791 = tpu.memref_slice %arg6[%dma_wait3A, %dma_wait3A_790] : memref<4x128xi32, #tpu.memory_space<vmem>> -> memref<1x128xi32, #tpu.memory_space<vmem>>
      %dma_wait3A_792 = tpu.memref_squeeze %dma_wait3A_791 : memref<1x128xi32, #tpu.memory_space<vmem>> -> memref<128xi32, #tpu.memory_space<vmem>>
      %dma_wait3A_793 = arith.constant 0 : i32
      %dma_wait3A_794 = arith.constant 0 : i32
      %dma_wait3A_795 = tpu.memref_slice %arg13[%dma_wait3A_793, %dma_wait3A_794] : memref<128x128xf32, #tpu.memory_space<vmem_shared>> -> memref<128x128xf32, #tpu.memory_space<vmem_shared>>
      tpu.wait_indirect_dma semaphore(%arg15 : memref<!tpu.dma_semaphore, #tpu.memory_space<semaphore_mem>>) src(%dma_wait3A_795 : memref<128x128xf32, #tpu.memory_space<vmem_shared>>) dst(%arg8 : memref<128x128xf32, #tpu.memory_space<vmem>>)
      %run_scoped3A = arith.constant 0 : i32
      "tpu.region"() ({
        %run_scoped3A_859 = tpu.sem_alloc : memref<!tpu.dma_semaphore, #tpu.memory_space<semaphore_mem>>
        %dma_start3A_860 = arith.constant 0 : i32
        %dma_start3A_861 = tpu.memref_slice %arg7[%run_scoped3A, %dma_start3A_860] : memref<4x128xi32, #tpu.memory_space<vmem>> -> memref<1x128xi32, #tpu.memory_space<vmem>>
        %dma_start3A_862 = tpu.memref_squeeze %dma_start3A_861 : memref<1x128xi32, #tpu.memory_space<vmem>> -> memref<128xi32, #tpu.memory_space<vmem>>
        %dma_start3A_863 = arith.constant 0 : i32
        %dma_start3A_864 = arith.constant 0 : i32
        %dma_start3A_865 = tpu.memref_slice %arg14[%dma_start3A_863, %dma_start3A_864] : memref<80x128xf32, #tpu.memory_space<vmem_shared>> -> memref<80x128xf32, #tpu.memory_space<vmem_shared>>
        tpu.enqueue_indirect_dma source(%arg8 : memref<128x128xf32, #tpu.memory_space<vmem>>) target(%dma_start3A_865 : memref<80x128xf32, #tpu.memory_space<vmem_shared>>) offsets(%dma_start3A_862 : memref<128xi32, #tpu.memory_space<vmem>>) semaphore(%run_scoped3A_859 : memref<!tpu.dma_semaphore, #tpu.memory_space<semaphore_mem>>) {add = true}
        %dma_wait3A_866 = arith.constant 0 : i32
        %dma_wait3A_867 = tpu.memref_slice %arg7[%run_scoped3A, %dma_wait3A_866] : memref<4x128xi32, #tpu.memory_space<vmem>> -> memref<1x128xi32, #tpu.memory_space<vmem>>
        %dma_wait3A_868 = tpu.memref_squeeze %dma_wait3A_867 : memref<1x128xi32, #tpu.memory_space<vmem>> -> memref<128xi32, #tpu.memory_space<vmem>>
        %dma_wait3A_869 = arith.constant 0 : i32
        %dma_wait3A_870 = arith.constant 0 : i32
        %dma_wait3A_871 = tpu.memref_slice %arg14[%dma_wait3A_869, %dma_wait3A_870] : memref<80x128xf32, #tpu.memory_space<vmem_shared>> -> memref<80x128xf32, #tpu.memory_space<vmem_shared>>
        tpu.wait_indirect_dma semaphore(%run_scoped3A_859 : memref<!tpu.dma_semaphore, #tpu.memory_space<semaphore_mem>>) src(%arg8 : memref<128x128xf32, #tpu.memory_space<vmem>>) dst(%dma_wait3A_871 : memref<80x128xf32, #tpu.memory_space<vmem_shared>>)
        tpu.yield
      }) : () -> ()
      %add3A_796 = arith.constant 4 : i32
      %add3A_797 = arith.addi %add3A_789, %add3A_796 : i32
      %lt3A = arith.constant 80 : i32
      %lt3A_798 = arith.cmpi slt, %add3A_797, %lt3A : i32
      %convert_element_type3A_799 = arith.extui %lt3A_798 : i1 to i32
      %cond3A_800 = arith.constant 0 : i32
      %cond3A_801 = arith.cmpi ne, %convert_element_type3A_799, %cond3A_800 : i32
      scf.if %cond3A_801 {
        %get3A_859 = arith.index_cast %add3A_797 : i32 to index
        %get3A_860 = arith.constant 0 : index
        %get3A_861 = tpu.vector_load %arg5[%get3A_859, %get3A_860] {strides = array<i32>} : memref<80x128xi32, #tpu.memory_space<vmem>>, vector<1x16xi32>,
        %get3A_862 = vector.shape_cast %get3A_861 : vector<1x16xi32> to vector<16xi32>
        %and3A_863 = arith.constant 127 : i32
        %and3A_864 = vector.broadcast %and3A_863 : i32 to vector<16xi32>
        %and3A_865 = arith.andi %get3A_862, %and3A_864 : vector<16xi32>
        %swap3A_866 = arith.constant 0 : i32
        %swap3A_867 = arith.index_cast %swap3A_866 : i32 to index
        %swap3A_868 = arith.constant 0 : index
        %swap3A_869 = tpu.vector_load %arg6[%swap3A_867, %swap3A_868] {strides = array<i32>} : memref<4x128xi32, #tpu.memory_space<vmem>>, vector<1x16xi32>,
        %swap3A_870 = vector.shape_cast %swap3A_869 : vector<1x16xi32> to vector<16xi32>
        %swap3A_871 = vector.shape_cast %and3A_865 : vector<16xi32> to vector<1x16xi32>
        tpu.vector_store %arg6[%swap3A_867, %swap3A_868], %swap3A_871 {strides = array<i32>} : memref<4x128xi32, #tpu.memory_space<vmem>>, vector<1x16xi32>,
        %shift_right_logical3A_872 = arith.constant 7 : i32
        %shift_right_logical3A_873 = vector.broadcast %shift_right_logical3A_872 : i32 to vector<16xi32>
        %shift_right_logical3A_874 = arith.shrui %get3A_862, %shift_right_logical3A_873 : vector<16xi32>
        %swap3A_875 = arith.constant 0 : i32
        %swap3A_876 = arith.index_cast %swap3A_875 : i32 to index
        %swap3A_877 = arith.constant 0 : index
        %swap3A_878 = tpu.vector_load %arg7[%swap3A_876, %swap3A_877] {strides = array<i32>} : memref<4x128xi32, #tpu.memory_space<vmem>>, vector<1x16xi32>,
        %swap3A_879 = vector.shape_cast %swap3A_878 : vector<1x16xi32> to vector<16xi32>
        %swap3A_880 = vector.shape_cast %shift_right_logical3A_874 : vector<16xi32> to vector<1x16xi32>
        tpu.vector_store %arg7[%swap3A_876, %swap3A_877], %swap3A_880 {strides = array<i32>} : memref<4x128xi32, #tpu.memory_space<vmem>>, vector<1x16xi32>,
        %get3A_881 = arith.index_cast %add3A_797 : i32 to index
        %get3A_882 = arith.constant 16 : index
        %get3A_883 = tpu.vector_load %arg5[%get3A_881, %get3A_882] {strides = array<i32>} : memref<80x128xi32, #tpu.memory_space<vmem>>, vector<1x16xi32>,
        %get3A_884 = vector.shape_cast %get3A_883 : vector<1x16xi32> to vector<16xi32>
        %and3A_885 = arith.constant 127 : i32
        %and3A_886 = vector.broadcast %and3A_885 : i32 to vector<16xi32>
        %and3A_887 = arith.andi %get3A_884, %and3A_886 : vector<16xi32>
        %swap3A_888 = arith.constant 0 : i32
        %swap3A_889 = arith.index_cast %swap3A_888 : i32 to index
        %swap3A_890 = arith.constant 16 : index
        %swap3A_891 = tpu.vector_load %arg6[%swap3A_889, %swap3A_890] {strides = array<i32>} : memref<4x128xi32, #tpu.memory_space<vmem>>, vector<1x16xi32>,
        %swap3A_892 = vector.shape_cast %swap3A_891 : vector<1x16xi32> to vector<16xi32>
        %swap3A_893 = vector.shape_cast %and3A_887 : vector<16xi32> to vector<1x16xi32>
        tpu.vector_store %arg6[%swap3A_889, %swap3A_890], %swap3A_893 {strides = array<i32>} : memref<4x128xi32, #tpu.memory_space<vmem>>, vector<1x16xi32>,
        %shift_right_logical3A_894 = arith.constant 7 : i32
        %shift_right_logical3A_895 = vector.broadcast %shift_right_logical3A_894 : i32 to vector<16xi32>
        %shift_right_logical3A_896 = arith.shrui %get3A_884, %shift_right_logical3A_895 : vector<16xi32>
        %swap3A_897 = arith.constant 0 : i32
        %swap3A_898 = arith.index_cast %swap3A_897 : i32 to index
        %swap3A_899 = arith.constant 16 : index
        %swap3A_900 = tpu.vector_load %arg7[%swap3A_898, %swap3A_899] {strides = array<i32>} : memref<4x128xi32, #tpu.memory_space<vmem>>, vector<1x16xi32>,
        %swap3A_901 = vector.shape_cast %swap3A_900 : vector<1x16xi32> to vector<16xi32>
        %swap3A_902 = vector.shape_cast %shift_right_logical3A_896 : vector<16xi32> to vector<1x16xi32>
        tpu.vector_store %arg7[%swap3A_898, %swap3A_899], %swap3A_902 {strides = array<i32>} : memref<4x128xi32, #tpu.memory_space<vmem>>, vector<1x16xi32>,
        %get3A_903 = arith.index_cast %add3A_797 : i32 to index
        %get3A_904 = arith.constant 32 : index
        %get3A_905 = tpu.vector_load %arg5[%get3A_903, %get3A_904] {strides = array<i32>} : memref<80x128xi32, #tpu.memory_space<vmem>>, vector<1x16xi32>,
        %get3A_906 = vector.shape_cast %get3A_905 : vector<1x16xi32> to vector<16xi32>
        %and3A_907 = arith.constant 127 : i32
        %and3A_908 = vector.broadcast %and3A_907 : i32 to vector<16xi32>
        %and3A_909 = arith.andi %get3A_906, %and3A_908 : vector<16xi32>
        %swap3A_910 = arith.constant 0 : i32
        %swap3A_911 = arith.index_cast %swap3A_910 : i32 to index
        %swap3A_912 = arith.constant 32 : index
        %swap3A_913 = tpu.vector_load %arg6[%swap3A_911, %swap3A_912] {strides = array<i32>} : memref<4x128xi32, #tpu.memory_space<vmem>>, vector<1x16xi32>,
        %swap3A_914 = vector.shape_cast %swap3A_913 : vector<1x16xi32> to vector<16xi32>
        %swap3A_915 = vector.shape_cast %and3A_909 : vector<16xi32> to vector<1x16xi32>
        tpu.vector_store %arg6[%swap3A_911, %swap3A_912], %swap3A_915 {strides = array<i32>} : memref<4x128xi32, #tpu.memory_space<vmem>>, vector<1x16xi32>,
        %shift_right_logical3A_916 = arith.constant 7 : i32
        %shift_right_logical3A_917 = vector.broadcast %shift_right_logical3A_916 : i32 to vector<16xi32>
        %shift_right_logical3A_918 = arith.shrui %get3A_906, %shift_right_logical3A_917 : vector<16xi32>
        %swap3A_919 = arith.constant 0 : i32
        %swap3A_920 = arith.index_cast %swap3A_919 : i32 to index
        %swap3A_921 = arith.constant 32 : index
        %swap3A_922 = tpu.vector_load %arg7[%swap3A_920, %swap3A_921] {strides = array<i32>} : memref<4x128xi32, #tpu.memory_space<vmem>>, vector<1x16xi32>,
        %swap3A_923 = vector.shape_cast %swap3A_922 : vector<1x16xi32> to vector<16xi32>
        %swap3A_924 = vector.shape_cast %shift_right_logical3A_918 : vector<16xi32> to vector<1x16xi32>
        tpu.vector_store %arg7[%swap3A_920, %swap3A_921], %swap3A_924 {strides = array<i32>} : memref<4x128xi32, #tpu.memory_space<vmem>>, vector<1x16xi32>,
        %get3A_925 = arith.index_cast %add3A_797 : i32 to index
        %get3A_926 = arith.constant 48 : index
        %get3A_927 = tpu.vector_load %arg5[%get3A_925, %get3A_926] {strides = array<i32>} : memref<80x128xi32, #tpu.memory_space<vmem>>, vector<1x16xi32>,
        %get3A_928 = vector.shape_cast %get3A_927 : vector<1x16xi32> to vector<16xi32>
        %and3A_929 = arith.constant 127 : i32
        %and3A_930 = vector.broadcast %and3A_929 : i32 to vector<16xi32>
        %and3A_931 = arith.andi %get3A_928, %and3A_930 : vector<16xi32>
        %swap3A_932 = arith.constant 0 : i32
        %swap3A_933 = arith.index_cast %swap3A_932 : i32 to index
        %swap3A_934 = arith.constant 48 : index
        %swap3A_935 = tpu.vector_load %arg6[%swap3A_933, %swap3A_934] {strides = array<i32>} : memref<4x128xi32, #tpu.memory_space<vmem>>, vector<1x16xi32>,
        %swap3A_936 = vector.shape_cast %swap3A_935 : vector<1x16xi32> to vector<16xi32>
        %swap3A_937 = vector.shape_cast %and3A_931 : vector<16xi32> to vector<1x16xi32>
        tpu.vector_store %arg6[%swap3A_933, %swap3A_934], %swap3A_937 {strides = array<i32>} : memref<4x128xi32, #tpu.memory_space<vmem>>, vector<1x16xi32>,
        %shift_right_logical3A_938 = arith.constant 7 : i32
        %shift_right_logical3A_939 = vector.broadcast %shift_right_logical3A_938 : i32 to vector<16xi32>
        %shift_right_logical3A_940 = arith.shrui %get3A_928, %shift_right_logical3A_939 : vector<16xi32>
        %swap3A_941 = arith.constant 0 : i32
        %swap3A_942 = arith.index_cast %swap3A_941 : i32 to index
        %swap3A_943 = arith.constant 48 : index
        %swap3A_944 = tpu.vector_load %arg7[%swap3A_942, %swap3A_943] {strides = array<i32>} : memref<4x128xi32, #tpu.memory_space<vmem>>, vector<1x16xi32>,
        %swap3A_945 = vector.shape_cast %swap3A_944 : vector<1x16xi32> to vector<16xi32>
        %swap3A_946 = vector.shape_cast %shift_right_logical3A_940 : vector<16xi32> to vector<1x16xi32>
        tpu.vector_store %arg7[%swap3A_942, %swap3A_943], %swap3A_946 {strides = array<i32>} : memref<4x128xi32, #tpu.memory_space<vmem>>, vector<1x16xi32>,
        %get3A_947 = arith.index_cast %add3A_797 : i32 to index
        %get3A_948 = arith.constant 64 : index
        %get3A_949 = tpu.vector_load %arg5[%get3A_947, %get3A_948] {strides = array<i32>} : memref<80x128xi32, #tpu.memory_space<vmem>>, vector<1x16xi32>,
        %get3A_950 = vector.shape_cast %get3A_949 : vector<1x16xi32> to vector<16xi32>
        %and3A_951 = arith.constant 127 : i32
        %and3A_952 = vector.broadcast %and3A_951 : i32 to vector<16xi32>
        %and3A_953 = arith.andi %get3A_950, %and3A_952 : vector<16xi32>
        %swap3A_954 = arith.constant 0 : i32
        %swap3A_955 = arith.index_cast %swap3A_954 : i32 to index
        %swap3A_956 = arith.constant 64 : index
        %swap3A_957 = tpu.vector_load %arg6[%swap3A_955, %swap3A_956] {strides = array<i32>} : memref<4x128xi32, #tpu.memory_space<vmem>>, vector<1x16xi32>,
        %swap3A_958 = vector.shape_cast %swap3A_957 : vector<1x16xi32> to vector<16xi32>
        %swap3A_959 = vector.shape_cast %and3A_953 : vector<16xi32> to vector<1x16xi32>
        tpu.vector_store %arg6[%swap3A_955, %swap3A_956], %swap3A_959 {strides = array<i32>} : memref<4x128xi32, #tpu.memory_space<vmem>>, vector<1x16xi32>,
        %shift_right_logical3A_960 = arith.constant 7 : i32
        %shift_right_logical3A_961 = vector.broadcast %shift_right_logical3A_960 : i32 to vector<16xi32>
        %shift_right_logical3A_962 = arith.shrui %get3A_950, %shift_right_logical3A_961 : vector<16xi32>
        %swap3A_963 = arith.constant 0 : i32
        %swap3A_964 = arith.index_cast %swap3A_963 : i32 to index
        %swap3A_965 = arith.constant 64 : index
        %swap3A_966 = tpu.vector_load %arg7[%swap3A_964, %swap3A_965] {strides = array<i32>} : memref<4x128xi32, #tpu.memory_space<vmem>>, vector<1x16xi32>,
        %swap3A_967 = vector.shape_cast %swap3A_966 : vector<1x16xi32> to vector<16xi32>
        %swap3A_968 = vector.shape_cast %shift_right_logical3A_962 : vector<16xi32> to vector<1x16xi32>
        tpu.vector_store %arg7[%swap3A_964, %swap3A_965], %swap3A_968 {strides = array<i32>} : memref<4x128xi32, #tpu.memory_space<vmem>>, vector<1x16xi32>,
        %get3A_969 = arith.index_cast %add3A_797 : i32 to index
        %get3A_970 = arith.constant 80 : index
        %get3A_971 = tpu.vector_load %arg5[%get3A_969, %get3A_970] {strides = array<i32>} : memref<80x128xi32, #tpu.memory_space<vmem>>, vector<1x16xi32>,
        %get3A_972 = vector.shape_cast %get3A_971 : vector<1x16xi32> to vector<16xi32>
        %and3A_973 = arith.constant 127 : i32
        %and3A_974 = vector.broadcast %and3A_973 : i32 to vector<16xi32>
        %and3A_975 = arith.andi %get3A_972, %and3A_974 : vector<16xi32>
        %swap3A_976 = arith.constant 0 : i32
        %swap3A_977 = arith.index_cast %swap3A_976 : i32 to index
        %swap3A_978 = arith.constant 80 : index
        %swap3A_979 = tpu.vector_load %arg6[%swap3A_977, %swap3A_978] {strides = array<i32>} : memref<4x128xi32, #tpu.memory_space<vmem>>, vector<1x16xi32>,
        %swap3A_980 = vector.shape_cast %swap3A_979 : vector<1x16xi32> to vector<16xi32>
        %swap3A_981 = vector.shape_cast %and3A_975 : vector<16xi32> to vector<1x16xi32>
        tpu.vector_store %arg6[%swap3A_977, %swap3A_978], %swap3A_981 {strides = array<i32>} : memref<4x128xi32, #tpu.memory_space<vmem>>, vector<1x16xi32>,
        %shift_right_logical3A_982 = arith.constant 7 : i32
        %shift_right_logical3A_983 = vector.broadcast %shift_right_logical3A_982 : i32 to vector<16xi32>
        %shift_right_logical3A_984 = arith.shrui %get3A_972, %shift_right_logical3A_983 : vector<16xi32>
        %swap3A_985 = arith.constant 0 : i32
        %swap3A_986 = arith.index_cast %swap3A_985 : i32 to index
        %swap3A_987 = arith.constant 80 : index
        %swap3A_988 = tpu.vector_load %arg7[%swap3A_986, %swap3A_987] {strides = array<i32>} : memref<4x128xi32, #tpu.memory_space<vmem>>, vector<1x16xi32>,
        %swap3A_989 = vector.shape_cast %swap3A_988 : vector<1x16xi32> to vector<16xi32>
        %swap3A_990 = vector.shape_cast %shift_right_logical3A_984 : vector<16xi32> to vector<1x16xi32>
        tpu.vector_store %arg7[%swap3A_986, %swap3A_987], %swap3A_990 {strides = array<i32>} : memref<4x128xi32, #tpu.memory_space<vmem>>, vector<1x16xi32>,
        %get3A_991 = arith.index_cast %add3A_797 : i32 to index
        %get3A_992 = arith.constant 96 : index
        %get3A_993 = tpu.vector_load %arg5[%get3A_991, %get3A_992] {strides = array<i32>} : memref<80x128xi32, #tpu.memory_space<vmem>>, vector<1x16xi32>,
        %get3A_994 = vector.shape_cast %get3A_993 : vector<1x16xi32> to vector<16xi32>
        %and3A_995 = arith.constant 127 : i32
        %and3A_996 = vector.broadcast %and3A_995 : i32 to vector<16xi32>
        %and3A_997 = arith.andi %get3A_994, %and3A_996 : vector<16xi32>
        %swap3A_998 = arith.constant 0 : i32
        %swap3A_999 = arith.index_cast %swap3A_998 : i32 to index
        %swap3A_1000 = arith.constant 96 : index
        %swap3A_1001 = tpu.vector_load %arg6[%swap3A_999, %swap3A_1000] {strides = array<i32>} : memref<4x128xi32, #tpu.memory_space<vmem>>, vector<1x16xi32>,
        %swap3A_1002 = vector.shape_cast %swap3A_1001 : vector<1x16xi32> to vector<16xi32>
        %swap3A_1003 = vector.shape_cast %and3A_997 : vector<16xi32> to vector<1x16xi32>
        tpu.vector_store %arg6[%swap3A_999, %swap3A_1000], %swap3A_1003 {strides = array<i32>} : memref<4x128xi32, #tpu.memory_space<vmem>>, vector<1x16xi32>,
        %shift_right_logical3A_1004 = arith.constant 7 : i32
        %shift_right_logical3A_1005 = vector.broadcast %shift_right_logical3A_1004 : i32 to vector<16xi32>
        %shift_right_logical3A_1006 = arith.shrui %get3A_994, %shift_right_logical3A_1005 : vector<16xi32>
        %swap3A_1007 = arith.constant 0 : i32
        %swap3A_1008 = arith.index_cast %swap3A_1007 : i32 to index
        %swap3A_1009 = arith.constant 96 : index
        %swap3A_1010 = tpu.vector_load %arg7[%swap3A_1008, %swap3A_1009] {strides = array<i32>} : memref<4x128xi32, #tpu.memory_space<vmem>>, vector<1x16xi32>,
        %swap3A_1011 = vector.shape_cast %swap3A_1010 : vector<1x16xi32> to vector<16xi32>
        %swap3A_1012 = vector.shape_cast %shift_right_logical3A_1006 : vector<16xi32> to vector<1x16xi32>
        tpu.vector_store %arg7[%swap3A_1008, %swap3A_1009], %swap3A_1012 {strides = array<i32>} : memref<4x128xi32, #tpu.memory_space<vmem>>, vector<1x16xi32>,
        %get3A_1013 = arith.index_cast %add3A_797 : i32 to index
        %get3A_1014 = arith.constant 112 : index
        %get3A_1015 = tpu.vector_load %arg5[%get3A_1013, %get3A_1014] {strides = array<i32>} : memref<80x128xi32, #tpu.memory_space<vmem>>, vector<1x16xi32>,
        %get3A_1016 = vector.shape_cast %get3A_1015 : vector<1x16xi32> to vector<16xi32>
        %and3A_1017 = arith.constant 127 : i32
        %and3A_1018 = vector.broadcast %and3A_1017 : i32 to vector<16xi32>
        %and3A_1019 = arith.andi %get3A_1016, %and3A_1018 : vector<16xi32>
        %swap3A_1020 = arith.constant 0 : i32
        %swap3A_1021 = arith.index_cast %swap3A_1020 : i32 to index
        %swap3A_1022 = arith.constant 112 : index
        %swap3A_1023 = tpu.vector_load %arg6[%swap3A_1021, %swap3A_1022] {strides = array<i32>} : memref<4x128xi32, #tpu.memory_space<vmem>>, vector<1x16xi32>,
        %swap3A_1024 = vector.shape_cast %swap3A_1023 : vector<1x16xi32> to vector<16xi32>
        %swap3A_1025 = vector.shape_cast %and3A_1019 : vector<16xi32> to vector<1x16xi32>
        tpu.vector_store %arg6[%swap3A_1021, %swap3A_1022], %swap3A_1025 {strides = array<i32>} : memref<4x128xi32, #tpu.memory_space<vmem>>, vector<1x16xi32>,
        %shift_right_logical3A_1026 = arith.constant 7 : i32
        %shift_right_logical3A_1027 = vector.broadcast %shift_right_logical3A_1026 : i32 to vector<16xi32>
        %shift_right_logical3A_1028 = arith.shrui %get3A_1016, %shift_right_logical3A_1027 : vector<16xi32>
        %swap3A_1029 = arith.constant 0 : i32
        %swap3A_1030 = arith.index_cast %swap3A_1029 : i32 to index
        %swap3A_1031 = arith.constant 112 : index
        %swap3A_1032 = tpu.vector_load %arg7[%swap3A_1030, %swap3A_1031] {strides = array<i32>} : memref<4x128xi32, #tpu.memory_space<vmem>>, vector<1x16xi32>,
        %swap3A_1033 = vector.shape_cast %swap3A_1032 : vector<1x16xi32> to vector<16xi32>
        %swap3A_1034 = vector.shape_cast %shift_right_logical3A_1028 : vector<16xi32> to vector<1x16xi32>
        tpu.vector_store %arg7[%swap3A_1030, %swap3A_1031], %swap3A_1034 {strides = array<i32>} : memref<4x128xi32, #tpu.memory_space<vmem>>, vector<1x16xi32>,
        %dma_start3A_1035 = arith.constant 0 : i32
        %dma_start3A_1036 = arith.constant 0 : i32
        %dma_start3A_1037 = tpu.memref_slice %arg6[%dma_start3A_1035, %dma_start3A_1036] : memref<4x128xi32, #tpu.memory_space<vmem>> -> memref<1x128xi32, #tpu.memory_space<vmem>>
        %dma_start3A_1038 = tpu.memref_squeeze %dma_start3A_1037 : memref<1x128xi32, #tpu.memory_space<vmem>> -> memref<128xi32, #tpu.memory_space<vmem>>
        %dma_start3A_1039 = arith.constant 0 : i32
        %dma_start3A_1040 = arith.constant 0 : i32
        %dma_start3A_1041 = tpu.memref_slice %arg13[%dma_start3A_1039, %dma_start3A_1040] : memref<128x128xf32, #tpu.memory_space<vmem_shared>> -> memref<128x128xf32, #tpu.memory_space<vmem_shared>>
        tpu.enqueue_indirect_dma source(%dma_start3A_1041 : memref<128x128xf32, #tpu.memory_space<vmem_shared>>) target(%arg8 : memref<128x128xf32, #tpu.memory_space<vmem>>) offsets(%dma_start3A_1038 : memref<128xi32, #tpu.memory_space<vmem>>) semaphore(%arg15 : memref<!tpu.dma_semaphore, #tpu.memory_space<semaphore_mem>>)
      } else {
      }
      %mul3A_802 = arith.constant 4 : i32
      %mul3A_803 = arith.muli %scan3A_785, %mul3A_802 : i32
      %add3A_804 = arith.constant 1 : i32
      %add3A_805 = arith.addi %mul3A_803, %add3A_804 : i32
      %dma_wait3A_806 = arith.constant 1 : i32
      %dma_wait3A_807 = arith.constant 0 : i32
      %dma_wait3A_808 = tpu.memref_slice %arg6[%dma_wait3A_806, %dma_wait3A_807] : memref<4x128xi32, #tpu.memory_space<vmem>> -> memref<1x128xi32, #tpu.memory_space<vmem>>
      %dma_wait3A_809 = tpu.memref_squeeze %dma_wait3A_808 : memref<1x128xi32, #tpu.memory_space<vmem>> -> memref<128xi32, #tpu.memory_space<vmem>>
      %dma_wait3A_810 = arith.constant 0 : i32
      %dma_wait3A_811 = arith.constant 0 : i32
      %dma_wait3A_812 = tpu.memref_slice %arg13[%dma_wait3A_810, %dma_wait3A_811] : memref<128x128xf32, #tpu.memory_space<vmem_shared>> -> memref<128x128xf32, #tpu.memory_space<vmem_shared>>
      tpu.wait_indirect_dma semaphore(%arg16 : memref<!tpu.dma_semaphore, #tpu.memory_space<semaphore_mem>>) src(%dma_wait3A_812 : memref<128x128xf32, #tpu.memory_space<vmem_shared>>) dst(%arg9 : memref<128x128xf32, #tpu.memory_space<vmem>>)
      %run_scoped3A_813 = arith.constant 1 : i32
      "tpu.region"() ({
        %run_scoped3A_859 = tpu.sem_alloc : memref<!tpu.dma_semaphore, #tpu.memory_space<semaphore_mem>>
        %dma_start3A_860 = arith.constant 0 : i32
        %dma_start3A_861 = tpu.memref_slice %arg7[%run_scoped3A_813, %dma_start3A_860] : memref<4x128xi32, #tpu.memory_space<vmem>> -> memref<1x128xi32, #tpu.memory_space<vmem>>
        %dma_start3A_862 = tpu.memref_squeeze %dma_start3A_861 : memref<1x128xi32, #tpu.memory_space<vmem>> -> memref<128xi32, #tpu.memory_space<vmem>>
        %dma_start3A_863 = arith.constant 0 : i32
        %dma_start3A_864 = arith.constant 0 : i32
        %dma_start3A_865 = tpu.memref_slice %arg14[%dma_start3A_863, %dma_start3A_864] : memref<80x128xf32, #tpu.memory_space<vmem_shared>> -> memref<80x128xf32, #tpu.memory_space<vmem_shared>>
        tpu.enqueue_indirect_dma source(%arg9 : memref<128x128xf32, #tpu.memory_space<vmem>>) target(%dma_start3A_865 : memref<80x128xf32, #tpu.memory_space<vmem_shared>>) offsets(%dma_start3A_862 : memref<128xi32, #tpu.memory_space<vmem>>) semaphore(%run_scoped3A_859 : memref<!tpu.dma_semaphore, #tpu.memory_space<semaphore_mem>>) {add = true}
        %dma_wait3A_866 = arith.constant 0 : i32
        %dma_wait3A_867 = tpu.memref_slice %arg7[%run_scoped3A_813, %dma_wait3A_866] : memref<4x128xi32, #tpu.memory_space<vmem>> -> memref<1x128xi32, #tpu.memory_space<vmem>>
        %dma_wait3A_868 = tpu.memref_squeeze %dma_wait3A_867 : memref<1x128xi32, #tpu.memory_space<vmem>> -> memref<128xi32, #tpu.memory_space<vmem>>
        %dma_wait3A_869 = arith.constant 0 : i32
        %dma_wait3A_870 = arith.constant 0 : i32
        %dma_wait3A_871 = tpu.memref_slice %arg14[%dma_wait3A_869, %dma_wait3A_870] : memref<80x128xf32, #tpu.memory_space<vmem_shared>> -> memref<80x128xf32, #tpu.memory_space<vmem_shared>>
        tpu.wait_indirect_dma semaphore(%run_scoped3A_859 : memref<!tpu.dma_semaphore, #tpu.memory_space<semaphore_mem>>) src(%arg9 : memref<128x128xf32, #tpu.memory_space<vmem>>) dst(%dma_wait3A_871 : memref<80x128xf32, #tpu.memory_space<vmem_shared>>)
        tpu.yield
      }) : () -> ()
      %add3A_814 = arith.constant 4 : i32
      %add3A_815 = arith.addi %add3A_805, %add3A_814 : i32
      %lt3A_816 = arith.constant 80 : i32
      %lt3A_817 = arith.cmpi slt, %add3A_815, %lt3A_816 : i32
      %convert_element_type3A_818 = arith.extui %lt3A_817 : i1 to i32
      %cond3A_819 = arith.constant 0 : i32
      %cond3A_820 = arith.cmpi ne, %convert_element_type3A_818, %cond3A_819 : i32
      scf.if %cond3A_820 {
        %get3A_859 = arith.index_cast %add3A_815 : i32 to index
        %get3A_860 = arith.constant 0 : index
        %get3A_861 = tpu.vector_load %arg5[%get3A_859, %get3A_860] {strides = array<i32>} : memref<80x128xi32, #tpu.memory_space<vmem>>, vector<1x16xi32>,
        %get3A_862 = vector.shape_cast %get3A_861 : vector<1x16xi32> to vector<16xi32>
        %and3A_863 = arith.constant 127 : i32
        %and3A_864 = vector.broadcast %and3A_863 : i32 to vector<16xi32>
        %and3A_865 = arith.andi %get3A_862, %and3A_864 : vector<16xi32>
        %swap3A_866 = arith.constant 1 : i32
        %swap3A_867 = arith.index_cast %swap3A_866 : i32 to index
        %swap3A_868 = arith.constant 0 : index
        %swap3A_869 = tpu.vector_load %arg6[%swap3A_867, %swap3A_868] {strides = array<i32>} : memref<4x128xi32, #tpu.memory_space<vmem>>, vector<1x16xi32>,
        %swap3A_870 = vector.shape_cast %swap3A_869 : vector<1x16xi32> to vector<16xi32>
        %swap3A_871 = vector.shape_cast %and3A_865 : vector<16xi32> to vector<1x16xi32>
        tpu.vector_store %arg6[%swap3A_867, %swap3A_868], %swap3A_871 {strides = array<i32>} : memref<4x128xi32, #tpu.memory_space<vmem>>, vector<1x16xi32>,
        %shift_right_logical3A_872 = arith.constant 7 : i32
        %shift_right_logical3A_873 = vector.broadcast %shift_right_logical3A_872 : i32 to vector<16xi32>
        %shift_right_logical3A_874 = arith.shrui %get3A_862, %shift_right_logical3A_873 : vector<16xi32>
        %swap3A_875 = arith.constant 1 : i32
        %swap3A_876 = arith.index_cast %swap3A_875 : i32 to index
        %swap3A_877 = arith.constant 0 : index
        %swap3A_878 = tpu.vector_load %arg7[%swap3A_876, %swap3A_877] {strides = array<i32>} : memref<4x128xi32, #tpu.memory_space<vmem>>, vector<1x16xi32>,
        %swap3A_879 = vector.shape_cast %swap3A_878 : vector<1x16xi32> to vector<16xi32>
        %swap3A_880 = vector.shape_cast %shift_right_logical3A_874 : vector<16xi32> to vector<1x16xi32>
        tpu.vector_store %arg7[%swap3A_876, %swap3A_877], %swap3A_880 {strides = array<i32>} : memref<4x128xi32, #tpu.memory_space<vmem>>, vector<1x16xi32>,
        %get3A_881 = arith.index_cast %add3A_815 : i32 to index
        %get3A_882 = arith.constant 16 : index
        %get3A_883 = tpu.vector_load %arg5[%get3A_881, %get3A_882] {strides = array<i32>} : memref<80x128xi32, #tpu.memory_space<vmem>>, vector<1x16xi32>,
        %get3A_884 = vector.shape_cast %get3A_883 : vector<1x16xi32> to vector<16xi32>
        %and3A_885 = arith.constant 127 : i32
        %and3A_886 = vector.broadcast %and3A_885 : i32 to vector<16xi32>
        %and3A_887 = arith.andi %get3A_884, %and3A_886 : vector<16xi32>
        %swap3A_888 = arith.constant 1 : i32
        %swap3A_889 = arith.index_cast %swap3A_888 : i32 to index
        %swap3A_890 = arith.constant 16 : index
        %swap3A_891 = tpu.vector_load %arg6[%swap3A_889, %swap3A_890] {strides = array<i32>} : memref<4x128xi32, #tpu.memory_space<vmem>>, vector<1x16xi32>,
        %swap3A_892 = vector.shape_cast %swap3A_891 : vector<1x16xi32> to vector<16xi32>
        %swap3A_893 = vector.shape_cast %and3A_887 : vector<16xi32> to vector<1x16xi32>
        tpu.vector_store %arg6[%swap3A_889, %swap3A_890], %swap3A_893 {strides = array<i32>} : memref<4x128xi32, #tpu.memory_space<vmem>>, vector<1x16xi32>,
        %shift_right_logical3A_894 = arith.constant 7 : i32
        %shift_right_logical3A_895 = vector.broadcast %shift_right_logical3A_894 : i32 to vector<16xi32>
        %shift_right_logical3A_896 = arith.shrui %get3A_884, %shift_right_logical3A_895 : vector<16xi32>
        %swap3A_897 = arith.constant 1 : i32
        %swap3A_898 = arith.index_cast %swap3A_897 : i32 to index
        %swap3A_899 = arith.constant 16 : index
        %swap3A_900 = tpu.vector_load %arg7[%swap3A_898, %swap3A_899] {strides = array<i32>} : memref<4x128xi32, #tpu.memory_space<vmem>>, vector<1x16xi32>,
        %swap3A_901 = vector.shape_cast %swap3A_900 : vector<1x16xi32> to vector<16xi32>
        %swap3A_902 = vector.shape_cast %shift_right_logical3A_896 : vector<16xi32> to vector<1x16xi32>
        tpu.vector_store %arg7[%swap3A_898, %swap3A_899], %swap3A_902 {strides = array<i32>} : memref<4x128xi32, #tpu.memory_space<vmem>>, vector<1x16xi32>,
        %get3A_903 = arith.index_cast %add3A_815 : i32 to index
        %get3A_904 = arith.constant 32 : index
        %get3A_905 = tpu.vector_load %arg5[%get3A_903, %get3A_904] {strides = array<i32>} : memref<80x128xi32, #tpu.memory_space<vmem>>, vector<1x16xi32>,
        %get3A_906 = vector.shape_cast %get3A_905 : vector<1x16xi32> to vector<16xi32>
        %and3A_907 = arith.constant 127 : i32
        %and3A_908 = vector.broadcast %and3A_907 : i32 to vector<16xi32>
        %and3A_909 = arith.andi %get3A_906, %and3A_908 : vector<16xi32>
        %swap3A_910 = arith.constant 1 : i32
        %swap3A_911 = arith.index_cast %swap3A_910 : i32 to index
        %swap3A_912 = arith.constant 32 : index
        %swap3A_913 = tpu.vector_load %arg6[%swap3A_911, %swap3A_912] {strides = array<i32>} : memref<4x128xi32, #tpu.memory_space<vmem>>, vector<1x16xi32>,
        %swap3A_914 = vector.shape_cast %swap3A_913 : vector<1x16xi32> to vector<16xi32>
        %swap3A_915 = vector.shape_cast %and3A_909 : vector<16xi32> to vector<1x16xi32>
        tpu.vector_store %arg6[%swap3A_911, %swap3A_912], %swap3A_915 {strides = array<i32>} : memref<4x128xi32, #tpu.memory_space<vmem>>, vector<1x16xi32>,
        %shift_right_logical3A_916 = arith.constant 7 : i32
        %shift_right_logical3A_917 = vector.broadcast %shift_right_logical3A_916 : i32 to vector<16xi32>
        %shift_right_logical3A_918 = arith.shrui %get3A_906, %shift_right_logical3A_917 : vector<16xi32>
        %swap3A_919 = arith.constant 1 : i32
        %swap3A_920 = arith.index_cast %swap3A_919 : i32 to index
        %swap3A_921 = arith.constant 32 : index
        %swap3A_922 = tpu.vector_load %arg7[%swap3A_920, %swap3A_921] {strides = array<i32>} : memref<4x128xi32, #tpu.memory_space<vmem>>, vector<1x16xi32>,
        %swap3A_923 = vector.shape_cast %swap3A_922 : vector<1x16xi32> to vector<16xi32>
        %swap3A_924 = vector.shape_cast %shift_right_logical3A_918 : vector<16xi32> to vector<1x16xi32>
        tpu.vector_store %arg7[%swap3A_920, %swap3A_921], %swap3A_924 {strides = array<i32>} : memref<4x128xi32, #tpu.memory_space<vmem>>, vector<1x16xi32>,
        %get3A_925 = arith.index_cast %add3A_815 : i32 to index
        %get3A_926 = arith.constant 48 : index
        %get3A_927 = tpu.vector_load %arg5[%get3A_925, %get3A_926] {strides = array<i32>} : memref<80x128xi32, #tpu.memory_space<vmem>>, vector<1x16xi32>,
        %get3A_928 = vector.shape_cast %get3A_927 : vector<1x16xi32> to vector<16xi32>
        %and3A_929 = arith.constant 127 : i32
        %and3A_930 = vector.broadcast %and3A_929 : i32 to vector<16xi32>
        %and3A_931 = arith.andi %get3A_928, %and3A_930 : vector<16xi32>
        %swap3A_932 = arith.constant 1 : i32
        %swap3A_933 = arith.index_cast %swap3A_932 : i32 to index
        %swap3A_934 = arith.constant 48 : index
        %swap3A_935 = tpu.vector_load %arg6[%swap3A_933, %swap3A_934] {strides = array<i32>} : memref<4x128xi32, #tpu.memory_space<vmem>>, vector<1x16xi32>,
        %swap3A_936 = vector.shape_cast %swap3A_935 : vector<1x16xi32> to vector<16xi32>
        %swap3A_937 = vector.shape_cast %and3A_931 : vector<16xi32> to vector<1x16xi32>
        tpu.vector_store %arg6[%swap3A_933, %swap3A_934], %swap3A_937 {strides = array<i32>} : memref<4x128xi32, #tpu.memory_space<vmem>>, vector<1x16xi32>,
        %shift_right_logical3A_938 = arith.constant 7 : i32
        %shift_right_logical3A_939 = vector.broadcast %shift_right_logical3A_938 : i32 to vector<16xi32>
        %shift_right_logical3A_940 = arith.shrui %get3A_928, %shift_right_logical3A_939 : vector<16xi32>
        %swap3A_941 = arith.constant 1 : i32
        %swap3A_942 = arith.index_cast %swap3A_941 : i32 to index
        %swap3A_943 = arith.constant 48 : index
        %swap3A_944 = tpu.vector_load %arg7[%swap3A_942, %swap3A_943] {strides = array<i32>} : memref<4x128xi32, #tpu.memory_space<vmem>>, vector<1x16xi32>,
        %swap3A_945 = vector.shape_cast %swap3A_944 : vector<1x16xi32> to vector<16xi32>
        %swap3A_946 = vector.shape_cast %shift_right_logical3A_940 : vector<16xi32> to vector<1x16xi32>
        tpu.vector_store %arg7[%swap3A_942, %swap3A_943], %swap3A_946 {strides = array<i32>} : memref<4x128xi32, #tpu.memory_space<vmem>>, vector<1x16xi32>,
        %get3A_947 = arith.index_cast %add3A_815 : i32 to index
        %get3A_948 = arith.constant 64 : index
        %get3A_949 = tpu.vector_load %arg5[%get3A_947, %get3A_948] {strides = array<i32>} : memref<80x128xi32, #tpu.memory_space<vmem>>, vector<1x16xi32>,
        %get3A_950 = vector.shape_cast %get3A_949 : vector<1x16xi32> to vector<16xi32>
        %and3A_951 = arith.constant 127 : i32
        %and3A_952 = vector.broadcast %and3A_951 : i32 to vector<16xi32>
        %and3A_953 = arith.andi %get3A_950, %and3A_952 : vector<16xi32>
        %swap3A_954 = arith.constant 1 : i32
        %swap3A_955 = arith.index_cast %swap3A_954 : i32 to index
        %swap3A_956 = arith.constant 64 : index
        %swap3A_957 = tpu.vector_load %arg6[%swap3A_955, %swap3A_956] {strides = array<i32>} : memref<4x128xi32, #tpu.memory_space<vmem>>, vector<1x16xi32>,
        %swap3A_958 = vector.shape_cast %swap3A_957 : vector<1x16xi32> to vector<16xi32>
        %swap3A_959 = vector.shape_cast %and3A_953 : vector<16xi32> to vector<1x16xi32>
        tpu.vector_store %arg6[%swap3A_955, %swap3A_956], %swap3A_959 {strides = array<i32>} : memref<4x128xi32, #tpu.memory_space<vmem>>, vector<1x16xi32>,
        %shift_right_logical3A_960 = arith.constant 7 : i32
        %shift_right_logical3A_961 = vector.broadcast %shift_right_logical3A_960 : i32 to vector<16xi32>
        %shift_right_logical3A_962 = arith.shrui %get3A_950, %shift_right_logical3A_961 : vector<16xi32>
        %swap3A_963 = arith.constant 1 : i32
        %swap3A_964 = arith.index_cast %swap3A_963 : i32 to index
        %swap3A_965 = arith.constant 64 : index
        %swap3A_966 = tpu.vector_load %arg7[%swap3A_964, %swap3A_965] {strides = array<i32>} : memref<4x128xi32, #tpu.memory_space<vmem>>, vector<1x16xi32>,
        %swap3A_967 = vector.shape_cast %swap3A_966 : vector<1x16xi32> to vector<16xi32>
        %swap3A_968 = vector.shape_cast %shift_right_logical3A_962 : vector<16xi32> to vector<1x16xi32>
        tpu.vector_store %arg7[%swap3A_964, %swap3A_965], %swap3A_968 {strides = array<i32>} : memref<4x128xi32, #tpu.memory_space<vmem>>, vector<1x16xi32>,
        %get3A_969 = arith.index_cast %add3A_815 : i32 to index
        %get3A_970 = arith.constant 80 : index
        %get3A_971 = tpu.vector_load %arg5[%get3A_969, %get3A_970] {strides = array<i32>} : memref<80x128xi32, #tpu.memory_space<vmem>>, vector<1x16xi32>,
        %get3A_972 = vector.shape_cast %get3A_971 : vector<1x16xi32> to vector<16xi32>
        %and3A_973 = arith.constant 127 : i32
        %and3A_974 = vector.broadcast %and3A_973 : i32 to vector<16xi32>
        %and3A_975 = arith.andi %get3A_972, %and3A_974 : vector<16xi32>
        %swap3A_976 = arith.constant 1 : i32
        %swap3A_977 = arith.index_cast %swap3A_976 : i32 to index
        %swap3A_978 = arith.constant 80 : index
        %swap3A_979 = tpu.vector_load %arg6[%swap3A_977, %swap3A_978] {strides = array<i32>} : memref<4x128xi32, #tpu.memory_space<vmem>>, vector<1x16xi32>,
        %swap3A_980 = vector.shape_cast %swap3A_979 : vector<1x16xi32> to vector<16xi32>
        %swap3A_981 = vector.shape_cast %and3A_975 : vector<16xi32> to vector<1x16xi32>
        tpu.vector_store %arg6[%swap3A_977, %swap3A_978], %swap3A_981 {strides = array<i32>} : memref<4x128xi32, #tpu.memory_space<vmem>>, vector<1x16xi32>,
        %shift_right_logical3A_982 = arith.constant 7 : i32
        %shift_right_logical3A_983 = vector.broadcast %shift_right_logical3A_982 : i32 to vector<16xi32>
        %shift_right_logical3A_984 = arith.shrui %get3A_972, %shift_right_logical3A_983 : vector<16xi32>
        %swap3A_985 = arith.constant 1 : i32
        %swap3A_986 = arith.index_cast %swap3A_985 : i32 to index
        %swap3A_987 = arith.constant 80 : index
        %swap3A_988 = tpu.vector_load %arg7[%swap3A_986, %swap3A_987] {strides = array<i32>} : memref<4x128xi32, #tpu.memory_space<vmem>>, vector<1x16xi32>,
        %swap3A_989 = vector.shape_cast %swap3A_988 : vector<1x16xi32> to vector<16xi32>
        %swap3A_990 = vector.shape_cast %shift_right_logical3A_984 : vector<16xi32> to vector<1x16xi32>
        tpu.vector_store %arg7[%swap3A_986, %swap3A_987], %swap3A_990 {strides = array<i32>} : memref<4x128xi32, #tpu.memory_space<vmem>>, vector<1x16xi32>,
        %get3A_991 = arith.index_cast %add3A_815 : i32 to index
        %get3A_992 = arith.constant 96 : index
        %get3A_993 = tpu.vector_load %arg5[%get3A_991, %get3A_992] {strides = array<i32>} : memref<80x128xi32, #tpu.memory_space<vmem>>, vector<1x16xi32>,
        %get3A_994 = vector.shape_cast %get3A_993 : vector<1x16xi32> to vector<16xi32>
        %and3A_995 = arith.constant 127 : i32
        %and3A_996 = vector.broadcast %and3A_995 : i32 to vector<16xi32>
        %and3A_997 = arith.andi %get3A_994, %and3A_996 : vector<16xi32>
        %swap3A_998 = arith.constant 1 : i32
        %swap3A_999 = arith.index_cast %swap3A_998 : i32 to index
        %swap3A_1000 = arith.constant 96 : index
        %swap3A_1001 = tpu.vector_load %arg6[%swap3A_999, %swap3A_1000] {strides = array<i32>} : memref<4x128xi32, #tpu.memory_space<vmem>>, vector<1x16xi32>,
        %swap3A_1002 = vector.shape_cast %swap3A_1001 : vector<1x16xi32> to vector<16xi32>
        %swap3A_1003 = vector.shape_cast %and3A_997 : vector<16xi32> to vector<1x16xi32>
        tpu.vector_store %arg6[%swap3A_999, %swap3A_1000], %swap3A_1003 {strides = array<i32>} : memref<4x128xi32, #tpu.memory_space<vmem>>, vector<1x16xi32>,
        %shift_right_logical3A_1004 = arith.constant 7 : i32
        %shift_right_logical3A_1005 = vector.broadcast %shift_right_logical3A_1004 : i32 to vector<16xi32>
        %shift_right_logical3A_1006 = arith.shrui %get3A_994, %shift_right_logical3A_1005 : vector<16xi32>
        %swap3A_1007 = arith.constant 1 : i32
        %swap3A_1008 = arith.index_cast %swap3A_1007 : i32 to index
        %swap3A_1009 = arith.constant 96 : index
        %swap3A_1010 = tpu.vector_load %arg7[%swap3A_1008, %swap3A_1009] {strides = array<i32>} : memref<4x128xi32, #tpu.memory_space<vmem>>, vector<1x16xi32>,
        %swap3A_1011 = vector.shape_cast %swap3A_1010 : vector<1x16xi32> to vector<16xi32>
        %swap3A_1012 = vector.shape_cast %shift_right_logical3A_1006 : vector<16xi32> to vector<1x16xi32>
        tpu.vector_store %arg7[%swap3A_1008, %swap3A_1009], %swap3A_1012 {strides = array<i32>} : memref<4x128xi32, #tpu.memory_space<vmem>>, vector<1x16xi32>,
        %get3A_1013 = arith.index_cast %add3A_815 : i32 to index
        %get3A_1014 = arith.constant 112 : index
        %get3A_1015 = tpu.vector_load %arg5[%get3A_1013, %get3A_1014] {strides = array<i32>} : memref<80x128xi32, #tpu.memory_space<vmem>>, vector<1x16xi32>,
        %get3A_1016 = vector.shape_cast %get3A_1015 : vector<1x16xi32> to vector<16xi32>
        %and3A_1017 = arith.constant 127 : i32
        %and3A_1018 = vector.broadcast %and3A_1017 : i32 to vector<16xi32>
        %and3A_1019 = arith.andi %get3A_1016, %and3A_1018 : vector<16xi32>
        %swap3A_1020 = arith.constant 1 : i32
        %swap3A_1021 = arith.index_cast %swap3A_1020 : i32 to index
        %swap3A_1022 = arith.constant 112 : index
        %swap3A_1023 = tpu.vector_load %arg6[%swap3A_1021, %swap3A_1022] {strides = array<i32>} : memref<4x128xi32, #tpu.memory_space<vmem>>, vector<1x16xi32>,
        %swap3A_1024 = vector.shape_cast %swap3A_1023 : vector<1x16xi32> to vector<16xi32>
        %swap3A_1025 = vector.shape_cast %and3A_1019 : vector<16xi32> to vector<1x16xi32>
        tpu.vector_store %arg6[%swap3A_1021, %swap3A_1022], %swap3A_1025 {strides = array<i32>} : memref<4x128xi32, #tpu.memory_space<vmem>>, vector<1x16xi32>,
        %shift_right_logical3A_1026 = arith.constant 7 : i32
        %shift_right_logical3A_1027 = vector.broadcast %shift_right_logical3A_1026 : i32 to vector<16xi32>
        %shift_right_logical3A_1028 = arith.shrui %get3A_1016, %shift_right_logical3A_1027 : vector<16xi32>
        %swap3A_1029 = arith.constant 1 : i32
        %swap3A_1030 = arith.index_cast %swap3A_1029 : i32 to index
        %swap3A_1031 = arith.constant 112 : index
        %swap3A_1032 = tpu.vector_load %arg7[%swap3A_1030, %swap3A_1031] {strides = array<i32>} : memref<4x128xi32, #tpu.memory_space<vmem>>, vector<1x16xi32>,
        %swap3A_1033 = vector.shape_cast %swap3A_1032 : vector<1x16xi32> to vector<16xi32>
        %swap3A_1034 = vector.shape_cast %shift_right_logical3A_1028 : vector<16xi32> to vector<1x16xi32>
        tpu.vector_store %arg7[%swap3A_1030, %swap3A_1031], %swap3A_1034 {strides = array<i32>} : memref<4x128xi32, #tpu.memory_space<vmem>>, vector<1x16xi32>,
        %dma_start3A_1035 = arith.constant 1 : i32
        %dma_start3A_1036 = arith.constant 0 : i32
        %dma_start3A_1037 = tpu.memref_slice %arg6[%dma_start3A_1035, %dma_start3A_1036] : memref<4x128xi32, #tpu.memory_space<vmem>> -> memref<1x128xi32, #tpu.memory_space<vmem>>
        %dma_start3A_1038 = tpu.memref_squeeze %dma_start3A_1037 : memref<1x128xi32, #tpu.memory_space<vmem>> -> memref<128xi32, #tpu.memory_space<vmem>>
        %dma_start3A_1039 = arith.constant 0 : i32
        %dma_start3A_1040 = arith.constant 0 : i32
        %dma_start3A_1041 = tpu.memref_slice %arg13[%dma_start3A_1039, %dma_start3A_1040] : memref<128x128xf32, #tpu.memory_space<vmem_shared>> -> memref<128x128xf32, #tpu.memory_space<vmem_shared>>
        tpu.enqueue_indirect_dma source(%dma_start3A_1041 : memref<128x128xf32, #tpu.memory_space<vmem_shared>>) target(%arg9 : memref<128x128xf32, #tpu.memory_space<vmem>>) offsets(%dma_start3A_1038 : memref<128xi32, #tpu.memory_space<vmem>>) semaphore(%arg16 : memref<!tpu.dma_semaphore, #tpu.memory_space<semaphore_mem>>)
      } else {
      }
      %mul3A_821 = arith.constant 4 : i32
      %mul3A_822 = arith.muli %scan3A_785, %mul3A_821 : i32
      %add3A_823 = arith.constant 2 : i32
      %add3A_824 = arith.addi %mul3A_822, %add3A_823 : i32
      %dma_wait3A_825 = arith.constant 2 : i32
      %dma_wait3A_826 = arith.constant 0 : i32
      %dma_wait3A_827 = tpu.memref_slice %arg6[%dma_wait3A_825, %dma_wait3A_826] : memref<4x128xi32, #tpu.memory_space<vmem>> -> memref<1x128xi32, #tpu.memory_space<vmem>>
      %dma_wait3A_828 = tpu.memref_squeeze %dma_wait3A_827 : memref<1x128xi32, #tpu.memory_space<vmem>> -> memref<128xi32, #tpu.memory_space<vmem>>
      %dma_wait3A_829 = arith.constant 0 : i32
      %dma_wait3A_830 = arith.constant 0 : i32
      %dma_wait3A_831 = tpu.memref_slice %arg13[%dma_wait3A_829, %dma_wait3A_830] : memref<128x128xf32, #tpu.memory_space<vmem_shared>> -> memref<128x128xf32, #tpu.memory_space<vmem_shared>>
      tpu.wait_indirect_dma semaphore(%arg17 : memref<!tpu.dma_semaphore, #tpu.memory_space<semaphore_mem>>) src(%dma_wait3A_831 : memref<128x128xf32, #tpu.memory_space<vmem_shared>>) dst(%arg10 : memref<128x128xf32, #tpu.memory_space<vmem>>)
      %run_scoped3A_832 = arith.constant 2 : i32
      "tpu.region"() ({
        %run_scoped3A_859 = tpu.sem_alloc : memref<!tpu.dma_semaphore, #tpu.memory_space<semaphore_mem>>
        %dma_start3A_860 = arith.constant 0 : i32
        %dma_start3A_861 = tpu.memref_slice %arg7[%run_scoped3A_832, %dma_start3A_860] : memref<4x128xi32, #tpu.memory_space<vmem>> -> memref<1x128xi32, #tpu.memory_space<vmem>>
        %dma_start3A_862 = tpu.memref_squeeze %dma_start3A_861 : memref<1x128xi32, #tpu.memory_space<vmem>> -> memref<128xi32, #tpu.memory_space<vmem>>
        %dma_start3A_863 = arith.constant 0 : i32
        %dma_start3A_864 = arith.constant 0 : i32
        %dma_start3A_865 = tpu.memref_slice %arg14[%dma_start3A_863, %dma_start3A_864] : memref<80x128xf32, #tpu.memory_space<vmem_shared>> -> memref<80x128xf32, #tpu.memory_space<vmem_shared>>
        tpu.enqueue_indirect_dma source(%arg10 : memref<128x128xf32, #tpu.memory_space<vmem>>) target(%dma_start3A_865 : memref<80x128xf32, #tpu.memory_space<vmem_shared>>) offsets(%dma_start3A_862 : memref<128xi32, #tpu.memory_space<vmem>>) semaphore(%run_scoped3A_859 : memref<!tpu.dma_semaphore, #tpu.memory_space<semaphore_mem>>) {add = true}
        %dma_wait3A_866 = arith.constant 0 : i32
        %dma_wait3A_867 = tpu.memref_slice %arg7[%run_scoped3A_832, %dma_wait3A_866] : memref<4x128xi32, #tpu.memory_space<vmem>> -> memref<1x128xi32, #tpu.memory_space<vmem>>
        %dma_wait3A_868 = tpu.memref_squeeze %dma_wait3A_867 : memref<1x128xi32, #tpu.memory_space<vmem>> -> memref<128xi32, #tpu.memory_space<vmem>>
        %dma_wait3A_869 = arith.constant 0 : i32
        %dma_wait3A_870 = arith.constant 0 : i32
        %dma_wait3A_871 = tpu.memref_slice %arg14[%dma_wait3A_869, %dma_wait3A_870] : memref<80x128xf32, #tpu.memory_space<vmem_shared>> -> memref<80x128xf32, #tpu.memory_space<vmem_shared>>
        tpu.wait_indirect_dma semaphore(%run_scoped3A_859 : memref<!tpu.dma_semaphore, #tpu.memory_space<semaphore_mem>>) src(%arg10 : memref<128x128xf32, #tpu.memory_space<vmem>>) dst(%dma_wait3A_871 : memref<80x128xf32, #tpu.memory_space<vmem_shared>>)
        tpu.yield
      }) : () -> ()
      %add3A_833 = arith.constant 4 : i32
      %add3A_834 = arith.addi %add3A_824, %add3A_833 : i32
      %lt3A_835 = arith.constant 80 : i32
      %lt3A_836 = arith.cmpi slt, %add3A_834, %lt3A_835 : i32
      %convert_element_type3A_837 = arith.extui %lt3A_836 : i1 to i32
      %cond3A_838 = arith.constant 0 : i32
      %cond3A_839 = arith.cmpi ne, %convert_element_type3A_837, %cond3A_838 : i32
      scf.if %cond3A_839 {
        %get3A_859 = arith.index_cast %add3A_834 : i32 to index
        %get3A_860 = arith.constant 0 : index
        %get3A_861 = tpu.vector_load %arg5[%get3A_859, %get3A_860] {strides = array<i32>} : memref<80x128xi32, #tpu.memory_space<vmem>>, vector<1x16xi32>,
        %get3A_862 = vector.shape_cast %get3A_861 : vector<1x16xi32> to vector<16xi32>
        %and3A_863 = arith.constant 127 : i32
        %and3A_864 = vector.broadcast %and3A_863 : i32 to vector<16xi32>
        %and3A_865 = arith.andi %get3A_862, %and3A_864 : vector<16xi32>
        %swap3A_866 = arith.constant 2 : i32
        %swap3A_867 = arith.index_cast %swap3A_866 : i32 to index
        %swap3A_868 = arith.constant 0 : index
        %swap3A_869 = tpu.vector_load %arg6[%swap3A_867, %swap3A_868] {strides = array<i32>} : memref<4x128xi32, #tpu.memory_space<vmem>>, vector<1x16xi32>,
        %swap3A_870 = vector.shape_cast %swap3A_869 : vector<1x16xi32> to vector<16xi32>
        %swap3A_871 = vector.shape_cast %and3A_865 : vector<16xi32> to vector<1x16xi32>
        tpu.vector_store %arg6[%swap3A_867, %swap3A_868], %swap3A_871 {strides = array<i32>} : memref<4x128xi32, #tpu.memory_space<vmem>>, vector<1x16xi32>,
        %shift_right_logical3A_872 = arith.constant 7 : i32
        %shift_right_logical3A_873 = vector.broadcast %shift_right_logical3A_872 : i32 to vector<16xi32>
        %shift_right_logical3A_874 = arith.shrui %get3A_862, %shift_right_logical3A_873 : vector<16xi32>
        %swap3A_875 = arith.constant 2 : i32
        %swap3A_876 = arith.index_cast %swap3A_875 : i32 to index
        %swap3A_877 = arith.constant 0 : index
        %swap3A_878 = tpu.vector_load %arg7[%swap3A_876, %swap3A_877] {strides = array<i32>} : memref<4x128xi32, #tpu.memory_space<vmem>>, vector<1x16xi32>,
        %swap3A_879 = vector.shape_cast %swap3A_878 : vector<1x16xi32> to vector<16xi32>
        %swap3A_880 = vector.shape_cast %shift_right_logical3A_874 : vector<16xi32> to vector<1x16xi32>
        tpu.vector_store %arg7[%swap3A_876, %swap3A_877], %swap3A_880 {strides = array<i32>} : memref<4x128xi32, #tpu.memory_space<vmem>>, vector<1x16xi32>,
        %get3A_881 = arith.index_cast %add3A_834 : i32 to index
        %get3A_882 = arith.constant 16 : index
        %get3A_883 = tpu.vector_load %arg5[%get3A_881, %get3A_882] {strides = array<i32>} : memref<80x128xi32, #tpu.memory_space<vmem>>, vector<1x16xi32>,
        %get3A_884 = vector.shape_cast %get3A_883 : vector<1x16xi32> to vector<16xi32>
        %and3A_885 = arith.constant 127 : i32
        %and3A_886 = vector.broadcast %and3A_885 : i32 to vector<16xi32>
        %and3A_887 = arith.andi %get3A_884, %and3A_886 : vector<16xi32>
        %swap3A_888 = arith.constant 2 : i32
        %swap3A_889 = arith.index_cast %swap3A_888 : i32 to index
        %swap3A_890 = arith.constant 16 : index
        %swap3A_891 = tpu.vector_load %arg6[%swap3A_889, %swap3A_890] {strides = array<i32>} : memref<4x128xi32, #tpu.memory_space<vmem>>, vector<1x16xi32>,
        %swap3A_892 = vector.shape_cast %swap3A_891 : vector<1x16xi32> to vector<16xi32>
        %swap3A_893 = vector.shape_cast %and3A_887 : vector<16xi32> to vector<1x16xi32>
        tpu.vector_store %arg6[%swap3A_889, %swap3A_890], %swap3A_893 {strides = array<i32>} : memref<4x128xi32, #tpu.memory_space<vmem>>, vector<1x16xi32>,
        %shift_right_logical3A_894 = arith.constant 7 : i32
        %shift_right_logical3A_895 = vector.broadcast %shift_right_logical3A_894 : i32 to vector<16xi32>
        %shift_right_logical3A_896 = arith.shrui %get3A_884, %shift_right_logical3A_895 : vector<16xi32>
        %swap3A_897 = arith.constant 2 : i32
        %swap3A_898 = arith.index_cast %swap3A_897 : i32 to index
        %swap3A_899 = arith.constant 16 : index
        %swap3A_900 = tpu.vector_load %arg7[%swap3A_898, %swap3A_899] {strides = array<i32>} : memref<4x128xi32, #tpu.memory_space<vmem>>, vector<1x16xi32>,
        %swap3A_901 = vector.shape_cast %swap3A_900 : vector<1x16xi32> to vector<16xi32>
        %swap3A_902 = vector.shape_cast %shift_right_logical3A_896 : vector<16xi32> to vector<1x16xi32>
        tpu.vector_store %arg7[%swap3A_898, %swap3A_899], %swap3A_902 {strides = array<i32>} : memref<4x128xi32, #tpu.memory_space<vmem>>, vector<1x16xi32>,
        %get3A_903 = arith.index_cast %add3A_834 : i32 to index
        %get3A_904 = arith.constant 32 : index
        %get3A_905 = tpu.vector_load %arg5[%get3A_903, %get3A_904] {strides = array<i32>} : memref<80x128xi32, #tpu.memory_space<vmem>>, vector<1x16xi32>,
        %get3A_906 = vector.shape_cast %get3A_905 : vector<1x16xi32> to vector<16xi32>
        %and3A_907 = arith.constant 127 : i32
        %and3A_908 = vector.broadcast %and3A_907 : i32 to vector<16xi32>
        %and3A_909 = arith.andi %get3A_906, %and3A_908 : vector<16xi32>
        %swap3A_910 = arith.constant 2 : i32
        %swap3A_911 = arith.index_cast %swap3A_910 : i32 to index
        %swap3A_912 = arith.constant 32 : index
        %swap3A_913 = tpu.vector_load %arg6[%swap3A_911, %swap3A_912] {strides = array<i32>} : memref<4x128xi32, #tpu.memory_space<vmem>>, vector<1x16xi32>,
        %swap3A_914 = vector.shape_cast %swap3A_913 : vector<1x16xi32> to vector<16xi32>
        %swap3A_915 = vector.shape_cast %and3A_909 : vector<16xi32> to vector<1x16xi32>
        tpu.vector_store %arg6[%swap3A_911, %swap3A_912], %swap3A_915 {strides = array<i32>} : memref<4x128xi32, #tpu.memory_space<vmem>>, vector<1x16xi32>,
        %shift_right_logical3A_916 = arith.constant 7 : i32
        %shift_right_logical3A_917 = vector.broadcast %shift_right_logical3A_916 : i32 to vector<16xi32>
        %shift_right_logical3A_918 = arith.shrui %get3A_906, %shift_right_logical3A_917 : vector<16xi32>
        %swap3A_919 = arith.constant 2 : i32
        %swap3A_920 = arith.index_cast %swap3A_919 : i32 to index
        %swap3A_921 = arith.constant 32 : index
        %swap3A_922 = tpu.vector_load %arg7[%swap3A_920, %swap3A_921] {strides = array<i32>} : memref<4x128xi32, #tpu.memory_space<vmem>>, vector<1x16xi32>,
        %swap3A_923 = vector.shape_cast %swap3A_922 : vector<1x16xi32> to vector<16xi32>
        %swap3A_924 = vector.shape_cast %shift_right_logical3A_918 : vector<16xi32> to vector<1x16xi32>
        tpu.vector_store %arg7[%swap3A_920, %swap3A_921], %swap3A_924 {strides = array<i32>} : memref<4x128xi32, #tpu.memory_space<vmem>>, vector<1x16xi32>,
        %get3A_925 = arith.index_cast %add3A_834 : i32 to index
        %get3A_926 = arith.constant 48 : index
        %get3A_927 = tpu.vector_load %arg5[%get3A_925, %get3A_926] {strides = array<i32>} : memref<80x128xi32, #tpu.memory_space<vmem>>, vector<1x16xi32>,
        %get3A_928 = vector.shape_cast %get3A_927 : vector<1x16xi32> to vector<16xi32>
        %and3A_929 = arith.constant 127 : i32
        %and3A_930 = vector.broadcast %and3A_929 : i32 to vector<16xi32>
        %and3A_931 = arith.andi %get3A_928, %and3A_930 : vector<16xi32>
        %swap3A_932 = arith.constant 2 : i32
        %swap3A_933 = arith.index_cast %swap3A_932 : i32 to index
        %swap3A_934 = arith.constant 48 : index
        %swap3A_935 = tpu.vector_load %arg6[%swap3A_933, %swap3A_934] {strides = array<i32>} : memref<4x128xi32, #tpu.memory_space<vmem>>, vector<1x16xi32>,
        %swap3A_936 = vector.shape_cast %swap3A_935 : vector<1x16xi32> to vector<16xi32>
        %swap3A_937 = vector.shape_cast %and3A_931 : vector<16xi32> to vector<1x16xi32>
        tpu.vector_store %arg6[%swap3A_933, %swap3A_934], %swap3A_937 {strides = array<i32>} : memref<4x128xi32, #tpu.memory_space<vmem>>, vector<1x16xi32>,
        %shift_right_logical3A_938 = arith.constant 7 : i32
        %shift_right_logical3A_939 = vector.broadcast %shift_right_logical3A_938 : i32 to vector<16xi32>
        %shift_right_logical3A_940 = arith.shrui %get3A_928, %shift_right_logical3A_939 : vector<16xi32>
        %swap3A_941 = arith.constant 2 : i32
        %swap3A_942 = arith.index_cast %swap3A_941 : i32 to index
        %swap3A_943 = arith.constant 48 : index
        %swap3A_944 = tpu.vector_load %arg7[%swap3A_942, %swap3A_943] {strides = array<i32>} : memref<4x128xi32, #tpu.memory_space<vmem>>, vector<1x16xi32>,
        %swap3A_945 = vector.shape_cast %swap3A_944 : vector<1x16xi32> to vector<16xi32>
        %swap3A_946 = vector.shape_cast %shift_right_logical3A_940 : vector<16xi32> to vector<1x16xi32>
        tpu.vector_store %arg7[%swap3A_942, %swap3A_943], %swap3A_946 {strides = array<i32>} : memref<4x128xi32, #tpu.memory_space<vmem>>, vector<1x16xi32>,
        %get3A_947 = arith.index_cast %add3A_834 : i32 to index
        %get3A_948 = arith.constant 64 : index
        %get3A_949 = tpu.vector_load %arg5[%get3A_947, %get3A_948] {strides = array<i32>} : memref<80x128xi32, #tpu.memory_space<vmem>>, vector<1x16xi32>,
        %get3A_950 = vector.shape_cast %get3A_949 : vector<1x16xi32> to vector<16xi32>
        %and3A_951 = arith.constant 127 : i32
        %and3A_952 = vector.broadcast %and3A_951 : i32 to vector<16xi32>
        %and3A_953 = arith.andi %get3A_950, %and3A_952 : vector<16xi32>
        %swap3A_954 = arith.constant 2 : i32
        %swap3A_955 = arith.index_cast %swap3A_954 : i32 to index
        %swap3A_956 = arith.constant 64 : index
        %swap3A_957 = tpu.vector_load %arg6[%swap3A_955, %swap3A_956] {strides = array<i32>} : memref<4x128xi32, #tpu.memory_space<vmem>>, vector<1x16xi32>,
        %swap3A_958 = vector.shape_cast %swap3A_957 : vector<1x16xi32> to vector<16xi32>
        %swap3A_959 = vector.shape_cast %and3A_953 : vector<16xi32> to vector<1x16xi32>
        tpu.vector_store %arg6[%swap3A_955, %swap3A_956], %swap3A_959 {strides = array<i32>} : memref<4x128xi32, #tpu.memory_space<vmem>>, vector<1x16xi32>,
        %shift_right_logical3A_960 = arith.constant 7 : i32
        %shift_right_logical3A_961 = vector.broadcast %shift_right_logical3A_960 : i32 to vector<16xi32>
        %shift_right_logical3A_962 = arith.shrui %get3A_950, %shift_right_logical3A_961 : vector<16xi32>
        %swap3A_963 = arith.constant 2 : i32
        %swap3A_964 = arith.index_cast %swap3A_963 : i32 to index
        %swap3A_965 = arith.constant 64 : index
        %swap3A_966 = tpu.vector_load %arg7[%swap3A_964, %swap3A_965] {strides = array<i32>} : memref<4x128xi32, #tpu.memory_space<vmem>>, vector<1x16xi32>,
        %swap3A_967 = vector.shape_cast %swap3A_966 : vector<1x16xi32> to vector<16xi32>
        %swap3A_968 = vector.shape_cast %shift_right_logical3A_962 : vector<16xi32> to vector<1x16xi32>
        tpu.vector_store %arg7[%swap3A_964, %swap3A_965], %swap3A_968 {strides = array<i32>} : memref<4x128xi32, #tpu.memory_space<vmem>>, vector<1x16xi32>,
        %get3A_969 = arith.index_cast %add3A_834 : i32 to index
        %get3A_970 = arith.constant 80 : index
        %get3A_971 = tpu.vector_load %arg5[%get3A_969, %get3A_970] {strides = array<i32>} : memref<80x128xi32, #tpu.memory_space<vmem>>, vector<1x16xi32>,
        %get3A_972 = vector.shape_cast %get3A_971 : vector<1x16xi32> to vector<16xi32>
        %and3A_973 = arith.constant 127 : i32
        %and3A_974 = vector.broadcast %and3A_973 : i32 to vector<16xi32>
        %and3A_975 = arith.andi %get3A_972, %and3A_974 : vector<16xi32>
        %swap3A_976 = arith.constant 2 : i32
        %swap3A_977 = arith.index_cast %swap3A_976 : i32 to index
        %swap3A_978 = arith.constant 80 : index
        %swap3A_979 = tpu.vector_load %arg6[%swap3A_977, %swap3A_978] {strides = array<i32>} : memref<4x128xi32, #tpu.memory_space<vmem>>, vector<1x16xi32>,
        %swap3A_980 = vector.shape_cast %swap3A_979 : vector<1x16xi32> to vector<16xi32>
        %swap3A_981 = vector.shape_cast %and3A_975 : vector<16xi32> to vector<1x16xi32>
        tpu.vector_store %arg6[%swap3A_977, %swap3A_978], %swap3A_981 {strides = array<i32>} : memref<4x128xi32, #tpu.memory_space<vmem>>, vector<1x16xi32>,
        %shift_right_logical3A_982 = arith.constant 7 : i32
        %shift_right_logical3A_983 = vector.broadcast %shift_right_logical3A_982 : i32 to vector<16xi32>
        %shift_right_logical3A_984 = arith.shrui %get3A_972, %shift_right_logical3A_983 : vector<16xi32>
        %swap3A_985 = arith.constant 2 : i32
        %swap3A_986 = arith.index_cast %swap3A_985 : i32 to index
        %swap3A_987 = arith.constant 80 : index
        %swap3A_988 = tpu.vector_load %arg7[%swap3A_986, %swap3A_987] {strides = array<i32>} : memref<4x128xi32, #tpu.memory_space<vmem>>, vector<1x16xi32>,
        %swap3A_989 = vector.shape_cast %swap3A_988 : vector<1x16xi32> to vector<16xi32>
        %swap3A_990 = vector.shape_cast %shift_right_logical3A_984 : vector<16xi32> to vector<1x16xi32>
        tpu.vector_store %arg7[%swap3A_986, %swap3A_987], %swap3A_990 {strides = array<i32>} : memref<4x128xi32, #tpu.memory_space<vmem>>, vector<1x16xi32>,
        %get3A_991 = arith.index_cast %add3A_834 : i32 to index
        %get3A_992 = arith.constant 96 : index
        %get3A_993 = tpu.vector_load %arg5[%get3A_991, %get3A_992] {strides = array<i32>} : memref<80x128xi32, #tpu.memory_space<vmem>>, vector<1x16xi32>,
        %get3A_994 = vector.shape_cast %get3A_993 : vector<1x16xi32> to vector<16xi32>
        %and3A_995 = arith.constant 127 : i32
        %and3A_996 = vector.broadcast %and3A_995 : i32 to vector<16xi32>
        %and3A_997 = arith.andi %get3A_994, %and3A_996 : vector<16xi32>
        %swap3A_998 = arith.constant 2 : i32
        %swap3A_999 = arith.index_cast %swap3A_998 : i32 to index
        %swap3A_1000 = arith.constant 96 : index
        %swap3A_1001 = tpu.vector_load %arg6[%swap3A_999, %swap3A_1000] {strides = array<i32>} : memref<4x128xi32, #tpu.memory_space<vmem>>, vector<1x16xi32>,
        %swap3A_1002 = vector.shape_cast %swap3A_1001 : vector<1x16xi32> to vector<16xi32>
        %swap3A_1003 = vector.shape_cast %and3A_997 : vector<16xi32> to vector<1x16xi32>
        tpu.vector_store %arg6[%swap3A_999, %swap3A_1000], %swap3A_1003 {strides = array<i32>} : memref<4x128xi32, #tpu.memory_space<vmem>>, vector<1x16xi32>,
        %shift_right_logical3A_1004 = arith.constant 7 : i32
        %shift_right_logical3A_1005 = vector.broadcast %shift_right_logical3A_1004 : i32 to vector<16xi32>
        %shift_right_logical3A_1006 = arith.shrui %get3A_994, %shift_right_logical3A_1005 : vector<16xi32>
        %swap3A_1007 = arith.constant 2 : i32
        %swap3A_1008 = arith.index_cast %swap3A_1007 : i32 to index
        %swap3A_1009 = arith.constant 96 : index
        %swap3A_1010 = tpu.vector_load %arg7[%swap3A_1008, %swap3A_1009] {strides = array<i32>} : memref<4x128xi32, #tpu.memory_space<vmem>>, vector<1x16xi32>,
        %swap3A_1011 = vector.shape_cast %swap3A_1010 : vector<1x16xi32> to vector<16xi32>
        %swap3A_1012 = vector.shape_cast %shift_right_logical3A_1006 : vector<16xi32> to vector<1x16xi32>
        tpu.vector_store %arg7[%swap3A_1008, %swap3A_1009], %swap3A_1012 {strides = array<i32>} : memref<4x128xi32, #tpu.memory_space<vmem>>, vector<1x16xi32>,
        %get3A_1013 = arith.index_cast %add3A_834 : i32 to index
        %get3A_1014 = arith.constant 112 : index
        %get3A_1015 = tpu.vector_load %arg5[%get3A_1013, %get3A_1014] {strides = array<i32>} : memref<80x128xi32, #tpu.memory_space<vmem>>, vector<1x16xi32>,
        %get3A_1016 = vector.shape_cast %get3A_1015 : vector<1x16xi32> to vector<16xi32>
        %and3A_1017 = arith.constant 127 : i32
        %and3A_1018 = vector.broadcast %and3A_1017 : i32 to vector<16xi32>
        %and3A_1019 = arith.andi %get3A_1016, %and3A_1018 : vector<16xi32>
        %swap3A_1020 = arith.constant 2 : i32
        %swap3A_1021 = arith.index_cast %swap3A_1020 : i32 to index
        %swap3A_1022 = arith.constant 112 : index
        %swap3A_1023 = tpu.vector_load %arg6[%swap3A_1021, %swap3A_1022] {strides = array<i32>} : memref<4x128xi32, #tpu.memory_space<vmem>>, vector<1x16xi32>,
        %swap3A_1024 = vector.shape_cast %swap3A_1023 : vector<1x16xi32> to vector<16xi32>
        %swap3A_1025 = vector.shape_cast %and3A_1019 : vector<16xi32> to vector<1x16xi32>
        tpu.vector_store %arg6[%swap3A_1021, %swap3A_1022], %swap3A_1025 {strides = array<i32>} : memref<4x128xi32, #tpu.memory_space<vmem>>, vector<1x16xi32>,
        %shift_right_logical3A_1026 = arith.constant 7 : i32
        %shift_right_logical3A_1027 = vector.broadcast %shift_right_logical3A_1026 : i32 to vector<16xi32>
        %shift_right_logical3A_1028 = arith.shrui %get3A_1016, %shift_right_logical3A_1027 : vector<16xi32>
        %swap3A_1029 = arith.constant 2 : i32
        %swap3A_1030 = arith.index_cast %swap3A_1029 : i32 to index
        %swap3A_1031 = arith.constant 112 : index
        %swap3A_1032 = tpu.vector_load %arg7[%swap3A_1030, %swap3A_1031] {strides = array<i32>} : memref<4x128xi32, #tpu.memory_space<vmem>>, vector<1x16xi32>,
        %swap3A_1033 = vector.shape_cast %swap3A_1032 : vector<1x16xi32> to vector<16xi32>
        %swap3A_1034 = vector.shape_cast %shift_right_logical3A_1028 : vector<16xi32> to vector<1x16xi32>
        tpu.vector_store %arg7[%swap3A_1030, %swap3A_1031], %swap3A_1034 {strides = array<i32>} : memref<4x128xi32, #tpu.memory_space<vmem>>, vector<1x16xi32>,
        %dma_start3A_1035 = arith.constant 2 : i32
        %dma_start3A_1036 = arith.constant 0 : i32
        %dma_start3A_1037 = tpu.memref_slice %arg6[%dma_start3A_1035, %dma_start3A_1036] : memref<4x128xi32, #tpu.memory_space<vmem>> -> memref<1x128xi32, #tpu.memory_space<vmem>>
        %dma_start3A_1038 = tpu.memref_squeeze %dma_start3A_1037 : memref<1x128xi32, #tpu.memory_space<vmem>> -> memref<128xi32, #tpu.memory_space<vmem>>
        %dma_start3A_1039 = arith.constant 0 : i32
        %dma_start3A_1040 = arith.constant 0 : i32
        %dma_start3A_1041 = tpu.memref_slice %arg13[%dma_start3A_1039, %dma_start3A_1040] : memref<128x128xf32, #tpu.memory_space<vmem_shared>> -> memref<128x128xf32, #tpu.memory_space<vmem_shared>>
        tpu.enqueue_indirect_dma source(%dma_start3A_1041 : memref<128x128xf32, #tpu.memory_space<vmem_shared>>) target(%arg10 : memref<128x128xf32, #tpu.memory_space<vmem>>) offsets(%dma_start3A_1038 : memref<128xi32, #tpu.memory_space<vmem>>) semaphore(%arg17 : memref<!tpu.dma_semaphore, #tpu.memory_space<semaphore_mem>>)
      } else {
      }
      %mul3A_840 = arith.constant 4 : i32
      %mul3A_841 = arith.muli %scan3A_785, %mul3A_840 : i32
      %add3A_842 = arith.constant 3 : i32
      %add3A_843 = arith.addi %mul3A_841, %add3A_842 : i32
      %dma_wait3A_844 = arith.constant 3 : i32
      %dma_wait3A_845 = arith.constant 0 : i32
      %dma_wait3A_846 = tpu.memref_slice %arg6[%dma_wait3A_844, %dma_wait3A_845] : memref<4x128xi32, #tpu.memory_space<vmem>> -> memref<1x128xi32, #tpu.memory_space<vmem>>
      %dma_wait3A_847 = tpu.memref_squeeze %dma_wait3A_846 : memref<1x128xi32, #tpu.memory_space<vmem>> -> memref<128xi32, #tpu.memory_space<vmem>>
      %dma_wait3A_848 = arith.constant 0 : i32
      %dma_wait3A_849 = arith.constant 0 : i32
      %dma_wait3A_850 = tpu.memref_slice %arg13[%dma_wait3A_848, %dma_wait3A_849] : memref<128x128xf32, #tpu.memory_space<vmem_shared>> -> memref<128x128xf32, #tpu.memory_space<vmem_shared>>
      tpu.wait_indirect_dma semaphore(%arg18 : memref<!tpu.dma_semaphore, #tpu.memory_space<semaphore_mem>>) src(%dma_wait3A_850 : memref<128x128xf32, #tpu.memory_space<vmem_shared>>) dst(%arg11 : memref<128x128xf32, #tpu.memory_space<vmem>>)
      %run_scoped3A_851 = arith.constant 3 : i32
      "tpu.region"() ({
        %run_scoped3A_859 = tpu.sem_alloc : memref<!tpu.dma_semaphore, #tpu.memory_space<semaphore_mem>>
        %dma_start3A_860 = arith.constant 0 : i32
        %dma_start3A_861 = tpu.memref_slice %arg7[%run_scoped3A_851, %dma_start3A_860] : memref<4x128xi32, #tpu.memory_space<vmem>> -> memref<1x128xi32, #tpu.memory_space<vmem>>
        %dma_start3A_862 = tpu.memref_squeeze %dma_start3A_861 : memref<1x128xi32, #tpu.memory_space<vmem>> -> memref<128xi32, #tpu.memory_space<vmem>>
        %dma_start3A_863 = arith.constant 0 : i32
        %dma_start3A_864 = arith.constant 0 : i32
        %dma_start3A_865 = tpu.memref_slice %arg14[%dma_start3A_863, %dma_start3A_864] : memref<80x128xf32, #tpu.memory_space<vmem_shared>> -> memref<80x128xf32, #tpu.memory_space<vmem_shared>>
        tpu.enqueue_indirect_dma source(%arg11 : memref<128x128xf32, #tpu.memory_space<vmem>>) target(%dma_start3A_865 : memref<80x128xf32, #tpu.memory_space<vmem_shared>>) offsets(%dma_start3A_862 : memref<128xi32, #tpu.memory_space<vmem>>) semaphore(%run_scoped3A_859 : memref<!tpu.dma_semaphore, #tpu.memory_space<semaphore_mem>>) {add = true}
        %dma_wait3A_866 = arith.constant 0 : i32
        %dma_wait3A_867 = tpu.memref_slice %arg7[%run_scoped3A_851, %dma_wait3A_866] : memref<4x128xi32, #tpu.memory_space<vmem>> -> memref<1x128xi32, #tpu.memory_space<vmem>>
        %dma_wait3A_868 = tpu.memref_squeeze %dma_wait3A_867 : memref<1x128xi32, #tpu.memory_space<vmem>> -> memref<128xi32, #tpu.memory_space<vmem>>
        %dma_wait3A_869 = arith.constant 0 : i32
        %dma_wait3A_870 = arith.constant 0 : i32
        %dma_wait3A_871 = tpu.memref_slice %arg14[%dma_wait3A_869, %dma_wait3A_870] : memref<80x128xf32, #tpu.memory_space<vmem_shared>> -> memref<80x128xf32, #tpu.memory_space<vmem_shared>>
        tpu.wait_indirect_dma semaphore(%run_scoped3A_859 : memref<!tpu.dma_semaphore, #tpu.memory_space<semaphore_mem>>) src(%arg11 : memref<128x128xf32, #tpu.memory_space<vmem>>) dst(%dma_wait3A_871 : memref<80x128xf32, #tpu.memory_space<vmem_shared>>)
        tpu.yield
      }) : () -> ()
      %add3A_852 = arith.constant 4 : i32
      %add3A_853 = arith.addi %add3A_843, %add3A_852 : i32
      %lt3A_854 = arith.constant 80 : i32
      %lt3A_855 = arith.cmpi slt, %add3A_853, %lt3A_854 : i32
      %convert_element_type3A_856 = arith.extui %lt3A_855 : i1 to i32
      %cond3A_857 = arith.constant 0 : i32
      %cond3A_858 = arith.cmpi ne, %convert_element_type3A_856, %cond3A_857 : i32
      scf.if %cond3A_858 {
        %get3A_859 = arith.index_cast %add3A_853 : i32 to index
        %get3A_860 = arith.constant 0 : index
        %get3A_861 = tpu.vector_load %arg5[%get3A_859, %get3A_860] {strides = array<i32>} : memref<80x128xi32, #tpu.memory_space<vmem>>, vector<1x16xi32>,
        %get3A_862 = vector.shape_cast %get3A_861 : vector<1x16xi32> to vector<16xi32>
        %and3A_863 = arith.constant 127 : i32
        %and3A_864 = vector.broadcast %and3A_863 : i32 to vector<16xi32>
        %and3A_865 = arith.andi %get3A_862, %and3A_864 : vector<16xi32>
        %swap3A_866 = arith.constant 3 : i32
        %swap3A_867 = arith.index_cast %swap3A_866 : i32 to index
        %swap3A_868 = arith.constant 0 : index
        %swap3A_869 = tpu.vector_load %arg6[%swap3A_867, %swap3A_868] {strides = array<i32>} : memref<4x128xi32, #tpu.memory_space<vmem>>, vector<1x16xi32>,
        %swap3A_870 = vector.shape_cast %swap3A_869 : vector<1x16xi32> to vector<16xi32>
        %swap3A_871 = vector.shape_cast %and3A_865 : vector<16xi32> to vector<1x16xi32>
        tpu.vector_store %arg6[%swap3A_867, %swap3A_868], %swap3A_871 {strides = array<i32>} : memref<4x128xi32, #tpu.memory_space<vmem>>, vector<1x16xi32>,
        %shift_right_logical3A_872 = arith.constant 7 : i32
        %shift_right_logical3A_873 = vector.broadcast %shift_right_logical3A_872 : i32 to vector<16xi32>
        %shift_right_logical3A_874 = arith.shrui %get3A_862, %shift_right_logical3A_873 : vector<16xi32>
        %swap3A_875 = arith.constant 3 : i32
        %swap3A_876 = arith.index_cast %swap3A_875 : i32 to index
        %swap3A_877 = arith.constant 0 : index
        %swap3A_878 = tpu.vector_load %arg7[%swap3A_876, %swap3A_877] {strides = array<i32>} : memref<4x128xi32, #tpu.memory_space<vmem>>, vector<1x16xi32>,
        %swap3A_879 = vector.shape_cast %swap3A_878 : vector<1x16xi32> to vector<16xi32>
        %swap3A_880 = vector.shape_cast %shift_right_logical3A_874 : vector<16xi32> to vector<1x16xi32>
        tpu.vector_store %arg7[%swap3A_876, %swap3A_877], %swap3A_880 {strides = array<i32>} : memref<4x128xi32, #tpu.memory_space<vmem>>, vector<1x16xi32>,
        %get3A_881 = arith.index_cast %add3A_853 : i32 to index
        %get3A_882 = arith.constant 16 : index
        %get3A_883 = tpu.vector_load %arg5[%get3A_881, %get3A_882] {strides = array<i32>} : memref<80x128xi32, #tpu.memory_space<vmem>>, vector<1x16xi32>,
        %get3A_884 = vector.shape_cast %get3A_883 : vector<1x16xi32> to vector<16xi32>
        %and3A_885 = arith.constant 127 : i32
        %and3A_886 = vector.broadcast %and3A_885 : i32 to vector<16xi32>
        %and3A_887 = arith.andi %get3A_884, %and3A_886 : vector<16xi32>
        %swap3A_888 = arith.constant 3 : i32
        %swap3A_889 = arith.index_cast %swap3A_888 : i32 to index
        %swap3A_890 = arith.constant 16 : index
        %swap3A_891 = tpu.vector_load %arg6[%swap3A_889, %swap3A_890] {strides = array<i32>} : memref<4x128xi32, #tpu.memory_space<vmem>>, vector<1x16xi32>,
        %swap3A_892 = vector.shape_cast %swap3A_891 : vector<1x16xi32> to vector<16xi32>
        %swap3A_893 = vector.shape_cast %and3A_887 : vector<16xi32> to vector<1x16xi32>
        tpu.vector_store %arg6[%swap3A_889, %swap3A_890], %swap3A_893 {strides = array<i32>} : memref<4x128xi32, #tpu.memory_space<vmem>>, vector<1x16xi32>,
        %shift_right_logical3A_894 = arith.constant 7 : i32
        %shift_right_logical3A_895 = vector.broadcast %shift_right_logical3A_894 : i32 to vector<16xi32>
        %shift_right_logical3A_896 = arith.shrui %get3A_884, %shift_right_logical3A_895 : vector<16xi32>
        %swap3A_897 = arith.constant 3 : i32
        %swap3A_898 = arith.index_cast %swap3A_897 : i32 to index
        %swap3A_899 = arith.constant 16 : index
        %swap3A_900 = tpu.vector_load %arg7[%swap3A_898, %swap3A_899] {strides = array<i32>} : memref<4x128xi32, #tpu.memory_space<vmem>>, vector<1x16xi32>,
        %swap3A_901 = vector.shape_cast %swap3A_900 : vector<1x16xi32> to vector<16xi32>
        %swap3A_902 = vector.shape_cast %shift_right_logical3A_896 : vector<16xi32> to vector<1x16xi32>
        tpu.vector_store %arg7[%swap3A_898, %swap3A_899], %swap3A_902 {strides = array<i32>} : memref<4x128xi32, #tpu.memory_space<vmem>>, vector<1x16xi32>,
        %get3A_903 = arith.index_cast %add3A_853 : i32 to index
        %get3A_904 = arith.constant 32 : index
        %get3A_905 = tpu.vector_load %arg5[%get3A_903, %get3A_904] {strides = array<i32>} : memref<80x128xi32, #tpu.memory_space<vmem>>, vector<1x16xi32>,
        %get3A_906 = vector.shape_cast %get3A_905 : vector<1x16xi32> to vector<16xi32>
        %and3A_907 = arith.constant 127 : i32
        %and3A_908 = vector.broadcast %and3A_907 : i32 to vector<16xi32>
        %and3A_909 = arith.andi %get3A_906, %and3A_908 : vector<16xi32>
        %swap3A_910 = arith.constant 3 : i32
        %swap3A_911 = arith.index_cast %swap3A_910 : i32 to index
        %swap3A_912 = arith.constant 32 : index
        %swap3A_913 = tpu.vector_load %arg6[%swap3A_911, %swap3A_912] {strides = array<i32>} : memref<4x128xi32, #tpu.memory_space<vmem>>, vector<1x16xi32>,
        %swap3A_914 = vector.shape_cast %swap3A_913 : vector<1x16xi32> to vector<16xi32>
        %swap3A_915 = vector.shape_cast %and3A_909 : vector<16xi32> to vector<1x16xi32>
        tpu.vector_store %arg6[%swap3A_911, %swap3A_912], %swap3A_915 {strides = array<i32>} : memref<4x128xi32, #tpu.memory_space<vmem>>, vector<1x16xi32>,
        %shift_right_logical3A_916 = arith.constant 7 : i32
        %shift_right_logical3A_917 = vector.broadcast %shift_right_logical3A_916 : i32 to vector<16xi32>
        %shift_right_logical3A_918 = arith.shrui %get3A_906, %shift_right_logical3A_917 : vector<16xi32>
        %swap3A_919 = arith.constant 3 : i32
        %swap3A_920 = arith.index_cast %swap3A_919 : i32 to index
        %swap3A_921 = arith.constant 32 : index
        %swap3A_922 = tpu.vector_load %arg7[%swap3A_920, %swap3A_921] {strides = array<i32>} : memref<4x128xi32, #tpu.memory_space<vmem>>, vector<1x16xi32>,
        %swap3A_923 = vector.shape_cast %swap3A_922 : vector<1x16xi32> to vector<16xi32>
        %swap3A_924 = vector.shape_cast %shift_right_logical3A_918 : vector<16xi32> to vector<1x16xi32>
        tpu.vector_store %arg7[%swap3A_920, %swap3A_921], %swap3A_924 {strides = array<i32>} : memref<4x128xi32, #tpu.memory_space<vmem>>, vector<1x16xi32>,
        %get3A_925 = arith.index_cast %add3A_853 : i32 to index
        %get3A_926 = arith.constant 48 : index
        %get3A_927 = tpu.vector_load %arg5[%get3A_925, %get3A_926] {strides = array<i32>} : memref<80x128xi32, #tpu.memory_space<vmem>>, vector<1x16xi32>,
        %get3A_928 = vector.shape_cast %get3A_927 : vector<1x16xi32> to vector<16xi32>
        %and3A_929 = arith.constant 127 : i32
        %and3A_930 = vector.broadcast %and3A_929 : i32 to vector<16xi32>
        %and3A_931 = arith.andi %get3A_928, %and3A_930 : vector<16xi32>
        %swap3A_932 = arith.constant 3 : i32
        %swap3A_933 = arith.index_cast %swap3A_932 : i32 to index
        %swap3A_934 = arith.constant 48 : index
        %swap3A_935 = tpu.vector_load %arg6[%swap3A_933, %swap3A_934] {strides = array<i32>} : memref<4x128xi32, #tpu.memory_space<vmem>>, vector<1x16xi32>,
        %swap3A_936 = vector.shape_cast %swap3A_935 : vector<1x16xi32> to vector<16xi32>
        %swap3A_937 = vector.shape_cast %and3A_931 : vector<16xi32> to vector<1x16xi32>
        tpu.vector_store %arg6[%swap3A_933, %swap3A_934], %swap3A_937 {strides = array<i32>} : memref<4x128xi32, #tpu.memory_space<vmem>>, vector<1x16xi32>,
        %shift_right_logical3A_938 = arith.constant 7 : i32
        %shift_right_logical3A_939 = vector.broadcast %shift_right_logical3A_938 : i32 to vector<16xi32>
        %shift_right_logical3A_940 = arith.shrui %get3A_928, %shift_right_logical3A_939 : vector<16xi32>
        %swap3A_941 = arith.constant 3 : i32
        %swap3A_942 = arith.index_cast %swap3A_941 : i32 to index
        %swap3A_943 = arith.constant 48 : index
        %swap3A_944 = tpu.vector_load %arg7[%swap3A_942, %swap3A_943] {strides = array<i32>} : memref<4x128xi32, #tpu.memory_space<vmem>>, vector<1x16xi32>,
        %swap3A_945 = vector.shape_cast %swap3A_944 : vector<1x16xi32> to vector<16xi32>
        %swap3A_946 = vector.shape_cast %shift_right_logical3A_940 : vector<16xi32> to vector<1x16xi32>
        tpu.vector_store %arg7[%swap3A_942, %swap3A_943], %swap3A_946 {strides = array<i32>} : memref<4x128xi32, #tpu.memory_space<vmem>>, vector<1x16xi32>,
        %get3A_947 = arith.index_cast %add3A_853 : i32 to index
        %get3A_948 = arith.constant 64 : index
        %get3A_949 = tpu.vector_load %arg5[%get3A_947, %get3A_948] {strides = array<i32>} : memref<80x128xi32, #tpu.memory_space<vmem>>, vector<1x16xi32>,
        %get3A_950 = vector.shape_cast %get3A_949 : vector<1x16xi32> to vector<16xi32>
        %and3A_951 = arith.constant 127 : i32
        %and3A_952 = vector.broadcast %and3A_951 : i32 to vector<16xi32>
        %and3A_953 = arith.andi %get3A_950, %and3A_952 : vector<16xi32>
        %swap3A_954 = arith.constant 3 : i32
        %swap3A_955 = arith.index_cast %swap3A_954 : i32 to index
        %swap3A_956 = arith.constant 64 : index
        %swap3A_957 = tpu.vector_load %arg6[%swap3A_955, %swap3A_956] {strides = array<i32>} : memref<4x128xi32, #tpu.memory_space<vmem>>, vector<1x16xi32>,
        %swap3A_958 = vector.shape_cast %swap3A_957 : vector<1x16xi32> to vector<16xi32>
        %swap3A_959 = vector.shape_cast %and3A_953 : vector<16xi32> to vector<1x16xi32>
        tpu.vector_store %arg6[%swap3A_955, %swap3A_956], %swap3A_959 {strides = array<i32>} : memref<4x128xi32, #tpu.memory_space<vmem>>, vector<1x16xi32>,
        %shift_right_logical3A_960 = arith.constant 7 : i32
        %shift_right_logical3A_961 = vector.broadcast %shift_right_logical3A_960 : i32 to vector<16xi32>
        %shift_right_logical3A_962 = arith.shrui %get3A_950, %shift_right_logical3A_961 : vector<16xi32>
        %swap3A_963 = arith.constant 3 : i32
        %swap3A_964 = arith.index_cast %swap3A_963 : i32 to index
        %swap3A_965 = arith.constant 64 : index
        %swap3A_966 = tpu.vector_load %arg7[%swap3A_964, %swap3A_965] {strides = array<i32>} : memref<4x128xi32, #tpu.memory_space<vmem>>, vector<1x16xi32>,
        %swap3A_967 = vector.shape_cast %swap3A_966 : vector<1x16xi32> to vector<16xi32>
        %swap3A_968 = vector.shape_cast %shift_right_logical3A_962 : vector<16xi32> to vector<1x16xi32>
        tpu.vector_store %arg7[%swap3A_964, %swap3A_965], %swap3A_968 {strides = array<i32>} : memref<4x128xi32, #tpu.memory_space<vmem>>, vector<1x16xi32>,
        %get3A_969 = arith.index_cast %add3A_853 : i32 to index
        %get3A_970 = arith.constant 80 : index
        %get3A_971 = tpu.vector_load %arg5[%get3A_969, %get3A_970] {strides = array<i32>} : memref<80x128xi32, #tpu.memory_space<vmem>>, vector<1x16xi32>,
        %get3A_972 = vector.shape_cast %get3A_971 : vector<1x16xi32> to vector<16xi32>
        %and3A_973 = arith.constant 127 : i32
        %and3A_974 = vector.broadcast %and3A_973 : i32 to vector<16xi32>
        %and3A_975 = arith.andi %get3A_972, %and3A_974 : vector<16xi32>
        %swap3A_976 = arith.constant 3 : i32
        %swap3A_977 = arith.index_cast %swap3A_976 : i32 to index
        %swap3A_978 = arith.constant 80 : index
        %swap3A_979 = tpu.vector_load %arg6[%swap3A_977, %swap3A_978] {strides = array<i32>} : memref<4x128xi32, #tpu.memory_space<vmem>>, vector<1x16xi32>,
        %swap3A_980 = vector.shape_cast %swap3A_979 : vector<1x16xi32> to vector<16xi32>
        %swap3A_981 = vector.shape_cast %and3A_975 : vector<16xi32> to vector<1x16xi32>
        tpu.vector_store %arg6[%swap3A_977, %swap3A_978], %swap3A_981 {strides = array<i32>} : memref<4x128xi32, #tpu.memory_space<vmem>>, vector<1x16xi32>,
        %shift_right_logical3A_982 = arith.constant 7 : i32
        %shift_right_logical3A_983 = vector.broadcast %shift_right_logical3A_982 : i32 to vector<16xi32>
        %shift_right_logical3A_984 = arith.shrui %get3A_972, %shift_right_logical3A_983 : vector<16xi32>
        %swap3A_985 = arith.constant 3 : i32
        %swap3A_986 = arith.index_cast %swap3A_985 : i32 to index
        %swap3A_987 = arith.constant 80 : index
        %swap3A_988 = tpu.vector_load %arg7[%swap3A_986, %swap3A_987] {strides = array<i32>} : memref<4x128xi32, #tpu.memory_space<vmem>>, vector<1x16xi32>,
        %swap3A_989 = vector.shape_cast %swap3A_988 : vector<1x16xi32> to vector<16xi32>
        %swap3A_990 = vector.shape_cast %shift_right_logical3A_984 : vector<16xi32> to vector<1x16xi32>
        tpu.vector_store %arg7[%swap3A_986, %swap3A_987], %swap3A_990 {strides = array<i32>} : memref<4x128xi32, #tpu.memory_space<vmem>>, vector<1x16xi32>,
        %get3A_991 = arith.index_cast %add3A_853 : i32 to index
        %get3A_992 = arith.constant 96 : index
        %get3A_993 = tpu.vector_load %arg5[%get3A_991, %get3A_992] {strides = array<i32>} : memref<80x128xi32, #tpu.memory_space<vmem>>, vector<1x16xi32>,
        %get3A_994 = vector.shape_cast %get3A_993 : vector<1x16xi32> to vector<16xi32>
        %and3A_995 = arith.constant 127 : i32
        %and3A_996 = vector.broadcast %and3A_995 : i32 to vector<16xi32>
        %and3A_997 = arith.andi %get3A_994, %and3A_996 : vector<16xi32>
        %swap3A_998 = arith.constant 3 : i32
        %swap3A_999 = arith.index_cast %swap3A_998 : i32 to index
        %swap3A_1000 = arith.constant 96 : index
        %swap3A_1001 = tpu.vector_load %arg6[%swap3A_999, %swap3A_1000] {strides = array<i32>} : memref<4x128xi32, #tpu.memory_space<vmem>>, vector<1x16xi32>,
        %swap3A_1002 = vector.shape_cast %swap3A_1001 : vector<1x16xi32> to vector<16xi32>
        %swap3A_1003 = vector.shape_cast %and3A_997 : vector<16xi32> to vector<1x16xi32>
        tpu.vector_store %arg6[%swap3A_999, %swap3A_1000], %swap3A_1003 {strides = array<i32>} : memref<4x128xi32, #tpu.memory_space<vmem>>, vector<1x16xi32>,
        %shift_right_logical3A_1004 = arith.constant 7 : i32
        %shift_right_logical3A_1005 = vector.broadcast %shift_right_logical3A_1004 : i32 to vector<16xi32>
        %shift_right_logical3A_1006 = arith.shrui %get3A_994, %shift_right_logical3A_1005 : vector<16xi32>
        %swap3A_1007 = arith.constant 3 : i32
        %swap3A_1008 = arith.index_cast %swap3A_1007 : i32 to index
        %swap3A_1009 = arith.constant 96 : index
        %swap3A_1010 = tpu.vector_load %arg7[%swap3A_1008, %swap3A_1009] {strides = array<i32>} : memref<4x128xi32, #tpu.memory_space<vmem>>, vector<1x16xi32>,
        %swap3A_1011 = vector.shape_cast %swap3A_1010 : vector<1x16xi32> to vector<16xi32>
        %swap3A_1012 = vector.shape_cast %shift_right_logical3A_1006 : vector<16xi32> to vector<1x16xi32>
        tpu.vector_store %arg7[%swap3A_1008, %swap3A_1009], %swap3A_1012 {strides = array<i32>} : memref<4x128xi32, #tpu.memory_space<vmem>>, vector<1x16xi32>,
        %get3A_1013 = arith.index_cast %add3A_853 : i32 to index
        %get3A_1014 = arith.constant 112 : index
        %get3A_1015 = tpu.vector_load %arg5[%get3A_1013, %get3A_1014] {strides = array<i32>} : memref<80x128xi32, #tpu.memory_space<vmem>>, vector<1x16xi32>,
        %get3A_1016 = vector.shape_cast %get3A_1015 : vector<1x16xi32> to vector<16xi32>
        %and3A_1017 = arith.constant 127 : i32
        %and3A_1018 = vector.broadcast %and3A_1017 : i32 to vector<16xi32>
        %and3A_1019 = arith.andi %get3A_1016, %and3A_1018 : vector<16xi32>
        %swap3A_1020 = arith.constant 3 : i32
        %swap3A_1021 = arith.index_cast %swap3A_1020 : i32 to index
        %swap3A_1022 = arith.constant 112 : index
        %swap3A_1023 = tpu.vector_load %arg6[%swap3A_1021, %swap3A_1022] {strides = array<i32>} : memref<4x128xi32, #tpu.memory_space<vmem>>, vector<1x16xi32>,
        %swap3A_1024 = vector.shape_cast %swap3A_1023 : vector<1x16xi32> to vector<16xi32>
        %swap3A_1025 = vector.shape_cast %and3A_1019 : vector<16xi32> to vector<1x16xi32>
        tpu.vector_store %arg6[%swap3A_1021, %swap3A_1022], %swap3A_1025 {strides = array<i32>} : memref<4x128xi32, #tpu.memory_space<vmem>>, vector<1x16xi32>,
        %shift_right_logical3A_1026 = arith.constant 7 : i32
        %shift_right_logical3A_1027 = vector.broadcast %shift_right_logical3A_1026 : i32 to vector<16xi32>
        %shift_right_logical3A_1028 = arith.shrui %get3A_1016, %shift_right_logical3A_1027 : vector<16xi32>
        %swap3A_1029 = arith.constant 3 : i32
        %swap3A_1030 = arith.index_cast %swap3A_1029 : i32 to index
        %swap3A_1031 = arith.constant 112 : index
        %swap3A_1032 = tpu.vector_load %arg7[%swap3A_1030, %swap3A_1031] {strides = array<i32>} : memref<4x128xi32, #tpu.memory_space<vmem>>, vector<1x16xi32>,
        %swap3A_1033 = vector.shape_cast %swap3A_1032 : vector<1x16xi32> to vector<16xi32>
        %swap3A_1034 = vector.shape_cast %shift_right_logical3A_1028 : vector<16xi32> to vector<1x16xi32>
        tpu.vector_store %arg7[%swap3A_1030, %swap3A_1031], %swap3A_1034 {strides = array<i32>} : memref<4x128xi32, #tpu.memory_space<vmem>>, vector<1x16xi32>,
        %dma_start3A_1035 = arith.constant 3 : i32
        %dma_start3A_1036 = arith.constant 0 : i32
        %dma_start3A_1037 = tpu.memref_slice %arg6[%dma_start3A_1035, %dma_start3A_1036] : memref<4x128xi32, #tpu.memory_space<vmem>> -> memref<1x128xi32, #tpu.memory_space<vmem>>
        %dma_start3A_1038 = tpu.memref_squeeze %dma_start3A_1037 : memref<1x128xi32, #tpu.memory_space<vmem>> -> memref<128xi32, #tpu.memory_space<vmem>>
        %dma_start3A_1039 = arith.constant 0 : i32
        %dma_start3A_1040 = arith.constant 0 : i32
        %dma_start3A_1041 = tpu.memref_slice %arg13[%dma_start3A_1039, %dma_start3A_1040] : memref<128x128xf32, #tpu.memory_space<vmem_shared>> -> memref<128x128xf32, #tpu.memory_space<vmem_shared>>
        tpu.enqueue_indirect_dma source(%dma_start3A_1041 : memref<128x128xf32, #tpu.memory_space<vmem_shared>>) target(%arg11 : memref<128x128xf32, #tpu.memory_space<vmem>>) offsets(%dma_start3A_1038 : memref<128xi32, #tpu.memory_space<vmem>>) semaphore(%arg18 : memref<!tpu.dma_semaphore, #tpu.memory_space<semaphore_mem>>)
      } else {
      }
    }
    %scan3A_778 = arith.constant 20 : i32
    %barrier3A_779 = arith.constant 0 : index
    tpu.barrier barrier_id(%barrier3A_779)
    %eq3A_780 = arith.constant 0 : i32
    %eq3A_781 = arith.cmpi eq, %arg1, %eq3A_780 : i32
    %convert_element_type3A_782 = arith.extui %eq3A_781 : i1 to i32
    %cond3A_783 = arith.constant 0 : i32
    %cond3A_784 = arith.cmpi ne, %convert_element_type3A_782, %cond3A_783 : i32
    scf.if %cond3A_784 {
      "tpu.region"() ({
        %run_scoped3A = tpu.sem_alloc : memref<!tpu.dma_semaphore, #tpu.memory_space<semaphore_mem>>
        %dma_start3A_785 = arith.constant 0 : i32
        %dma_start3A_786 = arith.constant 0 : i32
        %dma_start3A_787 = tpu.memref_slice %arg4[%arg0, %dma_start3A_785, %dma_start3A_786] : memref<2x80x128xf32, #tpu.memory_space<hbm>> -> memref<1x80x128xf32, #tpu.memory_space<hbm>>
        %dma_start3A_788 = tpu.memref_squeeze %dma_start3A_787 : memref<1x80x128xf32, #tpu.memory_space<hbm>> -> memref<80x128xf32, #tpu.memory_space<hbm>>
        tpu.enqueue_dma source(%arg14 : memref<80x128xf32, #tpu.memory_space<vmem_shared>>) target(%dma_start3A_788 : memref<80x128xf32, #tpu.memory_space<hbm>>) target_semaphore(%run_scoped3A : memref<!tpu.dma_semaphore, #tpu.memory_space<semaphore_mem>>)
        %dma_wait3A = arith.constant 0 : i32
        %dma_wait3A_789 = arith.constant 0 : i32
        %dma_wait3A_790 = tpu.memref_slice %arg4[%arg0, %dma_wait3A, %dma_wait3A_789] : memref<2x80x128xf32, #tpu.memory_space<hbm>> -> memref<1x80x128xf32, #tpu.memory_space<hbm>>
        %dma_wait3A_791 = tpu.memref_squeeze %dma_wait3A_790 : memref<1x80x128xf32, #tpu.memory_space<hbm>> -> memref<80x128xf32, #tpu.memory_space<hbm>>
        tpu.wait_dma2 semaphore(%run_scoped3A : memref<!tpu.dma_semaphore, #tpu.memory_space<semaphore_mem>>) src(%arg14 : memref<80x128xf32, #tpu.memory_space<vmem_shared>>) dst(%dma_wait3A_791 : memref<80x128xf32, #tpu.memory_space<hbm>>)
        tpu.yield
      }) : () -> ()
    } else {
    }
    return
  }
}

#map = affine_map<(d0, d1) -> (0, 0)>
#map1 = affine_map<(d0, d1) -> (0, 0, 0)>
module attributes {stable_mosaic.version = 14 : i64} {
  func.func @_agg_body(%arg0: i32, %arg1: i32, %arg2: memref<10240x128xf32, #tpu.memory_space<hbm>>, %arg3: memref<32x80x128xi32, #tpu.memory_space<hbm>>, %arg4: memref<32x80x128xi32, #tpu.memory_space<hbm>>, %arg5: memref<2x10240x128xf32, #tpu.memory_space<hbm>>, %arg6: memref<80x128xi32, #tpu.memory_space<vmem>>, %arg7: memref<80x128xi32, #tpu.memory_space<vmem>>, %arg8: memref<128x128xf32, #tpu.memory_space<vmem>>, %arg9: memref<128x128xf32, #tpu.memory_space<vmem>>, %arg10: memref<10240x128xf32, #tpu.memory_space<vmem_shared>>, %arg11: memref<!tpu.dma_semaphore, #tpu.memory_space<semaphore_mem>>, %arg12: memref<!tpu.dma_semaphore, #tpu.memory_space<semaphore_mem>>) attributes {dimension_semantics = [#tpu.dimension_semantics<core_parallel>, #tpu.dimension_semantics<subcore_parallel>], iteration_bounds = array<i64: 2, 16>, scalar_prefetch = 0 : i64, scratch_operands = 7 : i64, tpu.core_type = #tpu.core_type<sc_vector_subcore>, window_params = [{transform_indices = #map}, {transform_indices = #map1}, {transform_indices = #map1}, {transform_indices = #map1}]} {
    %mul3A = arith.constant 16 : i32
    %mul3A_0 = arith.muli %arg0, %mul3A : i32
    %add3A = arith.addi %mul3A_0, %arg1 : i32
    %broadcast_in_dim3A = arith.constant 0.000000e+00 : f32
    %broadcast_in_dim3A_1 = vector.broadcast %broadcast_in_dim3A : f32 to vector<16xf32>
    %scan3A = arith.constant 0 : i32
    %scan3A_2 = arith.constant 0 : i32
    %scan3A_3 = arith.constant 128 : i32
    %scan3A_4 = arith.addi %scan3A_2, %scan3A_3 : i32
    %scan3A_5 = arith.constant 1 : i32
    scf.for %scan3A_24 = %scan3A_2 to %scan3A_4 step %scan3A_5  : i32 {
      %swap3A = arith.index_cast %scan3A_24 : i32 to index
      %swap3A_25 = arith.constant 0 : index
      %swap3A_26 = tpu.vector_load %arg8[%swap3A, %swap3A_25] {strides = array<i32>} : memref<128x128xf32, #tpu.memory_space<vmem>>, vector<1x16xf32>,
      %swap3A_27 = vector.shape_cast %swap3A_26 : vector<1x16xf32> to vector<16xf32>
      %swap3A_28 = vector.shape_cast %broadcast_in_dim3A_1 : vector<16xf32> to vector<1x16xf32>
      tpu.vector_store %arg8[%swap3A, %swap3A_25], %swap3A_28 {strides = array<i32>} : memref<128x128xf32, #tpu.memory_space<vmem>>, vector<1x16xf32>,
      %swap3A_29 = arith.index_cast %scan3A_24 : i32 to index
      %swap3A_30 = arith.constant 16 : index
      %swap3A_31 = tpu.vector_load %arg8[%swap3A_29, %swap3A_30] {strides = array<i32>} : memref<128x128xf32, #tpu.memory_space<vmem>>, vector<1x16xf32>,
      %swap3A_32 = vector.shape_cast %swap3A_31 : vector<1x16xf32> to vector<16xf32>
      %swap3A_33 = vector.shape_cast %broadcast_in_dim3A_1 : vector<16xf32> to vector<1x16xf32>
      tpu.vector_store %arg8[%swap3A_29, %swap3A_30], %swap3A_33 {strides = array<i32>} : memref<128x128xf32, #tpu.memory_space<vmem>>, vector<1x16xf32>,
      %swap3A_34 = arith.index_cast %scan3A_24 : i32 to index
      %swap3A_35 = arith.constant 32 : index
      %swap3A_36 = tpu.vector_load %arg8[%swap3A_34, %swap3A_35] {strides = array<i32>} : memref<128x128xf32, #tpu.memory_space<vmem>>, vector<1x16xf32>,
      %swap3A_37 = vector.shape_cast %swap3A_36 : vector<1x16xf32> to vector<16xf32>
      %swap3A_38 = vector.shape_cast %broadcast_in_dim3A_1 : vector<16xf32> to vector<1x16xf32>
      tpu.vector_store %arg8[%swap3A_34, %swap3A_35], %swap3A_38 {strides = array<i32>} : memref<128x128xf32, #tpu.memory_space<vmem>>, vector<1x16xf32>,
      %swap3A_39 = arith.index_cast %scan3A_24 : i32 to index
      %swap3A_40 = arith.constant 48 : index
      %swap3A_41 = tpu.vector_load %arg8[%swap3A_39, %swap3A_40] {strides = array<i32>} : memref<128x128xf32, #tpu.memory_space<vmem>>, vector<1x16xf32>,
      %swap3A_42 = vector.shape_cast %swap3A_41 : vector<1x16xf32> to vector<16xf32>
      %swap3A_43 = vector.shape_cast %broadcast_in_dim3A_1 : vector<16xf32> to vector<1x16xf32>
      tpu.vector_store %arg8[%swap3A_39, %swap3A_40], %swap3A_43 {strides = array<i32>} : memref<128x128xf32, #tpu.memory_space<vmem>>, vector<1x16xf32>,
      %swap3A_44 = arith.index_cast %scan3A_24 : i32 to index
      %swap3A_45 = arith.constant 64 : index
      %swap3A_46 = tpu.vector_load %arg8[%swap3A_44, %swap3A_45] {strides = array<i32>} : memref<128x128xf32, #tpu.memory_space<vmem>>, vector<1x16xf32>,
      %swap3A_47 = vector.shape_cast %swap3A_46 : vector<1x16xf32> to vector<16xf32>
      %swap3A_48 = vector.shape_cast %broadcast_in_dim3A_1 : vector<16xf32> to vector<1x16xf32>
      tpu.vector_store %arg8[%swap3A_44, %swap3A_45], %swap3A_48 {strides = array<i32>} : memref<128x128xf32, #tpu.memory_space<vmem>>, vector<1x16xf32>,
      %swap3A_49 = arith.index_cast %scan3A_24 : i32 to index
      %swap3A_50 = arith.constant 80 : index
      %swap3A_51 = tpu.vector_load %arg8[%swap3A_49, %swap3A_50] {strides = array<i32>} : memref<128x128xf32, #tpu.memory_space<vmem>>, vector<1x16xf32>,
      %swap3A_52 = vector.shape_cast %swap3A_51 : vector<1x16xf32> to vector<16xf32>
      %swap3A_53 = vector.shape_cast %broadcast_in_dim3A_1 : vector<16xf32> to vector<1x16xf32>
      tpu.vector_store %arg8[%swap3A_49, %swap3A_50], %swap3A_53 {strides = array<i32>} : memref<128x128xf32, #tpu.memory_space<vmem>>, vector<1x16xf32>,
      %swap3A_54 = arith.index_cast %scan3A_24 : i32 to index
      %swap3A_55 = arith.constant 96 : index
      %swap3A_56 = tpu.vector_load %arg8[%swap3A_54, %swap3A_55] {strides = array<i32>} : memref<128x128xf32, #tpu.memory_space<vmem>>, vector<1x16xf32>,
      %swap3A_57 = vector.shape_cast %swap3A_56 : vector<1x16xf32> to vector<16xf32>
      %swap3A_58 = vector.shape_cast %broadcast_in_dim3A_1 : vector<16xf32> to vector<1x16xf32>
      tpu.vector_store %arg8[%swap3A_54, %swap3A_55], %swap3A_58 {strides = array<i32>} : memref<128x128xf32, #tpu.memory_space<vmem>>, vector<1x16xf32>,
      %swap3A_59 = arith.index_cast %scan3A_24 : i32 to index
      %swap3A_60 = arith.constant 112 : index
      %swap3A_61 = tpu.vector_load %arg8[%swap3A_59, %swap3A_60] {strides = array<i32>} : memref<128x128xf32, #tpu.memory_space<vmem>>, vector<1x16xf32>,
      %swap3A_62 = vector.shape_cast %swap3A_61 : vector<1x16xf32> to vector<16xf32>
      %swap3A_63 = vector.shape_cast %broadcast_in_dim3A_1 : vector<16xf32> to vector<1x16xf32>
      tpu.vector_store %arg8[%swap3A_59, %swap3A_60], %swap3A_63 {strides = array<i32>} : memref<128x128xf32, #tpu.memory_space<vmem>>, vector<1x16xf32>,
    }
    %scan3A_6 = arith.constant 128 : i32
    %scan3A_7 = arith.constant 0 : i32
    %scan3A_8 = arith.constant 0 : i32
    %scan3A_9 = arith.constant 5 : i32
    %scan3A_10 = arith.addi %scan3A_8, %scan3A_9 : i32
    %scan3A_11 = arith.constant 1 : i32
    scf.for %scan3A_24 = %scan3A_8 to %scan3A_10 step %scan3A_11  : i32 {
      %mul3A_25 = arith.constant 640 : i32
      %mul3A_26 = arith.muli %arg1, %mul3A_25 : i32
      %mul3A_27 = arith.constant 128 : i32
      %mul3A_28 = arith.muli %scan3A_24, %mul3A_27 : i32
      %add3A_29 = arith.addi %mul3A_26, %mul3A_28 : i32
      "tpu.region"() ({
        %run_scoped3A = tpu.sem_alloc : memref<!tpu.dma_semaphore, #tpu.memory_space<semaphore_mem>>
        %dma_start3A = arith.constant 0 : i32
        %dma_start3A_30 = tpu.memref_slice %arg10[%add3A_29, %dma_start3A] : memref<10240x128xf32, #tpu.memory_space<vmem_shared>> -> memref<128x128xf32, #tpu.memory_space<vmem_shared>>
        %dma_start3A_31 = arith.constant 0 : i32
        %dma_start3A_32 = tpu.memref_slice %arg10[%add3A_29, %dma_start3A_31] : memref<10240x128xf32, #tpu.memory_space<vmem_shared>> -> memref<128x128xf32, #tpu.memory_space<vmem_shared>>
        tpu.enqueue_dma source(%arg8 : memref<128x128xf32, #tpu.memory_space<vmem>>) target(%dma_start3A_32 : memref<128x128xf32, #tpu.memory_space<vmem_shared>>) target_semaphore(%run_scoped3A : memref<!tpu.dma_semaphore, #tpu.memory_space<semaphore_mem>>)
        %dma_wait3A = arith.constant 0 : i32
        %dma_wait3A_33 = tpu.memref_slice %arg10[%add3A_29, %dma_wait3A] : memref<10240x128xf32, #tpu.memory_space<vmem_shared>> -> memref<128x128xf32, #tpu.memory_space<vmem_shared>>
        %dma_wait3A_34 = arith.constant 0 : i32
        %dma_wait3A_35 = tpu.memref_slice %arg10[%add3A_29, %dma_wait3A_34] : memref<10240x128xf32, #tpu.memory_space<vmem_shared>> -> memref<128x128xf32, #tpu.memory_space<vmem_shared>>
        tpu.wait_dma2 semaphore(%run_scoped3A : memref<!tpu.dma_semaphore, #tpu.memory_space<semaphore_mem>>) src(%arg8 : memref<128x128xf32, #tpu.memory_space<vmem>>) dst(%dma_wait3A_35 : memref<128x128xf32, #tpu.memory_space<vmem_shared>>)
        tpu.yield
      }) : () -> ()
    }
    %scan3A_12 = arith.constant 5 : i32
    "tpu.region"() ({
      %run_scoped3A = tpu.sem_alloc : memref<!tpu.dma_semaphore, #tpu.memory_space<semaphore_mem>>
      %dma_start3A = arith.constant 0 : i32
      %dma_start3A_24 = arith.constant 0 : i32
      %dma_start3A_25 = tpu.memref_slice %arg3[%add3A, %dma_start3A, %dma_start3A_24] : memref<32x80x128xi32, #tpu.memory_space<hbm>> -> memref<1x80x128xi32, #tpu.memory_space<hbm>>
      %dma_start3A_26 = tpu.memref_squeeze %dma_start3A_25 : memref<1x80x128xi32, #tpu.memory_space<hbm>> -> memref<80x128xi32, #tpu.memory_space<hbm>>
      %dma_start3A_27 = arith.constant 0 : i32
      %dma_start3A_28 = arith.constant 0 : i32
      %dma_start3A_29 = tpu.memref_slice %arg3[%add3A, %dma_start3A_27, %dma_start3A_28] : memref<32x80x128xi32, #tpu.memory_space<hbm>> -> memref<1x80x128xi32, #tpu.memory_space<hbm>>
      %dma_start3A_30 = tpu.memref_squeeze %dma_start3A_29 : memref<1x80x128xi32, #tpu.memory_space<hbm>> -> memref<80x128xi32, #tpu.memory_space<hbm>>
      tpu.enqueue_dma source(%dma_start3A_30 : memref<80x128xi32, #tpu.memory_space<hbm>>) target(%arg6 : memref<80x128xi32, #tpu.memory_space<vmem>>) target_semaphore(%run_scoped3A : memref<!tpu.dma_semaphore, #tpu.memory_space<semaphore_mem>>)
      %dma_wait3A = arith.constant 0 : i32
      %dma_wait3A_31 = arith.constant 0 : i32
      %dma_wait3A_32 = tpu.memref_slice %arg3[%add3A, %dma_wait3A, %dma_wait3A_31] : memref<32x80x128xi32, #tpu.memory_space<hbm>> -> memref<1x80x128xi32, #tpu.memory_space<hbm>>
      %dma_wait3A_33 = tpu.memref_squeeze %dma_wait3A_32 : memref<1x80x128xi32, #tpu.memory_space<hbm>> -> memref<80x128xi32, #tpu.memory_space<hbm>>
      %dma_wait3A_34 = arith.constant 0 : i32
      %dma_wait3A_35 = arith.constant 0 : i32
      %dma_wait3A_36 = tpu.memref_slice %arg3[%add3A, %dma_wait3A_34, %dma_wait3A_35] : memref<32x80x128xi32, #tpu.memory_space<hbm>> -> memref<1x80x128xi32, #tpu.memory_space<hbm>>
      %dma_wait3A_37 = tpu.memref_squeeze %dma_wait3A_36 : memref<1x80x128xi32, #tpu.memory_space<hbm>> -> memref<80x128xi32, #tpu.memory_space<hbm>>
      tpu.wait_dma2 semaphore(%run_scoped3A : memref<!tpu.dma_semaphore, #tpu.memory_space<semaphore_mem>>) src(%dma_wait3A_37 : memref<80x128xi32, #tpu.memory_space<hbm>>) dst(%arg6 : memref<80x128xi32, #tpu.memory_space<vmem>>)
      tpu.yield
    }) : () -> ()
    "tpu.region"() ({
      %run_scoped3A = tpu.sem_alloc : memref<!tpu.dma_semaphore, #tpu.memory_space<semaphore_mem>>
      %dma_start3A = arith.constant 0 : i32
      %dma_start3A_24 = arith.constant 0 : i32
      %dma_start3A_25 = tpu.memref_slice %arg4[%add3A, %dma_start3A, %dma_start3A_24] : memref<32x80x128xi32, #tpu.memory_space<hbm>> -> memref<1x80x128xi32, #tpu.memory_space<hbm>>
      %dma_start3A_26 = tpu.memref_squeeze %dma_start3A_25 : memref<1x80x128xi32, #tpu.memory_space<hbm>> -> memref<80x128xi32, #tpu.memory_space<hbm>>
      %dma_start3A_27 = arith.constant 0 : i32
      %dma_start3A_28 = arith.constant 0 : i32
      %dma_start3A_29 = tpu.memref_slice %arg4[%add3A, %dma_start3A_27, %dma_start3A_28] : memref<32x80x128xi32, #tpu.memory_space<hbm>> -> memref<1x80x128xi32, #tpu.memory_space<hbm>>
      %dma_start3A_30 = tpu.memref_squeeze %dma_start3A_29 : memref<1x80x128xi32, #tpu.memory_space<hbm>> -> memref<80x128xi32, #tpu.memory_space<hbm>>
      tpu.enqueue_dma source(%dma_start3A_30 : memref<80x128xi32, #tpu.memory_space<hbm>>) target(%arg7 : memref<80x128xi32, #tpu.memory_space<vmem>>) target_semaphore(%run_scoped3A : memref<!tpu.dma_semaphore, #tpu.memory_space<semaphore_mem>>)
      %dma_wait3A = arith.constant 0 : i32
      %dma_wait3A_31 = arith.constant 0 : i32
      %dma_wait3A_32 = tpu.memref_slice %arg4[%add3A, %dma_wait3A, %dma_wait3A_31] : memref<32x80x128xi32, #tpu.memory_space<hbm>> -> memref<1x80x128xi32, #tpu.memory_space<hbm>>
      %dma_wait3A_33 = tpu.memref_squeeze %dma_wait3A_32 : memref<1x80x128xi32, #tpu.memory_space<hbm>> -> memref<80x128xi32, #tpu.memory_space<hbm>>
      %dma_wait3A_34 = arith.constant 0 : i32
      %dma_wait3A_35 = arith.constant 0 : i32
      %dma_wait3A_36 = tpu.memref_slice %arg4[%add3A, %dma_wait3A_34, %dma_wait3A_35] : memref<32x80x128xi32, #tpu.memory_space<hbm>> -> memref<1x80x128xi32, #tpu.memory_space<hbm>>
      %dma_wait3A_37 = tpu.memref_squeeze %dma_wait3A_36 : memref<1x80x128xi32, #tpu.memory_space<hbm>> -> memref<80x128xi32, #tpu.memory_space<hbm>>
      tpu.wait_dma2 semaphore(%run_scoped3A : memref<!tpu.dma_semaphore, #tpu.memory_space<semaphore_mem>>) src(%dma_wait3A_37 : memref<80x128xi32, #tpu.memory_space<hbm>>) dst(%arg7 : memref<80x128xi32, #tpu.memory_space<vmem>>)
      tpu.yield
    }) : () -> ()
    %barrier3A = arith.constant 0 : index
    tpu.barrier barrier_id(%barrier3A)
    %scan3A_13 = arith.constant 0 : i32
    %scan3A_14 = arith.constant 0 : i32
    %scan3A_15 = arith.constant 80 : i32
    %scan3A_16 = arith.addi %scan3A_14, %scan3A_15 : i32
    %scan3A_17 = arith.constant 1 : i32
    scf.for %scan3A_24 = %scan3A_14 to %scan3A_16 step %scan3A_17  : i32 {
      %dma_start3A = arith.constant 0 : i32
      %dma_start3A_25 = tpu.memref_slice %arg6[%scan3A_24, %dma_start3A] : memref<80x128xi32, #tpu.memory_space<vmem>> -> memref<1x128xi32, #tpu.memory_space<vmem>>
      %dma_start3A_26 = tpu.memref_squeeze %dma_start3A_25 : memref<1x128xi32, #tpu.memory_space<vmem>> -> memref<128xi32, #tpu.memory_space<vmem>>
      %dma_start3A_27 = arith.constant 0 : i32
      %dma_start3A_28 = arith.constant 0 : i32
      %dma_start3A_29 = tpu.memref_slice %arg2[%dma_start3A_27, %dma_start3A_28] : memref<10240x128xf32, #tpu.memory_space<hbm>> -> memref<10240x128xf32, #tpu.memory_space<hbm>>
      tpu.enqueue_indirect_dma source(%dma_start3A_29 : memref<10240x128xf32, #tpu.memory_space<hbm>>) target(%arg8 : memref<128x128xf32, #tpu.memory_space<vmem>>) offsets(%dma_start3A_26 : memref<128xi32, #tpu.memory_space<vmem>>) semaphore(%arg11 : memref<!tpu.dma_semaphore, #tpu.memory_space<semaphore_mem>>)
      %dma_wait3A = arith.constant 0 : i32
      %dma_wait3A_30 = tpu.memref_slice %arg6[%scan3A_24, %dma_wait3A] : memref<80x128xi32, #tpu.memory_space<vmem>> -> memref<1x128xi32, #tpu.memory_space<vmem>>
      %dma_wait3A_31 = tpu.memref_squeeze %dma_wait3A_30 : memref<1x128xi32, #tpu.memory_space<vmem>> -> memref<128xi32, #tpu.memory_space<vmem>>
      %dma_wait3A_32 = arith.constant 0 : i32
      %dma_wait3A_33 = arith.constant 0 : i32
      %dma_wait3A_34 = tpu.memref_slice %arg2[%dma_wait3A_32, %dma_wait3A_33] : memref<10240x128xf32, #tpu.memory_space<hbm>> -> memref<10240x128xf32, #tpu.memory_space<hbm>>
      tpu.wait_indirect_dma semaphore(%arg11 : memref<!tpu.dma_semaphore, #tpu.memory_space<semaphore_mem>>) src(%dma_wait3A_34 : memref<10240x128xf32, #tpu.memory_space<hbm>>) dst(%arg8 : memref<128x128xf32, #tpu.memory_space<vmem>>)
      "tpu.region"() ({
        %run_scoped3A = tpu.sem_alloc : memref<!tpu.dma_semaphore, #tpu.memory_space<semaphore_mem>>
        %dma_start3A_35 = arith.constant 0 : i32
        %dma_start3A_36 = tpu.memref_slice %arg7[%scan3A_24, %dma_start3A_35] : memref<80x128xi32, #tpu.memory_space<vmem>> -> memref<1x128xi32, #tpu.memory_space<vmem>>
        %dma_start3A_37 = tpu.memref_squeeze %dma_start3A_36 : memref<1x128xi32, #tpu.memory_space<vmem>> -> memref<128xi32, #tpu.memory_space<vmem>>
        %dma_start3A_38 = arith.constant 0 : i32
        %dma_start3A_39 = arith.constant 0 : i32
        %dma_start3A_40 = tpu.memref_slice %arg10[%dma_start3A_38, %dma_start3A_39] : memref<10240x128xf32, #tpu.memory_space<vmem_shared>> -> memref<10240x128xf32, #tpu.memory_space<vmem_shared>>
        tpu.enqueue_indirect_dma source(%arg8 : memref<128x128xf32, #tpu.memory_space<vmem>>) target(%dma_start3A_40 : memref<10240x128xf32, #tpu.memory_space<vmem_shared>>) offsets(%dma_start3A_37 : memref<128xi32, #tpu.memory_space<vmem>>) semaphore(%run_scoped3A : memref<!tpu.dma_semaphore, #tpu.memory_space<semaphore_mem>>) {add = true}
        %dma_wait3A_41 = arith.constant 0 : i32
        %dma_wait3A_42 = tpu.memref_slice %arg7[%scan3A_24, %dma_wait3A_41] : memref<80x128xi32, #tpu.memory_space<vmem>> -> memref<1x128xi32, #tpu.memory_space<vmem>>
        %dma_wait3A_43 = tpu.memref_squeeze %dma_wait3A_42 : memref<1x128xi32, #tpu.memory_space<vmem>> -> memref<128xi32, #tpu.memory_space<vmem>>
        %dma_wait3A_44 = arith.constant 0 : i32
        %dma_wait3A_45 = arith.constant 0 : i32
        %dma_wait3A_46 = tpu.memref_slice %arg10[%dma_wait3A_44, %dma_wait3A_45] : memref<10240x128xf32, #tpu.memory_space<vmem_shared>> -> memref<10240x128xf32, #tpu.memory_space<vmem_shared>>
        tpu.wait_indirect_dma semaphore(%run_scoped3A : memref<!tpu.dma_semaphore, #tpu.memory_space<semaphore_mem>>) src(%arg8 : memref<128x128xf32, #tpu.memory_space<vmem>>) dst(%dma_wait3A_46 : memref<10240x128xf32, #tpu.memory_space<vmem_shared>>)
        tpu.yield
      }) : () -> ()
    }
    %scan3A_18 = arith.constant 80 : i32
    %barrier3A_19 = arith.constant 0 : index
    tpu.barrier barrier_id(%barrier3A_19)
    %mul3A_20 = arith.constant 640 : i32
    %mul3A_21 = arith.muli %arg1, %mul3A_20 : i32
    %mul3A_22 = arith.constant 640 : i32
    %mul3A_23 = arith.muli %arg1, %mul3A_22 : i32
    "tpu.region"() ({
      %run_scoped3A = tpu.sem_alloc : memref<!tpu.dma_semaphore, #tpu.memory_space<semaphore_mem>>
      %dma_start3A = arith.constant 0 : i32
      %dma_start3A_24 = tpu.memref_slice %arg5[%arg0, %mul3A_23, %dma_start3A] : memref<2x10240x128xf32, #tpu.memory_space<hbm>> -> memref<1x640x128xf32, #tpu.memory_space<hbm>>
      %dma_start3A_25 = tpu.memref_squeeze %dma_start3A_24 : memref<1x640x128xf32, #tpu.memory_space<hbm>> -> memref<640x128xf32, #tpu.memory_space<hbm>>
      %dma_start3A_26 = arith.constant 0 : i32
      %dma_start3A_27 = tpu.memref_slice %arg10[%mul3A_21, %dma_start3A_26] : memref<10240x128xf32, #tpu.memory_space<vmem_shared>> -> memref<640x128xf32, #tpu.memory_space<vmem_shared>>
      tpu.enqueue_dma source(%dma_start3A_27 : memref<640x128xf32, #tpu.memory_space<vmem_shared>>) target(%dma_start3A_25 : memref<640x128xf32, #tpu.memory_space<hbm>>) target_semaphore(%run_scoped3A : memref<!tpu.dma_semaphore, #tpu.memory_space<semaphore_mem>>)
      %dma_wait3A = arith.constant 0 : i32
      %dma_wait3A_28 = tpu.memref_slice %arg5[%arg0, %mul3A_23, %dma_wait3A] : memref<2x10240x128xf32, #tpu.memory_space<hbm>> -> memref<1x640x128xf32, #tpu.memory_space<hbm>>
      %dma_wait3A_29 = tpu.memref_squeeze %dma_wait3A_28 : memref<1x640x128xf32, #tpu.memory_space<hbm>> -> memref<640x128xf32, #tpu.memory_space<hbm>>
      %dma_wait3A_30 = arith.constant 0 : i32
      %dma_wait3A_31 = tpu.memref_slice %arg10[%mul3A_21, %dma_wait3A_30] : memref<10240x128xf32, #tpu.memory_space<vmem_shared>> -> memref<640x128xf32, #tpu.memory_space<vmem_shared>>
      tpu.wait_dma2 semaphore(%run_scoped3A : memref<!tpu.dma_semaphore, #tpu.memory_space<semaphore_mem>>) src(%dma_wait3A_31 : memref<640x128xf32, #tpu.memory_space<vmem_shared>>) dst(%dma_wait3A_29 : memref<640x128xf32, #tpu.memory_space<hbm>>)
      tpu.yield
    }) : () -> ()
    return
  }
}

module attributes {stable_mosaic.version = 14 : i64} {
  func.func @_tc1_body(%arg0: i32, %arg1: memref<128x128xf32, #tpu.memory_space<vmem>>, %arg2: memref<1x1x128xf32, #tpu.memory_space<vmem>>, %arg3: memref<1x1x128xf32, #tpu.memory_space<vmem>>, %arg4: memref<128x128xf32, #tpu.memory_space<vmem>>, %arg5: memref<1x128xf32, #tpu.memory_space<vmem>>, %arg6: memref<128x128xf32, #tpu.memory_space<vmem>>, %arg7: memref<1x128xf32, #tpu.memory_space<vmem>>, %arg8: memref<1x1x128xf32, #tpu.memory_space<vmem>>, %arg9: memref<128x128xf32, #tpu.memory_space<vmem>>, %arg10: memref<128x128xf32, #tpu.memory_space<vmem>>) attributes {dimension_semantics = [#tpu.dimension_semantics<arbitrary>], iteration_bounds = array<i64: 80>, scalar_prefetch = 0 : i64, scratch_operands = 0 : i64, tpu.core_type = #tpu.core_type<tc>, window_params = [{transform_indices = @transform_0, window_bounds = array<i64: 128, 128>}, {transform_indices = @transform_1, window_bounds = array<i64: 1, 1, 128>}, {transform_indices = @transform_2, window_bounds = array<i64: 1, 1, 128>}, {pipeline_mode = #tpu.pipeline_mode<synchronous>, transform_indices = @transform_3, window_bounds = array<i64: 128, 128>}, {pipeline_mode = #tpu.pipeline_mode<synchronous>, transform_indices = @transform_4, window_bounds = array<i64: 1, 128>}, {pipeline_mode = #tpu.pipeline_mode<synchronous>, transform_indices = @transform_5, window_bounds = array<i64: 128, 128>}, {pipeline_mode = #tpu.pipeline_mode<synchronous>, transform_indices = @transform_6, window_bounds = array<i64: 1, 128>}, {transform_indices = @transform_7, window_bounds = array<i64: 1, 1, 128>}, {transform_indices = @transform_8, window_bounds = array<i64: 128, 128>}, {transform_indices = @transform_9, window_bounds = array<i64: 128, 128>}]} {
    %get3A = arith.constant 0 : index
    %get3A_0 = arith.constant 0 : index
    %get3A_1 = arith.constant 0 : index
    %get3A_2 = vector.load %arg2[%get3A, %get3A_0, %get3A_1] : memref<1x1x128xf32, #tpu.memory_space<vmem>>, vector<1x1x128xf32>
    %get3A_3 = arith.constant 0 : index
    %get3A_4 = arith.constant 0 : index
    %get3A_5 = arith.constant 0 : index
    %get3A_6 = vector.load %arg3[%get3A_3, %get3A_4, %get3A_5] : memref<1x1x128xf32, #tpu.memory_space<vmem>>, vector<1x1x128xf32>
    %add3A = arith.addf %get3A_2, %get3A_6 : vector<1x1x128xf32>
    %add3A_7 = arith.constant 1.000000e+00 : f32
    %add3A_8 = vector.broadcast %add3A_7 : f32 to vector<1x1x128xf32>
    %add3A_9 = arith.addf %add3A, %add3A_8 : vector<1x1x128xf32>
    %rsqrt3A = math.rsqrt %add3A_9 : vector<1x1x128xf32>
    %swap3A = arith.constant 0 : index
    %swap3A_10 = arith.constant 0 : index
    %swap3A_11 = arith.constant 0 : index
    %swap3A_12 = vector.load %arg8[%swap3A, %swap3A_10, %swap3A_11] : memref<1x1x128xf32, #tpu.memory_space<vmem>>, vector<1x1x128xf32>
    tpu.vector_store %arg8[%swap3A, %swap3A_10, %swap3A_11], %rsqrt3A {strides = array<i32>} : memref<1x1x128xf32, #tpu.memory_space<vmem>>, vector<1x1x128xf32>,
    %get3A_13 = arith.constant 0 : index
    %get3A_14 = arith.constant 0 : index
    %get3A_15 = vector.load %arg1[%get3A_13, %get3A_14] : memref<128x128xf32, #tpu.memory_space<vmem>>, vector<128x128xf32>
    %get3A_16 = arith.constant 0 : index
    %get3A_17 = arith.constant 0 : index
    %get3A_18 = vector.load %arg4[%get3A_16, %get3A_17] : memref<128x128xf32, #tpu.memory_space<vmem>>, vector<128x128xf32>
    %dot_general3A = arith.constant dense<0.000000e+00> : vector<128x128xf32>
    %dot_general3A_19 = tpu.matmul %get3A_15, %get3A_18, %dot_general3A {dimension_numbers = #tpu.dot_dimension_numbers<[1], [0], [0], [1], [0, 0, 1, 1], [], []>, transpose_lhs_hint = false} : vector<128x128xf32>, vector<128x128xf32>, vector<128x128xf32> -> vector<128x128xf32>
    %get3A_20 = arith.constant 0 : index
    %get3A_21 = arith.constant 0 : index
    %get3A_22 = vector.load %arg5[%get3A_20, %get3A_21] : memref<1x128xf32, #tpu.memory_space<vmem>>, vector<1x128xf32>
    %add3A_23 = vector.broadcast %get3A_22 : vector<1x128xf32> to vector<128x128xf32>
    %add3A_24 = arith.addf %dot_general3A_19, %add3A_23 : vector<128x128xf32>
    %swap3A_25 = arith.constant 0 : index
    %swap3A_26 = arith.constant 0 : index
    %swap3A_27 = vector.load %arg9[%swap3A_25, %swap3A_26] : memref<128x128xf32, #tpu.memory_space<vmem>>, vector<128x128xf32>
    tpu.vector_store %arg9[%swap3A_25, %swap3A_26], %add3A_24 {strides = array<i32>} : memref<128x128xf32, #tpu.memory_space<vmem>>, vector<128x128xf32>,
    %get3A_28 = arith.constant 0 : index
    %get3A_29 = arith.constant 0 : index
    %get3A_30 = vector.load %arg6[%get3A_28, %get3A_29] : memref<128x128xf32, #tpu.memory_space<vmem>>, vector<128x128xf32>
    %dot_general3A_31 = arith.constant dense<0.000000e+00> : vector<128x128xf32>
    %dot_general3A_32 = tpu.matmul %add3A_24, %get3A_30, %dot_general3A_31 {dimension_numbers = #tpu.dot_dimension_numbers<[1], [0], [0], [1], [0, 0, 1, 1], [], []>, transpose_lhs_hint = false} : vector<128x128xf32>, vector<128x128xf32>, vector<128x128xf32> -> vector<128x128xf32>
    %get3A_33 = arith.constant 0 : index
    %get3A_34 = arith.constant 0 : index
    %get3A_35 = vector.load %arg7[%get3A_33, %get3A_34] : memref<1x128xf32, #tpu.memory_space<vmem>>, vector<1x128xf32>
    %add3A_36 = vector.broadcast %get3A_35 : vector<1x128xf32> to vector<128x128xf32>
    %add3A_37 = arith.addf %dot_general3A_32, %add3A_36 : vector<128x128xf32>
    %squeeze3A = vector.shape_cast %rsqrt3A : vector<1x1x128xf32> to vector<1x128xf32>
    %iota3A = tpu.iota {dimensions = array<i32: 0>} : vector<128x128xi32>
    %iota3A_38 = tpu.iota {dimensions = array<i32: 1>} : vector<128x128xi32>
    %eq3A = arith.cmpi eq, %iota3A, %iota3A_38 : vector<128x128xi32>
    %broadcast_in_dim3A = vector.shape_cast %squeeze3A : vector<1x128xf32> to vector<1x128xf32>
    %broadcast_in_dim3A_39 = vector.broadcast %broadcast_in_dim3A : vector<1x128xf32> to vector<128x128xf32>
    %jit3A = arith.constant 0.000000e+00 : f32
    %broadcast_in_dim3A_40 = vector.broadcast %jit3A : f32 to vector<128x128xf32>
    %select_n3A = arith.select %eq3A, %broadcast_in_dim3A_39, %broadcast_in_dim3A_40 : vector<128x128xi1>, vector<128x128xf32>
    %dot_general3A_41 = arith.constant dense<0.000000e+00> : vector<128x128xf32>
    %dot_general3A_42 = tpu.matmul %select_n3A, %add3A_37, %dot_general3A_41 {dimension_numbers = #tpu.dot_dimension_numbers<[1], [0], [0], [1], [0, 0, 1, 1], [], []>, transpose_lhs_hint = false} : vector<128x128xf32>, vector<128x128xf32>, vector<128x128xf32> -> vector<128x128xf32>
    %swap3A_43 = arith.constant 0 : index
    %swap3A_44 = arith.constant 0 : index
    %swap3A_45 = vector.load %arg10[%swap3A_43, %swap3A_44] : memref<128x128xf32, #tpu.memory_space<vmem>>, vector<128x128xf32>
    tpu.vector_store %arg10[%swap3A_43, %swap3A_44], %dot_general3A_42 {strides = array<i32>} : memref<128x128xf32, #tpu.memory_space<vmem>>, vector<128x128xf32>,
    return
  }
  func.func @transform_0(%arg0: i32) -> (i32, i32) {
    %c0_i32 = arith.constant 0 : i32
    %c0_i32_0 = arith.constant 0 : i32
    return %arg0, %c0_i32 : i32, i32
  }
  func.func @transform_1(%arg0: i32) -> (i32, i32, i32) {
    %c0_i32 = arith.constant 0 : i32
    %c0_i32_0 = arith.constant 0 : i32
    %c0_i32_1 = arith.constant 0 : i32
    return %arg0, %c0_i32, %c0_i32_0 : i32, i32, i32
  }
  func.func @transform_2(%arg0: i32) -> (i32, i32, i32) {
    %c0_i32 = arith.constant 0 : i32
    %c0_i32_0 = arith.constant 0 : i32
    %c0_i32_1 = arith.constant 0 : i32
    return %arg0, %c0_i32, %c0_i32_0 : i32, i32, i32
  }
  func.func @transform_3(%arg0: i32) -> (i32, i32) {
    %c0_i32 = arith.constant 0 : i32
    %c0_i32_0 = arith.constant 0 : i32
    %c0_i32_1 = arith.constant 0 : i32
    return %c0_i32, %c0_i32_0 : i32, i32
  }
  func.func @transform_4(%arg0: i32) -> (i32, i32) {
    %c0_i32 = arith.constant 0 : i32
    %c0_i32_0 = arith.constant 0 : i32
    %c0_i32_1 = arith.constant 0 : i32
    return %c0_i32, %c0_i32_0 : i32, i32
  }
  func.func @transform_5(%arg0: i32) -> (i32, i32) {
    %c0_i32 = arith.constant 0 : i32
    %c0_i32_0 = arith.constant 0 : i32
    %c0_i32_1 = arith.constant 0 : i32
    return %c0_i32, %c0_i32_0 : i32, i32
  }
  func.func @transform_6(%arg0: i32) -> (i32, i32) {
    %c0_i32 = arith.constant 0 : i32
    %c0_i32_0 = arith.constant 0 : i32
    %c0_i32_1 = arith.constant 0 : i32
    return %c0_i32, %c0_i32_0 : i32, i32
  }
  func.func @transform_7(%arg0: i32) -> (i32, i32, i32) {
    %c0_i32 = arith.constant 0 : i32
    %c0_i32_0 = arith.constant 0 : i32
    %c0_i32_1 = arith.constant 0 : i32
    return %arg0, %c0_i32, %c0_i32_0 : i32, i32, i32
  }
  func.func @transform_8(%arg0: i32) -> (i32, i32) {
    %c0_i32 = arith.constant 0 : i32
    %c0_i32_0 = arith.constant 0 : i32
    return %arg0, %c0_i32 : i32, i32
  }
  func.func @transform_9(%arg0: i32) -> (i32, i32) {
    %c0_i32 = arith.constant 0 : i32
    %c0_i32_0 = arith.constant 0 : i32
    return %arg0, %c0_i32 : i32, i32
  }
}

module attributes {stable_mosaic.version = 14 : i64} {
  func.func @_tc2_body(%arg0: i32, %arg1: memref<128x128xf32, #tpu.memory_space<vmem>>, %arg2: memref<128x128xf32, #tpu.memory_space<vmem>>, %arg3: memref<128x128xf32, #tpu.memory_space<vmem>>, %arg4: memref<128x128xf32, #tpu.memory_space<vmem>>, %arg5: memref<1x1x128xf32, #tpu.memory_space<vmem>>, %arg6: memref<128x128xf32, #tpu.memory_space<vmem>>, %arg7: memref<1x128xf32, #tpu.memory_space<vmem>>, %arg8: memref<128x128xf32, #tpu.memory_space<vmem>>, %arg9: memref<128x128xf32, #tpu.memory_space<vmem>>) attributes {dimension_semantics = [#tpu.dimension_semantics<arbitrary>], iteration_bounds = array<i64: 80>, scalar_prefetch = 0 : i64, scratch_operands = 0 : i64, tpu.core_type = #tpu.core_type<tc>, window_params = [{transform_indices = @transform_0, window_bounds = array<i64: 128, 128>}, {transform_indices = @transform_1, window_bounds = array<i64: 128, 128>}, {transform_indices = @transform_2, window_bounds = array<i64: 128, 128>}, {transform_indices = @transform_3, window_bounds = array<i64: 128, 128>}, {transform_indices = @transform_4, window_bounds = array<i64: 1, 1, 128>}, {pipeline_mode = #tpu.pipeline_mode<synchronous>, transform_indices = @transform_5, window_bounds = array<i64: 128, 128>}, {pipeline_mode = #tpu.pipeline_mode<synchronous>, transform_indices = @transform_6, window_bounds = array<i64: 1, 128>}, {transform_indices = @transform_7, window_bounds = array<i64: 128, 128>}, {transform_indices = @transform_8, window_bounds = array<i64: 128, 128>}]} {
    %get3A = arith.constant 0 : index
    %get3A_0 = arith.constant 0 : index
    %get3A_1 = arith.constant 0 : index
    %get3A_2 = vector.load %arg5[%get3A, %get3A_0, %get3A_1] : memref<1x1x128xf32, #tpu.memory_space<vmem>>, vector<1x1x128xf32>
    %squeeze3A = vector.shape_cast %get3A_2 : vector<1x1x128xf32> to vector<1x128xf32>
    %iota3A = tpu.iota {dimensions = array<i32: 0>} : vector<128x128xi32>
    %iota3A_3 = tpu.iota {dimensions = array<i32: 1>} : vector<128x128xi32>
    %eq3A = arith.cmpi eq, %iota3A, %iota3A_3 : vector<128x128xi32>
    %broadcast_in_dim3A = vector.shape_cast %squeeze3A : vector<1x128xf32> to vector<1x128xf32>
    %broadcast_in_dim3A_4 = vector.broadcast %broadcast_in_dim3A : vector<1x128xf32> to vector<128x128xf32>
    %jit3A = arith.constant 0.000000e+00 : f32
    %broadcast_in_dim3A_5 = vector.broadcast %jit3A : f32 to vector<128x128xf32>
    %select_n3A = arith.select %eq3A, %broadcast_in_dim3A_4, %broadcast_in_dim3A_5 : vector<128x128xi1>, vector<128x128xf32>
    %get3A_6 = arith.constant 0 : index
    %get3A_7 = arith.constant 0 : index
    %get3A_8 = vector.load %arg1[%get3A_6, %get3A_7] : memref<128x128xf32, #tpu.memory_space<vmem>>, vector<128x128xf32>
    %get3A_9 = arith.constant 0 : index
    %get3A_10 = arith.constant 0 : index
    %get3A_11 = vector.load %arg2[%get3A_9, %get3A_10] : memref<128x128xf32, #tpu.memory_space<vmem>>, vector<128x128xf32>
    %add3A = arith.addf %get3A_8, %get3A_11 : vector<128x128xf32>
    %get3A_12 = arith.constant 0 : index
    %get3A_13 = arith.constant 0 : index
    %get3A_14 = vector.load %arg3[%get3A_12, %get3A_13] : memref<128x128xf32, #tpu.memory_space<vmem>>, vector<128x128xf32>
    %add3A_15 = arith.addf %add3A, %get3A_14 : vector<128x128xf32>
    %dot_general3A = arith.constant dense<0.000000e+00> : vector<128x128xf32>
    %dot_general3A_16 = tpu.matmul %select_n3A, %add3A_15, %dot_general3A {dimension_numbers = #tpu.dot_dimension_numbers<[1], [0], [0], [1], [0, 0, 1, 1], [], []>, transpose_lhs_hint = false} : vector<128x128xf32>, vector<128x128xf32>, vector<128x128xf32> -> vector<128x128xf32>
    %max3A = arith.constant 0.000000e+00 : f32
    %max3A_17 = vector.broadcast %max3A : f32 to vector<128x128xf32>
    %max3A_18 = arith.maximumf %dot_general3A_16, %max3A_17 : vector<128x128xf32>
    %get3A_19 = arith.constant 0 : index
    %get3A_20 = arith.constant 0 : index
    %get3A_21 = vector.load %arg4[%get3A_19, %get3A_20] : memref<128x128xf32, #tpu.memory_space<vmem>>, vector<128x128xf32>
    %add3A_22 = arith.addf %get3A_21, %max3A_18 : vector<128x128xf32>
    %swap3A = arith.constant 0 : index
    %swap3A_23 = arith.constant 0 : index
    %swap3A_24 = vector.load %arg8[%swap3A, %swap3A_23] : memref<128x128xf32, #tpu.memory_space<vmem>>, vector<128x128xf32>
    tpu.vector_store %arg8[%swap3A, %swap3A_23], %add3A_22 {strides = array<i32>} : memref<128x128xf32, #tpu.memory_space<vmem>>, vector<128x128xf32>,
    %get3A_25 = arith.constant 0 : index
    %get3A_26 = arith.constant 0 : index
    %get3A_27 = vector.load %arg6[%get3A_25, %get3A_26] : memref<128x128xf32, #tpu.memory_space<vmem>>, vector<128x128xf32>
    %dot_general3A_28 = arith.constant dense<0.000000e+00> : vector<128x128xf32>
    %dot_general3A_29 = tpu.matmul %add3A_22, %get3A_27, %dot_general3A_28 {dimension_numbers = #tpu.dot_dimension_numbers<[1], [0], [0], [1], [0, 0, 1, 1], [], []>, transpose_lhs_hint = false} : vector<128x128xf32>, vector<128x128xf32>, vector<128x128xf32> -> vector<128x128xf32>
    %get3A_30 = arith.constant 0 : index
    %get3A_31 = arith.constant 0 : index
    %get3A_32 = vector.load %arg7[%get3A_30, %get3A_31] : memref<1x128xf32, #tpu.memory_space<vmem>>, vector<1x128xf32>
    %add3A_33 = vector.broadcast %get3A_32 : vector<1x128xf32> to vector<128x128xf32>
    %add3A_34 = arith.addf %dot_general3A_29, %add3A_33 : vector<128x128xf32>
    %dot_general3A_35 = arith.constant dense<0.000000e+00> : vector<128x128xf32>
    %dot_general3A_36 = tpu.matmul %select_n3A, %add3A_34, %dot_general3A_35 {dimension_numbers = #tpu.dot_dimension_numbers<[1], [0], [0], [1], [0, 0, 1, 1], [], []>, transpose_lhs_hint = false} : vector<128x128xf32>, vector<128x128xf32>, vector<128x128xf32> -> vector<128x128xf32>
    %swap3A_37 = arith.constant 0 : index
    %swap3A_38 = arith.constant 0 : index
    %swap3A_39 = vector.load %arg9[%swap3A_37, %swap3A_38] : memref<128x128xf32, #tpu.memory_space<vmem>>, vector<128x128xf32>
    tpu.vector_store %arg9[%swap3A_37, %swap3A_38], %dot_general3A_36 {strides = array<i32>} : memref<128x128xf32, #tpu.memory_space<vmem>>, vector<128x128xf32>,
    return
  }
  func.func @transform_0(%arg0: i32) -> (i32, i32) {
    %c0_i32 = arith.constant 0 : i32
    %c0_i32_0 = arith.constant 0 : i32
    return %arg0, %c0_i32 : i32, i32
  }
  func.func @transform_1(%arg0: i32) -> (i32, i32) {
    %c0_i32 = arith.constant 0 : i32
    %c0_i32_0 = arith.constant 0 : i32
    return %arg0, %c0_i32 : i32, i32
  }
  func.func @transform_2(%arg0: i32) -> (i32, i32) {
    %c0_i32 = arith.constant 0 : i32
    %c0_i32_0 = arith.constant 0 : i32
    return %arg0, %c0_i32 : i32, i32
  }
  func.func @transform_3(%arg0: i32) -> (i32, i32) {
    %c0_i32 = arith.constant 0 : i32
    %c0_i32_0 = arith.constant 0 : i32
    return %arg0, %c0_i32 : i32, i32
  }
  func.func @transform_4(%arg0: i32) -> (i32, i32, i32) {
    %c0_i32 = arith.constant 0 : i32
    %c0_i32_0 = arith.constant 0 : i32
    %c0_i32_1 = arith.constant 0 : i32
    return %arg0, %c0_i32, %c0_i32_0 : i32, i32, i32
  }
  func.func @transform_5(%arg0: i32) -> (i32, i32) {
    %c0_i32 = arith.constant 0 : i32
    %c0_i32_0 = arith.constant 0 : i32
    %c0_i32_1 = arith.constant 0 : i32
    return %c0_i32, %c0_i32_0 : i32, i32
  }
  func.func @transform_6(%arg0: i32) -> (i32, i32) {
    %c0_i32 = arith.constant 0 : i32
    %c0_i32_0 = arith.constant 0 : i32
    %c0_i32_1 = arith.constant 0 : i32
    return %c0_i32, %c0_i32_0 : i32, i32
  }
  func.func @transform_7(%arg0: i32) -> (i32, i32) {
    %c0_i32 = arith.constant 0 : i32
    %c0_i32_0 = arith.constant 0 : i32
    return %arg0, %c0_i32 : i32, i32
  }
  func.func @transform_8(%arg0: i32) -> (i32, i32) {
    %c0_i32 = arith.constant 0 : i32
    %c0_i32_0 = arith.constant 0 : i32
    return %arg0, %c0_i32 : i32, i32
  }
}

module attributes {stable_mosaic.version = 14 : i64} {
  func.func @_tc3_body(%arg0: i32, %arg1: memref<128x128xf32, #tpu.memory_space<vmem>>, %arg2: memref<128x128xf32, #tpu.memory_space<vmem>>, %arg3: memref<128x128xf32, #tpu.memory_space<vmem>>, %arg4: memref<128x128xf32, #tpu.memory_space<vmem>>, %arg5: memref<1x1x128xf32, #tpu.memory_space<vmem>>, %arg6: memref<128x128xf32, #tpu.memory_space<vmem>>, %arg7: memref<1x128xf32, #tpu.memory_space<vmem>>, %arg8: memref<128x128xf32, #tpu.memory_space<vmem>>, %arg9: memref<1x128xf32, #tpu.memory_space<vmem>>, %arg10: memref<128x128xf32, #tpu.memory_space<vmem>>) attributes {dimension_semantics = [#tpu.dimension_semantics<arbitrary>], iteration_bounds = array<i64: 79>, scalar_prefetch = 0 : i64, scratch_operands = 0 : i64, tpu.core_type = #tpu.core_type<tc>, window_params = [{transform_indices = @transform_0, window_bounds = array<i64: 128, 128>}, {transform_indices = @transform_1, window_bounds = array<i64: 128, 128>}, {transform_indices = @transform_2, window_bounds = array<i64: 128, 128>}, {transform_indices = @transform_3, window_bounds = array<i64: 128, 128>}, {transform_indices = @transform_4, window_bounds = array<i64: 1, 1, 128>}, {pipeline_mode = #tpu.pipeline_mode<synchronous>, transform_indices = @transform_5, window_bounds = array<i64: 128, 128>}, {pipeline_mode = #tpu.pipeline_mode<synchronous>, transform_indices = @transform_6, window_bounds = array<i64: 1, 128>}, {pipeline_mode = #tpu.pipeline_mode<synchronous>, transform_indices = @transform_7, window_bounds = array<i64: 128, 128>}, {pipeline_mode = #tpu.pipeline_mode<synchronous>, transform_indices = @transform_8, window_bounds = array<i64: 1, 128>}, {transform_indices = @transform_9, window_bounds = array<i64: 128, 128>}]} {
    %get3A = arith.constant 0 : index
    %get3A_0 = arith.constant 0 : index
    %get3A_1 = arith.constant 0 : index
    %get3A_2 = vector.load %arg5[%get3A, %get3A_0, %get3A_1] : memref<1x1x128xf32, #tpu.memory_space<vmem>>, vector<1x1x128xf32>
    %squeeze3A = vector.shape_cast %get3A_2 : vector<1x1x128xf32> to vector<1x128xf32>
    %iota3A = tpu.iota {dimensions = array<i32: 0>} : vector<128x128xi32>
    %iota3A_3 = tpu.iota {dimensions = array<i32: 1>} : vector<128x128xi32>
    %eq3A = arith.cmpi eq, %iota3A, %iota3A_3 : vector<128x128xi32>
    %broadcast_in_dim3A = vector.shape_cast %squeeze3A : vector<1x128xf32> to vector<1x128xf32>
    %broadcast_in_dim3A_4 = vector.broadcast %broadcast_in_dim3A : vector<1x128xf32> to vector<128x128xf32>
    %jit3A = arith.constant 0.000000e+00 : f32
    %broadcast_in_dim3A_5 = vector.broadcast %jit3A : f32 to vector<128x128xf32>
    %select_n3A = arith.select %eq3A, %broadcast_in_dim3A_4, %broadcast_in_dim3A_5 : vector<128x128xi1>, vector<128x128xf32>
    %get3A_6 = arith.constant 0 : index
    %get3A_7 = arith.constant 0 : index
    %get3A_8 = vector.load %arg1[%get3A_6, %get3A_7] : memref<128x128xf32, #tpu.memory_space<vmem>>, vector<128x128xf32>
    %get3A_9 = arith.constant 0 : index
    %get3A_10 = arith.constant 0 : index
    %get3A_11 = vector.load %arg2[%get3A_9, %get3A_10] : memref<128x128xf32, #tpu.memory_space<vmem>>, vector<128x128xf32>
    %add3A = arith.addf %get3A_8, %get3A_11 : vector<128x128xf32>
    %get3A_12 = arith.constant 0 : index
    %get3A_13 = arith.constant 0 : index
    %get3A_14 = vector.load %arg3[%get3A_12, %get3A_13] : memref<128x128xf32, #tpu.memory_space<vmem>>, vector<128x128xf32>
    %add3A_15 = arith.addf %add3A, %get3A_14 : vector<128x128xf32>
    %dot_general3A = arith.constant dense<0.000000e+00> : vector<128x128xf32>
    %dot_general3A_16 = tpu.matmul %select_n3A, %add3A_15, %dot_general3A {dimension_numbers = #tpu.dot_dimension_numbers<[1], [0], [0], [1], [0, 0, 1, 1], [], []>, transpose_lhs_hint = false} : vector<128x128xf32>, vector<128x128xf32>, vector<128x128xf32> -> vector<128x128xf32>
    %max3A = arith.constant 0.000000e+00 : f32
    %max3A_17 = vector.broadcast %max3A : f32 to vector<128x128xf32>
    %max3A_18 = arith.maximumf %dot_general3A_16, %max3A_17 : vector<128x128xf32>
    %get3A_19 = arith.constant 0 : index
    %get3A_20 = arith.constant 0 : index
    %get3A_21 = vector.load %arg4[%get3A_19, %get3A_20] : memref<128x128xf32, #tpu.memory_space<vmem>>, vector<128x128xf32>
    %add3A_22 = arith.addf %get3A_21, %max3A_18 : vector<128x128xf32>
    %get3A_23 = arith.constant 0 : index
    %get3A_24 = arith.constant 0 : index
    %get3A_25 = vector.load %arg6[%get3A_23, %get3A_24] : memref<128x128xf32, #tpu.memory_space<vmem>>, vector<128x128xf32>
    %dot_general3A_26 = arith.constant dense<0.000000e+00> : vector<128x128xf32>
    %dot_general3A_27 = tpu.matmul %add3A_22, %get3A_25, %dot_general3A_26 {dimension_numbers = #tpu.dot_dimension_numbers<[1], [0], [0], [1], [0, 0, 1, 1], [], []>, transpose_lhs_hint = false} : vector<128x128xf32>, vector<128x128xf32>, vector<128x128xf32> -> vector<128x128xf32>
    %get3A_28 = arith.constant 0 : index
    %get3A_29 = arith.constant 0 : index
    %get3A_30 = vector.load %arg7[%get3A_28, %get3A_29] : memref<1x128xf32, #tpu.memory_space<vmem>>, vector<1x128xf32>
    %add3A_31 = vector.broadcast %get3A_30 : vector<1x128xf32> to vector<128x128xf32>
    %add3A_32 = arith.addf %dot_general3A_27, %add3A_31 : vector<128x128xf32>
    %max3A_33 = arith.constant 0.000000e+00 : f32
    %max3A_34 = vector.broadcast %max3A_33 : f32 to vector<128x128xf32>
    %max3A_35 = arith.maximumf %add3A_32, %max3A_34 : vector<128x128xf32>
    %get3A_36 = arith.constant 0 : index
    %get3A_37 = arith.constant 0 : index
    %get3A_38 = vector.load %arg8[%get3A_36, %get3A_37] : memref<128x128xf32, #tpu.memory_space<vmem>>, vector<128x128xf32>
    %dot_general3A_39 = arith.constant dense<0.000000e+00> : vector<128x128xf32>
    %dot_general3A_40 = tpu.matmul %max3A_35, %get3A_38, %dot_general3A_39 {dimension_numbers = #tpu.dot_dimension_numbers<[1], [0], [0], [1], [0, 0, 1, 1], [], []>, transpose_lhs_hint = false} : vector<128x128xf32>, vector<128x128xf32>, vector<128x128xf32> -> vector<128x128xf32>
    %get3A_41 = arith.constant 0 : index
    %get3A_42 = arith.constant 0 : index
    %get3A_43 = vector.load %arg9[%get3A_41, %get3A_42] : memref<1x128xf32, #tpu.memory_space<vmem>>, vector<1x128xf32>
    %add3A_44 = vector.broadcast %get3A_43 : vector<1x128xf32> to vector<128x128xf32>
    %add3A_45 = arith.addf %dot_general3A_40, %add3A_44 : vector<128x128xf32>
    %swap3A = arith.constant 0 : index
    %swap3A_46 = arith.constant 0 : index
    %swap3A_47 = vector.load %arg10[%swap3A, %swap3A_46] : memref<128x128xf32, #tpu.memory_space<vmem>>, vector<128x128xf32>
    tpu.vector_store %arg10[%swap3A, %swap3A_46], %add3A_45 {strides = array<i32>} : memref<128x128xf32, #tpu.memory_space<vmem>>, vector<128x128xf32>,
    return
  }
  func.func @transform_0(%arg0: i32) -> (i32, i32) {
    %c0_i32 = arith.constant 0 : i32
    %c0_i32_0 = arith.constant 0 : i32
    return %arg0, %c0_i32 : i32, i32
  }
  func.func @transform_1(%arg0: i32) -> (i32, i32) {
    %c0_i32 = arith.constant 0 : i32
    %c0_i32_0 = arith.constant 0 : i32
    return %arg0, %c0_i32 : i32, i32
  }
  func.func @transform_2(%arg0: i32) -> (i32, i32) {
    %c0_i32 = arith.constant 0 : i32
    %c0_i32_0 = arith.constant 0 : i32
    return %arg0, %c0_i32 : i32, i32
  }
  func.func @transform_3(%arg0: i32) -> (i32, i32) {
    %c0_i32 = arith.constant 0 : i32
    %c0_i32_0 = arith.constant 0 : i32
    return %arg0, %c0_i32 : i32, i32
  }
  func.func @transform_4(%arg0: i32) -> (i32, i32, i32) {
    %c0_i32 = arith.constant 0 : i32
    %c0_i32_0 = arith.constant 0 : i32
    %c0_i32_1 = arith.constant 0 : i32
    return %arg0, %c0_i32, %c0_i32_0 : i32, i32, i32
  }
  func.func @transform_5(%arg0: i32) -> (i32, i32) {
    %c0_i32 = arith.constant 0 : i32
    %c0_i32_0 = arith.constant 0 : i32
    %c0_i32_1 = arith.constant 0 : i32
    return %c0_i32, %c0_i32_0 : i32, i32
  }
  func.func @transform_6(%arg0: i32) -> (i32, i32) {
    %c0_i32 = arith.constant 0 : i32
    %c0_i32_0 = arith.constant 0 : i32
    %c0_i32_1 = arith.constant 0 : i32
    return %c0_i32, %c0_i32_0 : i32, i32
  }
  func.func @transform_7(%arg0: i32) -> (i32, i32) {
    %c0_i32 = arith.constant 0 : i32
    %c0_i32_0 = arith.constant 0 : i32
    %c0_i32_1 = arith.constant 0 : i32
    return %c0_i32, %c0_i32_0 : i32, i32
  }
  func.func @transform_8(%arg0: i32) -> (i32, i32) {
    %c0_i32 = arith.constant 0 : i32
    %c0_i32_0 = arith.constant 0 : i32
    %c0_i32_1 = arith.constant 0 : i32
    return %c0_i32, %c0_i32_0 : i32, i32
  }
  func.func @transform_9(%arg0: i32) -> (i32, i32) {
    %c0_i32 = arith.constant 0 : i32
    %c0_i32_0 = arith.constant 0 : i32
    return %arg0, %c0_i32 : i32, i32
  }
}

</mosaic_0001>

<sc_bundles>
// kernel: kernel.11.cloned.1.call-start
scs
__scs_entry_jumppad:
0x0: {  	(pc) =	sbr.rel $0x88, $3  }
0x1: {  	(tag) =	ssettag $0x0;
	lr =	simm.s32 $0x1  }
0x2: {  	[smem:$0x3F95] =	sst lr;
	_ =	strace $0xD0000000  }
0x3: {  	_ = 	snop  }
0x4: {  	_ = 	snop  }
0x5: {  	_ = 	snop  }
0x6: {  	_ = 	snop  }
0x7: {  	_ = 	snop  }
__scs_overlays_trampoline_lowered:
0x8: {  	[smem:$0x3FA4] =	sst s0  }
0x9: {  	[smem:$0x3FA5] =	sst s1  }
0xa: {  	[smem:$0x3FA6] =	sst s2  }
0xb: {  	[smem:$0x3FA7] =	sst s3  }
0xc: {  	[smem:$0x3FA8] =	sst s4  }
0xd: {  	[smem:$0x3FA9] =	sst s5  }
0xe: {  	[smem:$0x3FAA] =	sst s6  }
0xf: {  	[smem:$0x3FAB] =	sst s7  }
0x10: {  	[smem:$0x3FAC] =	sst s8  }
0x11: {  	[smem:$0x3FAD] =	sst s9;
	s0 =	simm.s32 @!p0 $0x0  }
0x12: {  	s1 =	sld [smem:$0x3F93];
	s0 =	simm.s32 @p0 $0x1  }
0x13: {  	[smem:$0x3FAE] =	sst s0;
	s0 =	simm.s32 @!p1 $0x0  }
0x14: {  	s2 =	sld [smem:$0x3F92];
	s0 =	simm.s32 @p1 $0x1  }
0x15: {  	[smem:$0x3FAF] =	sst s0;
	s0 =	simm.s32 @!p2 $0x0  }
0x16: {  	s3 =	sld [smem:$0x3FDB];
	s0 =	simm.s32 @p2 $0x1  }
0x17: {  	s4 =	simm.s32 $0x1BF5;
	[smem:$0x3FB1] =	sst s0  }
0x18: {  	s0 =	sld [smem:$0x3F94];
	_ =	swait.ge [sflag:s4], $0x0  }
0x19: {  	s7 =	sld [smem:$0x3F95]  }
0x1a: {  	s8 =	sadd.s32 $0xFFFFE003, lr  }
0x1b: {  	s9 =	sadd.s32 $0xFFFFFEF7, lr;
	s5 =	simm.s32 $0xFFFFFFFF;
	p2 =	slt.u32 s8, $0xFFFFF086  }
0x1c: {  	p1 =	slt.u32 s9, $0xF7A;
	s5 =	simm.s32 @!p2 $0x0  }
0x1d: {  	s5 =	simm.s32 @p1 $0x1;
	p0 =	seq.s32 s7, s2  }
0x1e: {  	s7 =	smul.u32 @!p0 $0xF7A, s2;
	p2 =	seq.s32 @!p0 s5, $0x0  }
0x1f: {  	s9 =	smul.u32 $0xF7A, s1;
	s8 =	simm.s32 @!p0 $0x1BF5;
	p2 =	por !p2, p0  }
0x20: {  	[sflag:s8] =	ssyncset.s32 @!p0 $0xFFFFF086;
	s6 =	sadd.s32 @!p0 s3, s7;
	s7 =	simm.s32 @!p0 $0x108  }
0x21: {  	s3 =	sadd.s32 s3, s9;
	s6 =	sadd.s32 @!p0 $0x88, s6;
	s7 =	simm.s32 @p2 $0x1082  }
0x22: {  	[simem:s7], [sflag:s8] =	dma.local @!p0 [hbm:s6], $0xF7A  }
0x23: {  	s9 =	sor.u32 $0xD0000000, s2;
	s6 =	simm.s32 $0x108;
	_ =	swait.ge @!p0 [sflag:s8], $0x0  }
0x24: {  	s3 =	sadd.s32 $0x88, s3;
	s6 =	simm.s32 @!p1 $0x1082;
	[sflag:s4] =	ssyncset.s32 $0xFFFFF086  }
0x25: {  	[simem:s6], [sflag:s4] =	dma.local [hbm:s3], $0xF7A  }
0x26: {  	[smem:$0x3F95] =	sst s1;
	(tag) =	ssettag s2;
	_ =	strace s9  }
0x27: {  	s1 =	sld [smem:$0x3FA5]  }
0x28: {  	s2 =	sld [smem:$0x3FA6]  }
0x29: {  	s4 =	sld [smem:$0x3FA8]  }
0x2a: {  	p0 =	seq.s32 s5, $0x0;
	s5 =	sld [smem:$0x3FA9]  }
0x2b: {  	s6 =	sld [smem:$0x3FAA]  }
0x2c: {  	s7 =	sld [smem:$0x3FAB]  }
0x2d: {  	s3 =	simm.s32 $0x108;
	s8 =	sld [smem:$0x3FAC]  }
0x2e: {  	s3 =	simm.s32 @!p0 $0x1082;
	s9 =	sld [smem:$0x3FAD]  }
0x2f: {  	lr =	sadd.s32 s0, s3;
	s0 =	sld [smem:$0x3FA4]  }
0x30: {  	s3 =	sld [smem:$0x3FA7]  }
0x31: {  	[smem:$0x3FB0] =	sst s10  }
0x32: {  	s10 =	sld [smem:$0x3FAE];
	_ =	sdelay $0x3  }
0x33: {  	p0 =	seq.s32 s10, $0x1;
	s10 =	sld [smem:$0x3FB0];
	_ =	sdelay $0x3  }
0x34: {  	[smem:$0x3FB0] =	sst s10  }
0x35: {  	s10 =	sld [smem:$0x3FAF];
	_ =	sdelay $0x3  }
0x36: {  	p1 =	seq.s32 s10, $0x1;
	s10 =	sld [smem:$0x3FB0];
	_ =	sdelay $0x3  }
0x37: {  	[smem:$0x3FB0] =	sst s10  }
0x38: {  	s10 =	sld [smem:$0x3FB1]  }
0x39: {  	_ = 	snop;
	(pc) =	sbr.ind lr, $3  }
0x3a: {  	_ = 	snop  }
0x3b: {  	_ = 	snop  }
0x3c: {  	p2 =	seq.s32 s10, $0x1;
	s10 =	sld [smem:$0x3FB0]  }
0x3d: {  	_ =	shalt  }
0x3e: {  	_ =	shalt  }
0x3f: {  	_ =	shalt  }
0x40: {  	_ =	shalt  }
0x41: {  	_ =	shalt  }
0x42: {  	_ =	shalt  }
0x43: {  	_ =	shalt  }
0x44: {  	_ =	shalt  }
0x45: {  	_ =	shalt  }
0x46: {  	_ =	shalt  }
0x47: {  	_ =	shalt  }
0x48: {  	_ =	shalt  }
0x49: {  	_ =	shalt  }
0x4a: {  	_ =	shalt  }
0x4b: {  	_ =	shalt  }
0x4c: {  	_ =	shalt  }
0x4d: {  	_ =	shalt  }
0x4e: {  	_ =	shalt  }
0x4f: {  	_ =	shalt  }
0x50: {  	_ =	shalt  }
0x51: {  	_ =	shalt  }
0x52: {  	_ =	shalt  }
0x53: {  	_ =	shalt  }
0x54: {  	_ =	shalt  }
0x55: {  	_ =	shalt  }
0x56: {  	_ =	shalt  }
0x57: {  	_ =	shalt  }
0x58: {  	_ =	shalt  }
0x59: {  	_ =	shalt  }
0x5a: {  	_ =	shalt  }
0x5b: {  	_ =	shalt  }
0x5c: {  	_ =	shalt  }
0x5d: {  	_ =	shalt  }
0x5e: {  	_ =	shalt  }
0x5f: {  	_ =	shalt  }
0x60: {  	_ =	shalt  }
0x61: {  	_ =	shalt  }
0x62: {  	_ =	shalt  }
0x63: {  	_ =	shalt  }
0x64: {  	_ =	shalt  }
0x65: {  	_ =	shalt  }
0x66: {  	_ =	shalt  }
0x67: {  	_ =	shalt  }
0x68: {  	_ =	shalt  }
0x69: {  	_ =	shalt  }
0x6a: {  	_ =	shalt  }
0x6b: {  	_ =	shalt  }
0x6c: {  	_ =	shalt  }
0x6d: {  	_ =	shalt  }
0x6e: {  	_ =	shalt  }
0x6f: {  	_ =	shalt  }
0x70: {  	_ =	shalt  }
0x71: {  	_ =	shalt  }
0x72: {  	_ =	shalt  }
0x73: {  	_ =	shalt  }
0x74: {  	_ =	shalt  }
0x75: {  	_ =	shalt  }
0x76: {  	_ =	shalt  }
0x77: {  	_ =	shalt  }
0x78: {  	_ =	shalt  }
0x79: {  	_ =	shalt  }
0x7a: {  	_ =	shalt  }
0x7b: {  	_ =	shalt  }
0x7c: {  	_ =	shalt  }
0x7d: {  	_ =	shalt  }
0x7e: {  	_ =	shalt  }
0x7f: {  	_ =	shalt  }
0x80: {  	_ =	shalt  }
0x81: {  	_ =	shalt  }
0x82: {  	_ =	shalt  }
0x83: {  	_ =	shalt  }
0x84: {  	_ =	shalt  }
0x85: {  	_ =	shalt  }
0x86: {  	_ =	shalt  }
0x87: {  	_ =	shalt  }
.Lfunc_end0:
.L_simem_size_0:
called_computation.1_lowered:
.L_overlay_start_0:
0x88: {  	s2 =	sld [smem:$0x3FD9]  }
0x89: {  	s3 =	sld [smem:$0x3FFE];
	_ =	sdelay $0x1  }
0x8a: {  	s1 =	srdreg.scid  }
0x8b: {  	s0 =	sand.u32 $0x1, s1  }
0x8c: {  	s17 =	sshll.u32 s0, $0xA;
	s2 =	sadd.s32 s3, s2  }
0x8d: {  	s2 =	sadd.s32 s2, s17  }
0x8e: {  	[smem:$0x3FBC] =	sst s2  }
0x8f: {  	_ = 	snop  }
0x90: {  	s2 =	sld [smem:$0x3FD0];
	(tm) =	ssettm $0x1  }
0x91: {  	s18 =	sld [smem:$0x3FFB];
	_ =	sdelay $0x3  }
0x92: {  	_ =	strace s18  }
0x93: {  	s3 =	sld [smem:$0x3FFC];
	_ =	sdelay $0x3  }
0x94: {  	_ =	strace s3  }
0x95: {  	s3 =	sld [smem:$0x3FFD];
	_ =	sdelay $0x3  }
0x96: {  	_ =	strace s3  }
0x97: {  	_ =	strace $0x8FFFFFFF  }
0x98: {  	s19 =	sld [smem:$0x3FDB];
	_ =	sdelay $0x1  }
0x99: {  	s4 =	simm.s32 $_scs_section_size  }
0x9a: {  	s5 =	simm.s32 $_size__tile_overlayer_lowered;
	s6 =	simm.s32 $_tile_overlayer_lowered  }
0x9b: {  	s22 =	simm.s32 $0x1BFF;
	s21 =	sshll.u32 s6, $0x1;
	s3 =	sadd.s32 s4, s19  }
0x9c: {  	s7 =	simm.s32 $0x0;
	s20 =	sshll.u32 s5, $0x1;
	s5 =	sadd.s32 s21, s3  }
0x9d: {  	[timem:s7], [sflag:s22] =	dma.local [hbm:s5], s20  }
0x9e: {  	_ =	swait.ge [sflag:s22], s20  }
0x9f: {  	s4 =	ssub.s32 $0x0, s20;
	[sflag:s22] =	ssyncset.done $0x0  }
0xa0: {  	[sflag:s22] =	ssyncadd.s32 s4;
	_ =	sdelay $0x1  }
0xa1: {  	s23 =	simm.s32 $0x1B8B  }
0xa2: {  	_ =	swait.ge [sflag:s23], $0x1  }
0xa3: {  	[sflag:s23] =	ssyncset.done $0x0  }
0xa4: {  	s25 =	simm.s32 $0x1B8E;
	s24 =	sld [smem:$0x3FFE];
	[sflag:s23] =	ssyncadd.s32 $0xFFFFFFFF  }
0xa5: {  	s26 =	simm.s32 $execute0_lowered;
	[smem:$0x3FD2] =	sst s25  }
0xa6: {  	s5 =	sshll.u32 s26, $0x1;
	_ =	strace $0x80000049;
	[dreg:$0x1] =	wrdreg $0xFFFFFFFF  }
0xa7: {  	s28 =	simm.s32 $_size_execute0_lowered;
	s3 =	sadd.s32 s3, s5;
	[dreg:$0x0] =	wrdreg $0x0  }
0xa8: {  	s5 =	sshll.u32 s28, $0x1;
	[dreg:$0x2] =	wrdreg s3  }
0xa9: {  	[dreg:$0x3] =	wrdreg s5  }
0xaa: {  	[dreg:$0x4] =	wrdreg $0xC0  }
0xab: {  	_ =	task [dreg:s7], $0x5FFFF  }
0xac: {  	[dreg:$0x1] =	wrdreg $0xFFFFFFFF  }
0xad: {  	[dreg:$0x0] =	wrdreg $0x60  }
0xae: {  	[dreg:$0x2] =	wrdreg s24  }
0xaf: {  	[dreg:$0x3] =	wrdreg s2  }
0xb0: {  	[dreg:$0x4] =	wrdreg $0x90000  }
0xb1: {  	[dreg:$0x5] =	wrdreg $0x9  }
0xb2: {  	_ =	task.clear_ibuf [dreg:s7], $0x6FFFF;
	_ =	strace $0x90000049  }
0xb3: {  	s29 =	simm.s32 $0x9;
	_ =	strace $0x8000004B  }
0xb4: {  	_ =	swait.ge [sflag:s29], $0x1  }
0xb5: {  	[sflag:s29] =	ssyncadd.s32 $0xFFFFFFFF  }
0xb6: {  	_ =	strace $0x9000004B  }
0xb7: {  	_ =	sfence  }
0xb8: {  	s30 =	sld [smem:$0x0];
	_ =	sdelay $0x2  }
0xb9: {  	s31 =	sshll.u32 s1, $0xD;
	s1 =	sshrl.u32 s1, $0x2  }
0xba: {  	s3 =	sand.u32 $0x4000, s31;
	s1 =	sadd.s32 s1, s30  }
0xbb: {  	s0 =	sor.u32 s3, s0;
	s1 =	sshll.u32 s1, $0x11  }
0xbc: {  	s0 =	sor.u32 s1, s0  }
0xbd: {  	s0 =	sadd.s32 $0x8F2B, s0  }
0xbe: {  	[sflag:s0] =	ssyncadd.remote.s32 $0x1  }
0xbf: {  	_ =	sfence.sel $0xFFFF  }
0xc0: {  	[dreg:$0x0] =	wrdreg $0xFFFFFFFF;
	(pc) =	sbr.abs _section_cstart, $3  }
0xc1: {  	[dreg:$0x1] =	wrdreg $0xFFFFFFFF  }
0xc2: {  	_ =	task.clear_ibuf [dreg:s7], $0x2FFFF;
	_ =	strace $0x9FFFFFFF  }
0xc3: {  	(tm) =	ssettm $0x7FFFFFFF  }
tec
execute0_lowered:
.L_overlay_start_1:
0x0: {  	(tag) =	ssettag $0x1  }
0x1: {  	s5 =	rddreg [dreg:$0x0]  }
0x2: {  	s6 =	rddreg [dreg:$0x1]  }
0x3: {  	s1 =	rddreg [dreg:$0x2]  }
0x4: {  	s2 =	srdreg.scid;
	s0 =	rddreg [dreg:$0x3];
	s3 =	simm.s32 $0x0  }
0x5: {  	s14 =	simm.s32 $0x5000;
	s15 =	simm.s32 $0x2;
	s16 =	simm.s32 $0x2800  }
0x6: {  	s17 =	simm.s32 $0x80;
	s7 =	sand.u32 $0x1, s2;
	s2 =	stileid.u32  }
0x7: {  	s18 =	simm.s32 $0x1;
	[smem:$0x7FF] =	sst s3;
	s8 =	smul.u32 $0x140000, s7  }
0x8: {  	s4 =	sshll.u32 s7, $0x4;
	s9 =	smul.u32 $0x14000, s2;
	_ =	strace $0x8000004A  }
0x9: {  	s30 =	smul.u32 $0x50000, s2;
	s7 =	ssub.s32 $0x2, s7;
	s19 =	sshll.u32 s2, $0x6  }
0xa: {  	s4 =	sor.u32 s2, s4;
	s31 =	sshrl.u32 s7, $0x1;
	s19 =	sor.u32 $0x1C02, s19  }
0xb: {  	s10 =	smul.u32 $0x500, s4;
	s4 =	sadd.s32 $0xDC00, s5;
	s8 =	sadd.s32 s9, s8  }
0xc: {  	s9 =	sshrl.u32 s30, $0x2;
	s12 =	ssub.s32 s7, s31;
	s8 =	sshrl.u32 s8, $0x3  }
0xd: {  	s11 =	sadd.s32 s10, s5;
	s8 =	sadd.s32 s8, s5;
	s5 =	sadd.s32 s9, s1  }
0xe: {  	s6 =	sadd.s32 s6, s10;
	s9 =	smax.u32 s12, $0x1;
	s7 =	sadd.s32 $0x3C00, s11  }
0xf: {  	s8 =	sadd.s32 $0x5DC00, s8;
	s10 =	sadd.s32 $0x4000, s5;
	s11 =	sadd.s32 $0x8000, s5  }
0x10: {  	v0 =	vimm.f32 $0.0e+00;
	s12 =	sadd.s32 $0xC000, s5;
	s13 =	sadd.s32 $0x10000, s5;
	s20 =	sshrl.u32 s5, $0x3  }
.LBB2_1:
0x11: {  	s21 =	simm.s32 $0x0;
	s22 =	simm.s32 $0x200  }
.LBB2_2:
0x12: {  	p0 =	sne.s32 s22, $0xFE00;
	[tilespmem:s21+$0x5070] =	vst v0  }
0x13: {  	[tilespmem:s21+$0x5000] =	vst v0  }
0x14: {  	[tilespmem:s21+$0x5010] =	vst v0  }
.Ltmp0:
0x15: {  	[tilespmem:s21+$0x5020] =	vst v0;
	(pc) =	sbr.rel @p0 .LBB2_2-.Ltmp0, $4  }
0x16: {  	[tilespmem:s21+$0x5030] =	vst v0  }
0x17: {  	[tilespmem:s21+$0x5040] =	vst v0  }
0x18: {  	[tilespmem:s21+$0x5050] =	vst v0  }
0x19: {  	[tilespmem:s21+$0x5060] =	vst v0;
	s21 =	sshra.s32 s22, $0x2;
	s22 =	sadd.s32 $0x200, s22  }
0x1a: {  	[tilespmem:s21+$0x5070] =	vst v0  }
0x1b: {  	[tilespmem:s21+$0x5000] =	vst v0  }
0x1c: {  	[tilespmem:s21+$0x5010] =	vst v0  }
0x1d: {  	[tilespmem:s21+$0x5020] =	vst v0  }
0x1e: {  	[tilespmem:s21+$0x5030] =	vst v0  }
0x1f: {  	[tilespmem:s21+$0x5040] =	vst v0  }
0x20: {  	[tilespmem:s21+$0x5050] =	vst v0  }
0x21: {  	[tilespmem:s21+$0x5060] =	vst v0  }
0x22: {  	[spmem:s5] =	stream.linear.scatter [tilespmem:s14], [sflag:$0x2], $0x4000, $0x38;
	[tilespmem:$0x1D000] =	vst v63  }
0x23: {  	_ =	swait.ge [sflag:s15], $0x4000  }
0x24: {  	[sflag:s15] =	ssyncset.done $0x0  }
0x25: {  	[sflag:s15] =	ssyncadd.s32 $0xFFFFC000  }
0x26: {  	[spmem:s10] =	stream.linear.scatter [tilespmem:s14], [sflag:$0x2], $0x4000, $0x38;
	[tilespmem:$0x1D000] =	vst v63  }
0x27: {  	_ =	swait.ge [sflag:s15], $0x4000  }
0x28: {  	[sflag:s15] =	ssyncset.done $0x0  }
0x29: {  	[sflag:s15] =	ssyncadd.s32 $0xFFFFC000  }
0x2a: {  	[spmem:s11] =	stream.linear.scatter [tilespmem:s14], [sflag:$0x2], $0x4000, $0x38;
	[tilespmem:$0x1D000] =	vst v63  }
0x2b: {  	_ =	swait.ge [sflag:s15], $0x4000  }
0x2c: {  	[sflag:s15] =	ssyncset.done $0x0  }
0x2d: {  	[sflag:s15] =	ssyncadd.s32 $0xFFFFC000  }
0x2e: {  	[spmem:s12] =	stream.linear.scatter [tilespmem:s14], [sflag:$0x2], $0x4000, $0x38;
	[tilespmem:$0x1D000] =	vst v63  }
0x2f: {  	_ =	swait.ge [sflag:s15], $0x4000  }
0x30: {  	[sflag:s15] =	ssyncset.done $0x0  }
0x31: {  	[sflag:s15] =	ssyncadd.s32 $0xFFFFC000  }
0x32: {  	[spmem:s13] =	stream.linear.scatter [tilespmem:s14], [sflag:$0x2], $0x4000, $0x38;
	[tilespmem:$0x1D000] =	vst v63  }
0x33: {  	_ =	swait.ge [sflag:s15], $0x4000  }
0x34: {  	[sflag:s15] =	ssyncset.done $0x0  }
0x35: {  	s29 =	simm.s32 $0x0;
	[sflag:s15] =	ssyncadd.s32 $0xFFFFC000  }
0x36: {  	[tilespmem:s29], [sflag:$0x2] =	stream.linear.gather [hbm4b:s6+s29], $0x2800, $0x38;
	[tilespmem:$0x1D000] =	vst v63  }
0x37: {  	_ =	swait.ge [sflag:s15], $0x2800  }
0x38: {  	[sflag:s15] =	ssyncset.done $0x0  }
0x39: {  	[sflag:s15] =	ssyncadd.s32 $0xFFFFD800  }
0x3a: {  	[tilespmem:s16], [sflag:$0x2] =	stream.linear.gather [hbm4b:s7+s29], $0x2800, $0x38;
	[tilespmem:$0x1D000] =	vst v63  }
0x3b: {  	_ =	swait.ge [sflag:s15], $0x2800  }
0x3c: {  	[sflag:s15] =	ssyncset.done $0x0  }
0x3d: {  	[sflag:s15] =	ssyncadd.s32 $0xFFFFD800  }
0x3e: {  	s30 =	simm.s32 $0x0;
	[bflag:$0x0] =	sbarrier.arrive $0xFFFF  }
0x3f: {  	[tilespmem:s14], [sflag:$0x1] =	stream.indirect.gather [hbm4b:s4+s17], $0x80, s30, s17, $0xb8;
	[tilespmem:$0x1D000] =	vst v63  }
0x40: {  	_ =	swait.ge [sflag:s18], $0x4000  }
0x41: {  	[sflag:s18] =	ssyncset.done $0x0  }
0x42: {  	s31 =	simm.s32 $0x2800;
	[sflag:s18] =	ssyncadd.s32 $0xFFFFC000  }
0x43: {  	[spmem:s1] =	stream.indirect.scatter.add.f32 [tilespmem:s14], [sflag:$0x2], $0x80, s31, s17, $0xb8;
	[tilespmem:$0x1D000] =	vst v63  }
0x44: {  	_ =	swait.ge [sflag:s15], $0x4000  }
0x45: {  	s21 =	simm.s32 $0x200;
	s22 =	simm.s32 $0x400;
	[sflag:s15] =	ssyncset.done $0x0  }
.LBB2_4:
0x46: {  	s23 =	sshra.s32 s21, $0x2  }
0x47: {  	[sflag:s15] =	ssyncadd.s32 $0xFFFFC000;
	s21 =	smov.u32 s22;
	s24 =	sadd.s32 $0x200, s22  }
0x48: {  	[tilespmem:s14], [sflag:$0x1] =	stream.indirect.gather [hbm4b:s4+s17], $0x80, s23, s17, $0xb8;
	[tilespmem:$0x1D000] =	vst v63  }
0x49: {  	p0 =	sne.s32 s22, $0x9E00;
	_ =	swait.ge [sflag:s18], $0x4000  }
.Ltmp1:
0x4a: {  	[sflag:s18] =	ssyncset.done $0x0;
	(pc) =	sbr.rel @p0 .LBB2_4-.Ltmp1, $4  }
0x4b: {  	s22 =	sadd.s32 $0x2800, s23;
	[sflag:s18] =	ssyncadd.s32 $0xFFFFC000  }
0x4c: {  	[spmem:s1] =	stream.indirect.scatter.add.f32 [tilespmem:s14], [sflag:$0x2], $0x80, s22, s17, $0xb8;
	[tilespmem:$0x1D000] =	vst v63  }
0x4d: {  	_ =	swait.ge [sflag:s15], $0x4000  }
0x4e: {  	s22 =	smov.u32 s24;
	[sflag:s15] =	ssyncset.done $0x0  }
0x4f: {  	s21 =	sshra.s32 s21, $0x2;
	[sflag:s15] =	ssyncadd.s32 $0xFFFFC000  }
0x50: {  	[tilespmem:s14], [sflag:$0x1] =	stream.indirect.gather [hbm4b:s4+s17], $0x80, s21, s17, $0xb8;
	[tilespmem:$0x1D000] =	vst v63  }
0x51: {  	_ =	swait.ge [sflag:s18], $0x4000  }
0x52: {  	[sflag:s18] =	ssyncset.done $0x0  }
0x53: {  	s21 =	sadd.s32 $0x2800, s21;
	[sflag:s18] =	ssyncadd.s32 $0xFFFFC000  }
0x54: {  	[spmem:s1] =	stream.indirect.scatter.add.f32 [tilespmem:s14], [sflag:$0x2], $0x80, s21, s17, $0xb8;
	[tilespmem:$0x1D000] =	vst v63  }
0x55: {  	_ =	swait.ge [sflag:s15], $0x4000  }
0x56: {  	s3 =	sadd.s32 $0x1, s3;
	[sflag:s15] =	ssyncset.done $0x0  }
0x57: {  	p0 =	sne.s32 s3, s9;
	[sflag:s15] =	ssyncadd.s32 $0xFFFFC000  }
.Ltmp2:
0x58: {  	[bflag:$0x0] =	sbarrier.arrive $0xFFFF;
	(pc) =	sbr.rel @p0 .LBB2_1-.Ltmp2, $4  }
0x59: {  	[hbm:s8], [sflag:s19] =	dma.local [spmem:s20], $0x2800  }
0x5a: {  	_ =	swait.ge [sflag:s15], $0x2800  }
0x5b: {  	[sflag:s15] =	ssyncset.done $0x0  }
0x5c: {  	[sflag:s15] =	ssyncadd.s32 $0xFFFFD800  }
0x5d: {  	_ =	sfence.sel $0x180000  }
0x5e: {  	[bflag:$0x0] =	sbarrier.arrive $0xFFFF  }
0x5f: {  	p0 =	sne.s32 s2, $0x0;
	_ =	strace $0x9000004A  }
0x60: {  	s0 =	sadd.s32 @!p0 $0x100000, s0;
	[bflag:$0x2] =	sbarrier.arrive $0xFFFF  }
0x61: {  	[sflag:s0] =	ssyncadd.tile.s32 @!p0 $0x1;
	_ =	shalt  }
.Lfunc_end2:
_tile_overlayer_lowered:
.L_overlay_start_2:
0x62: {  	(tag) =	ssettag $0x2  }
0x63: {  	s0 =	rddreg [dreg:$0x0];
	s2 =	stileid.u32  }
0x64: {  	s1 =	rddreg [dreg:$0x1];
	p0 =	sne.s32 s2, $0x0  }
0x65: {  	s3 =	rddreg [dreg:$0x2];
	[bflag:$0x3] =	sbarrier.arrive $0xFFFF;
	s2 =	simm.s32 @!p0 $0x1C02  }
0x66: {  	[timem:s3], [sflag:s2] =	dma.local @!p0 [hbm:s0], s1  }
0x67: {  	s0 =	simm.s32 @!p0 $0x2  }
0x68: {  	_ =	swait.ge @!p0 [sflag:s0], s1  }
0x69: {  	s1 =	ssub.s32 @!p0 $0x0, s1;
	[sflag:s0] =	ssyncset.done @!p0 $0x0  }
0x6a: {  	[sflag:s0] =	ssyncadd.s32 @!p0 s1  }
0x6b: {  	[bflag:$0x3] =	sbarrier.arrive $0xFFFF  }
0x6c: {  	_ =	shalt  }

// kernel: kernel.14.cloned.1.call-start
scs
__scs_entry_jumppad:
0x0: {  	(pc) =	sbr.rel $0x88, $3  }
0x1: {  	(tag) =	ssettag $0x0;
	lr =	simm.s32 $0x1  }
0x2: {  	[smem:$0x3F95] =	sst lr;
	_ =	strace $0xD0000000  }
0x3: {  	_ = 	snop  }
0x4: {  	_ = 	snop  }
0x5: {  	_ = 	snop  }
0x6: {  	_ = 	snop  }
0x7: {  	_ = 	snop  }
__scs_overlays_trampoline_lowered:
0x8: {  	[smem:$0x3FA4] =	sst s0  }
0x9: {  	[smem:$0x3FA5] =	sst s1  }
0xa: {  	[smem:$0x3FA6] =	sst s2  }
0xb: {  	[smem:$0x3FA7] =	sst s3  }
0xc: {  	[smem:$0x3FA8] =	sst s4  }
0xd: {  	[smem:$0x3FA9] =	sst s5  }
0xe: {  	[smem:$0x3FAA] =	sst s6  }
0xf: {  	[smem:$0x3FAB] =	sst s7  }
0x10: {  	[smem:$0x3FAC] =	sst s8  }
0x11: {  	[smem:$0x3FAD] =	sst s9;
	s0 =	simm.s32 @!p0 $0x0  }
0x12: {  	s1 =	sld [smem:$0x3F93];
	s0 =	simm.s32 @p0 $0x1  }
0x13: {  	[smem:$0x3FAE] =	sst s0;
	s0 =	simm.s32 @!p1 $0x0  }
0x14: {  	s2 =	sld [smem:$0x3F92];
	s0 =	simm.s32 @p1 $0x1  }
0x15: {  	[smem:$0x3FAF] =	sst s0;
	s0 =	simm.s32 @!p2 $0x0  }
0x16: {  	s3 =	sld [smem:$0x3FDB];
	s0 =	simm.s32 @p2 $0x1  }
0x17: {  	s4 =	simm.s32 $0x1BF5;
	[smem:$0x3FB1] =	sst s0  }
0x18: {  	s0 =	sld [smem:$0x3F94];
	_ =	swait.ge [sflag:s4], $0x0  }
0x19: {  	s7 =	sld [smem:$0x3F95]  }
0x1a: {  	s8 =	sadd.s32 $0xFFFFE003, lr  }
0x1b: {  	s9 =	sadd.s32 $0xFFFFFEF7, lr;
	s5 =	simm.s32 $0xFFFFFFFF;
	p2 =	slt.u32 s8, $0xFFFFF086  }
0x1c: {  	p1 =	slt.u32 s9, $0xF7A;
	s5 =	simm.s32 @!p2 $0x0  }
0x1d: {  	s5 =	simm.s32 @p1 $0x1;
	p0 =	seq.s32 s7, s2  }
0x1e: {  	s7 =	smul.u32 @!p0 $0xF7A, s2;
	p2 =	seq.s32 @!p0 s5, $0x0  }
0x1f: {  	s9 =	smul.u32 $0xF7A, s1;
	s8 =	simm.s32 @!p0 $0x1BF5;
	p2 =	por !p2, p0  }
0x20: {  	[sflag:s8] =	ssyncset.s32 @!p0 $0xFFFFF086;
	s6 =	sadd.s32 @!p0 s3, s7;
	s7 =	simm.s32 @!p0 $0x108  }
0x21: {  	s3 =	sadd.s32 s3, s9;
	s6 =	sadd.s32 @!p0 $0x88, s6;
	s7 =	simm.s32 @p2 $0x1082  }
0x22: {  	[simem:s7], [sflag:s8] =	dma.local @!p0 [hbm:s6], $0xF7A  }
0x23: {  	s9 =	sor.u32 $0xD0000000, s2;
	s6 =	simm.s32 $0x108;
	_ =	swait.ge @!p0 [sflag:s8], $0x0  }
0x24: {  	s3 =	sadd.s32 $0x88, s3;
	s6 =	simm.s32 @!p1 $0x1082;
	[sflag:s4] =	ssyncset.s32 $0xFFFFF086  }
0x25: {  	[simem:s6], [sflag:s4] =	dma.local [hbm:s3], $0xF7A  }
0x26: {  	[smem:$0x3F95] =	sst s1;
	(tag) =	ssettag s2;
	_ =	strace s9  }
0x27: {  	s1 =	sld [smem:$0x3FA5]  }
0x28: {  	s2 =	sld [smem:$0x3FA6]  }
0x29: {  	s4 =	sld [smem:$0x3FA8]  }
0x2a: {  	p0 =	seq.s32 s5, $0x0;
	s5 =	sld [smem:$0x3FA9]  }
0x2b: {  	s6 =	sld [smem:$0x3FAA]  }
0x2c: {  	s7 =	sld [smem:$0x3FAB]  }
0x2d: {  	s3 =	simm.s32 $0x108;
	s8 =	sld [smem:$0x3FAC]  }
0x2e: {  	s3 =	simm.s32 @!p0 $0x1082;
	s9 =	sld [smem:$0x3FAD]  }
0x2f: {  	lr =	sadd.s32 s0, s3;
	s0 =	sld [smem:$0x3FA4]  }
0x30: {  	s3 =	sld [smem:$0x3FA7]  }
0x31: {  	[smem:$0x3FB0] =	sst s10  }
0x32: {  	s10 =	sld [smem:$0x3FAE];
	_ =	sdelay $0x3  }
0x33: {  	p0 =	seq.s32 s10, $0x1;
	s10 =	sld [smem:$0x3FB0];
	_ =	sdelay $0x3  }
0x34: {  	[smem:$0x3FB0] =	sst s10  }
0x35: {  	s10 =	sld [smem:$0x3FAF];
	_ =	sdelay $0x3  }
0x36: {  	p1 =	seq.s32 s10, $0x1;
	s10 =	sld [smem:$0x3FB0];
	_ =	sdelay $0x3  }
0x37: {  	[smem:$0x3FB0] =	sst s10  }
0x38: {  	s10 =	sld [smem:$0x3FB1]  }
0x39: {  	_ = 	snop;
	(pc) =	sbr.ind lr, $3  }
0x3a: {  	_ = 	snop  }
0x3b: {  	_ = 	snop  }
0x3c: {  	p2 =	seq.s32 s10, $0x1;
	s10 =	sld [smem:$0x3FB0]  }
0x3d: {  	_ =	shalt  }
0x3e: {  	_ =	shalt  }
0x3f: {  	_ =	shalt  }
0x40: {  	_ =	shalt  }
0x41: {  	_ =	shalt  }
0x42: {  	_ =	shalt  }
0x43: {  	_ =	shalt  }
0x44: {  	_ =	shalt  }
0x45: {  	_ =	shalt  }
0x46: {  	_ =	shalt  }
0x47: {  	_ =	shalt  }
0x48: {  	_ =	shalt  }
0x49: {  	_ =	shalt  }
0x4a: {  	_ =	shalt  }
0x4b: {  	_ =	shalt  }
0x4c: {  	_ =	shalt  }
0x4d: {  	_ =	shalt  }
0x4e: {  	_ =	shalt  }
0x4f: {  	_ =	shalt  }
0x50: {  	_ =	shalt  }
0x51: {  	_ =	shalt  }
0x52: {  	_ =	shalt  }
0x53: {  	_ =	shalt  }
0x54: {  	_ =	shalt  }
0x55: {  	_ =	shalt  }
0x56: {  	_ =	shalt  }
0x57: {  	_ =	shalt  }
0x58: {  	_ =	shalt  }
0x59: {  	_ =	shalt  }
0x5a: {  	_ =	shalt  }
0x5b: {  	_ =	shalt  }
0x5c: {  	_ =	shalt  }
0x5d: {  	_ =	shalt  }
0x5e: {  	_ =	shalt  }
0x5f: {  	_ =	shalt  }
0x60: {  	_ =	shalt  }
0x61: {  	_ =	shalt  }
0x62: {  	_ =	shalt  }
0x63: {  	_ =	shalt  }
0x64: {  	_ =	shalt  }
0x65: {  	_ =	shalt  }
0x66: {  	_ =	shalt  }
0x67: {  	_ =	shalt  }
0x68: {  	_ =	shalt  }
0x69: {  	_ =	shalt  }
0x6a: {  	_ =	shalt  }
0x6b: {  	_ =	shalt  }
0x6c: {  	_ =	shalt  }
0x6d: {  	_ =	shalt  }
0x6e: {  	_ =	shalt  }
0x6f: {  	_ =	shalt  }
0x70: {  	_ =	shalt  }
0x71: {  	_ =	shalt  }
0x72: {  	_ =	shalt  }
0x73: {  	_ =	shalt  }
0x74: {  	_ =	shalt  }
0x75: {  	_ =	shalt  }
0x76: {  	_ =	shalt  }
0x77: {  	_ =	shalt  }
0x78: {  	_ =	shalt  }
0x79: {  	_ =	shalt  }
0x7a: {  	_ =	shalt  }
0x7b: {  	_ =	shalt  }
0x7c: {  	_ =	shalt  }
0x7d: {  	_ =	shalt  }
0x7e: {  	_ =	shalt  }
0x7f: {  	_ =	shalt  }
0x80: {  	_ =	shalt  }
0x81: {  	_ =	shalt  }
0x82: {  	_ =	shalt  }
0x83: {  	_ =	shalt  }
0x84: {  	_ =	shalt  }
0x85: {  	_ =	shalt  }
0x86: {  	_ =	shalt  }
0x87: {  	_ =	shalt  }
.Lfunc_end0:
.L_simem_size_0:
called_computation.2_lowered:
.L_overlay_start_0:
0x88: {  	s2 =	sld [smem:$0x3FD9]  }
0x89: {  	s3 =	sld [smem:$0x3FFE];
	_ =	sdelay $0x1  }
0x8a: {  	s1 =	srdreg.scid  }
0x8b: {  	s0 =	sand.u32 $0x1, s1  }
0x8c: {  	s17 =	sshll.u32 s0, $0xA;
	s2 =	sadd.s32 s3, s2  }
0x8d: {  	s2 =	sadd.s32 s2, s17  }
0x8e: {  	[smem:$0x3FBC] =	sst s2  }
0x8f: {  	_ = 	snop  }
0x90: {  	s2 =	sld [smem:$0x3FD0];
	(tm) =	ssettm $0x1  }
0x91: {  	s18 =	sld [smem:$0x3FFB];
	_ =	sdelay $0x3  }
0x92: {  	_ =	strace s18  }
0x93: {  	s3 =	sld [smem:$0x3FFC];
	_ =	sdelay $0x3  }
0x94: {  	_ =	strace s3  }
0x95: {  	s3 =	sld [smem:$0x3FFD];
	_ =	sdelay $0x3  }
0x96: {  	_ =	strace s3  }
0x97: {  	_ =	strace $0x8FFFFFFF  }
0x98: {  	s19 =	sld [smem:$0x3FDB];
	_ =	sdelay $0x1  }
0x99: {  	s4 =	simm.s32 $_scs_section_size  }
0x9a: {  	s5 =	simm.s32 $_size__tile_overlayer_lowered;
	s6 =	simm.s32 $_tile_overlayer_lowered  }
0x9b: {  	s22 =	simm.s32 $0x1BFF;
	s21 =	sshll.u32 s6, $0x1;
	s3 =	sadd.s32 s4, s19  }
0x9c: {  	s7 =	simm.s32 $0x0;
	s20 =	sshll.u32 s5, $0x1;
	s5 =	sadd.s32 s21, s3  }
0x9d: {  	[timem:s7], [sflag:s22] =	dma.local [hbm:s5], s20  }
0x9e: {  	_ =	swait.ge [sflag:s22], s20  }
0x9f: {  	s4 =	ssub.s32 $0x0, s20;
	[sflag:s22] =	ssyncset.done $0x0  }
0xa0: {  	[sflag:s22] =	ssyncadd.s32 s4;
	_ =	sdelay $0x1  }
0xa1: {  	s23 =	simm.s32 $0x1B8B  }
0xa2: {  	_ =	swait.ge [sflag:s23], $0x1  }
0xa3: {  	[sflag:s23] =	ssyncset.done $0x0  }
0xa4: {  	s25 =	simm.s32 $0x1B8E;
	s24 =	sld [smem:$0x3FFE];
	[sflag:s23] =	ssyncadd.s32 $0xFFFFFFFF  }
0xa5: {  	s26 =	simm.s32 $execute0_lowered;
	[smem:$0x3FD2] =	sst s25  }
0xa6: {  	s5 =	sshll.u32 s26, $0x1;
	_ =	strace $0x8000004C;
	[dreg:$0x1] =	wrdreg $0xFFFFFFFF  }
0xa7: {  	s28 =	simm.s32 $_size_execute0_lowered;
	s3 =	sadd.s32 s3, s5;
	[dreg:$0x0] =	wrdreg $0x0  }
0xa8: {  	s5 =	sshll.u32 s28, $0x1;
	[dreg:$0x2] =	wrdreg s3  }
0xa9: {  	[dreg:$0x3] =	wrdreg s5  }
0xaa: {  	[dreg:$0x4] =	wrdreg $0xC0  }
0xab: {  	_ =	task [dreg:s7], $0x5FFFF  }
0xac: {  	[dreg:$0x1] =	wrdreg $0xFFFFFFFF  }
0xad: {  	[dreg:$0x0] =	wrdreg $0x60  }
0xae: {  	[dreg:$0x2] =	wrdreg s24  }
0xaf: {  	[dreg:$0x3] =	wrdreg s2  }
0xb0: {  	[dreg:$0x4] =	wrdreg $0x90000  }
0xb1: {  	[dreg:$0x5] =	wrdreg $0x9  }
0xb2: {  	_ =	task.clear_ibuf [dreg:s7], $0x6FFFF;
	_ =	strace $0x9000004C  }
0xb3: {  	s29 =	simm.s32 $0x9;
	_ =	strace $0x8000004E  }
0xb4: {  	_ =	swait.ge [sflag:s29], $0x1  }
0xb5: {  	[sflag:s29] =	ssyncadd.s32 $0xFFFFFFFF  }
0xb6: {  	_ =	strace $0x9000004E  }
0xb7: {  	_ =	sfence  }
0xb8: {  	s30 =	sld [smem:$0x0];
	_ =	sdelay $0x2  }
0xb9: {  	s31 =	sshll.u32 s1, $0xD;
	s1 =	sshrl.u32 s1, $0x2  }
0xba: {  	s3 =	sand.u32 $0x4000, s31;
	s1 =	sadd.s32 s1, s30  }
0xbb: {  	s0 =	sor.u32 s3, s0;
	s1 =	sshll.u32 s1, $0x11  }
0xbc: {  	s0 =	sor.u32 s1, s0  }
0xbd: {  	s0 =	sadd.s32 $0x8F2B, s0  }
0xbe: {  	[sflag:s0] =	ssyncadd.remote.s32 $0x1  }
0xbf: {  	_ =	sfence.sel $0xFFFF  }
0xc0: {  	[dreg:$0x0] =	wrdreg $0xFFFFFFFF;
	(pc) =	sbr.abs _section_cstart, $3  }
0xc1: {  	[dreg:$0x1] =	wrdreg $0xFFFFFFFF  }
0xc2: {  	_ =	task.clear_ibuf [dreg:s7], $0x2FFFF;
	_ =	strace $0x9FFFFFFF  }
0xc3: {  	(tm) =	ssettm $0x7FFFFFFF  }
tec
execute0_lowered:
.L_overlay_start_1:
0x0: {  	(tag) =	ssettag $0x1  }
0x1: {  	s5 =	rddreg [dreg:$0x0]  }
0x2: {  	s6 =	rddreg [dreg:$0x1]  }
0x3: {  	s1 =	rddreg [dreg:$0x2]  }
0x4: {  	s2 =	srdreg.scid;
	s0 =	rddreg [dreg:$0x3];
	s3 =	simm.s32 $0x0  }
0x5: {  	s14 =	simm.s32 $0x5000;
	s15 =	simm.s32 $0x2;
	s16 =	simm.s32 $0x2800  }
0x6: {  	s17 =	simm.s32 $0x80;
	s7 =	sand.u32 $0x1, s2;
	s2 =	stileid.u32  }
0x7: {  	s18 =	simm.s32 $0x1;
	[smem:$0x7FF] =	sst s3;
	s8 =	smul.u32 $0x140000, s7  }
0x8: {  	s4 =	sshll.u32 s7, $0x4;
	s9 =	smul.u32 $0x14000, s2;
	_ =	strace $0x8000004D  }
0x9: {  	s30 =	smul.u32 $0x50000, s2;
	s7 =	ssub.s32 $0x2, s7;
	s19 =	sshll.u32 s2, $0x6  }
0xa: {  	s4 =	sor.u32 s2, s4;
	s31 =	sshrl.u32 s7, $0x1;
	s19 =	sor.u32 $0x1C02, s19  }
0xb: {  	s10 =	smul.u32 $0x500, s4;
	s4 =	sadd.s32 $0xDC00, s5;
	s8 =	sadd.s32 s9, s8  }
0xc: {  	s9 =	sshrl.u32 s30, $0x2;
	s12 =	ssub.s32 s7, s31;
	s8 =	sshrl.u32 s8, $0x3  }
0xd: {  	s11 =	sadd.s32 s10, s5;
	s8 =	sadd.s32 s8, s5;
	s5 =	sadd.s32 s9, s1  }
0xe: {  	s6 =	sadd.s32 s6, s10;
	s9 =	smax.u32 s12, $0x1;
	s7 =	sadd.s32 $0x3C00, s11  }
0xf: {  	s8 =	sadd.s32 $0x35C00, s8;
	s10 =	sadd.s32 $0x4000, s5;
	s11 =	sadd.s32 $0x8000, s5  }
0x10: {  	v0 =	vimm.f32 $0.0e+00;
	s12 =	sadd.s32 $0xC000, s5;
	s13 =	sadd.s32 $0x10000, s5;
	s20 =	sshrl.u32 s5, $0x3  }
.LBB2_1:
0x11: {  	s21 =	simm.s32 $0x0;
	s22 =	simm.s32 $0x200  }
.LBB2_2:
0x12: {  	p0 =	sne.s32 s22, $0xFE00;
	[tilespmem:s21+$0x5070] =	vst v0  }
0x13: {  	[tilespmem:s21+$0x5000] =	vst v0  }
0x14: {  	[tilespmem:s21+$0x5010] =	vst v0  }
.Ltmp0:
0x15: {  	[tilespmem:s21+$0x5020] =	vst v0;
	(pc) =	sbr.rel @p0 .LBB2_2-.Ltmp0, $4  }
0x16: {  	[tilespmem:s21+$0x5030] =	vst v0  }
0x17: {  	[tilespmem:s21+$0x5040] =	vst v0  }
0x18: {  	[tilespmem:s21+$0x5050] =	vst v0  }
0x19: {  	[tilespmem:s21+$0x5060] =	vst v0;
	s21 =	sshra.s32 s22, $0x2;
	s22 =	sadd.s32 $0x200, s22  }
0x1a: {  	[tilespmem:s21+$0x5070] =	vst v0  }
0x1b: {  	[tilespmem:s21+$0x5000] =	vst v0  }
0x1c: {  	[tilespmem:s21+$0x5010] =	vst v0  }
0x1d: {  	[tilespmem:s21+$0x5020] =	vst v0  }
0x1e: {  	[tilespmem:s21+$0x5030] =	vst v0  }
0x1f: {  	[tilespmem:s21+$0x5040] =	vst v0  }
0x20: {  	[tilespmem:s21+$0x5050] =	vst v0  }
0x21: {  	[tilespmem:s21+$0x5060] =	vst v0  }
0x22: {  	[spmem:s5] =	stream.linear.scatter [tilespmem:s14], [sflag:$0x2], $0x4000, $0x38;
	[tilespmem:$0x1D000] =	vst v63  }
0x23: {  	_ =	swait.ge [sflag:s15], $0x4000  }
0x24: {  	[sflag:s15] =	ssyncset.done $0x0  }
0x25: {  	[sflag:s15] =	ssyncadd.s32 $0xFFFFC000  }
0x26: {  	[spmem:s10] =	stream.linear.scatter [tilespmem:s14], [sflag:$0x2], $0x4000, $0x38;
	[tilespmem:$0x1D000] =	vst v63  }
0x27: {  	_ =	swait.ge [sflag:s15], $0x4000  }
0x28: {  	[sflag:s15] =	ssyncset.done $0x0  }
0x29: {  	[sflag:s15] =	ssyncadd.s32 $0xFFFFC000  }
0x2a: {  	[spmem:s11] =	stream.linear.scatter [tilespmem:s14], [sflag:$0x2], $0x4000, $0x38;
	[tilespmem:$0x1D000] =	vst v63  }
0x2b: {  	_ =	swait.ge [sflag:s15], $0x4000  }
0x2c: {  	[sflag:s15] =	ssyncset.done $0x0  }
0x2d: {  	[sflag:s15] =	ssyncadd.s32 $0xFFFFC000  }
0x2e: {  	[spmem:s12] =	stream.linear.scatter [tilespmem:s14], [sflag:$0x2], $0x4000, $0x38;
	[tilespmem:$0x1D000] =	vst v63  }
0x2f: {  	_ =	swait.ge [sflag:s15], $0x4000  }
0x30: {  	[sflag:s15] =	ssyncset.done $0x0  }
0x31: {  	[sflag:s15] =	ssyncadd.s32 $0xFFFFC000  }
0x32: {  	[spmem:s13] =	stream.linear.scatter [tilespmem:s14], [sflag:$0x2], $0x4000, $0x38;
	[tilespmem:$0x1D000] =	vst v63  }
0x33: {  	_ =	swait.ge [sflag:s15], $0x4000  }
0x34: {  	[sflag:s15] =	ssyncset.done $0x0  }
0x35: {  	s29 =	simm.s32 $0x0;
	[sflag:s15] =	ssyncadd.s32 $0xFFFFC000  }
0x36: {  	[tilespmem:s29], [sflag:$0x2] =	stream.linear.gather [hbm4b:s6+s29], $0x2800, $0x38;
	[tilespmem:$0x1D000] =	vst v63  }
0x37: {  	_ =	swait.ge [sflag:s15], $0x2800  }
0x38: {  	[sflag:s15] =	ssyncset.done $0x0  }
0x39: {  	[sflag:s15] =	ssyncadd.s32 $0xFFFFD800  }
0x3a: {  	[tilespmem:s16], [sflag:$0x2] =	stream.linear.gather [hbm4b:s7+s29], $0x2800, $0x38;
	[tilespmem:$0x1D000] =	vst v63  }
0x3b: {  	_ =	swait.ge [sflag:s15], $0x2800  }
0x3c: {  	[sflag:s15] =	ssyncset.done $0x0  }
0x3d: {  	[sflag:s15] =	ssyncadd.s32 $0xFFFFD800  }
0x3e: {  	s30 =	simm.s32 $0x0;
	[bflag:$0x0] =	sbarrier.arrive $0xFFFF  }
0x3f: {  	[tilespmem:s14], [sflag:$0x1] =	stream.indirect.gather [hbm4b:s4+s17], $0x80, s30, s17, $0xb8;
	[tilespmem:$0x1D000] =	vst v63  }
0x40: {  	_ =	swait.ge [sflag:s18], $0x4000  }
0x41: {  	[sflag:s18] =	ssyncset.done $0x0  }
0x42: {  	s31 =	simm.s32 $0x2800;
	[sflag:s18] =	ssyncadd.s32 $0xFFFFC000  }
0x43: {  	[spmem:s1] =	stream.indirect.scatter.add.f32 [tilespmem:s14], [sflag:$0x2], $0x80, s31, s17, $0xb8;
	[tilespmem:$0x1D000] =	vst v63  }
0x44: {  	_ =	swait.ge [sflag:s15], $0x4000  }
0x45: {  	s21 =	simm.s32 $0x200;
	s22 =	simm.s32 $0x400;
	[sflag:s15] =	ssyncset.done $0x0  }
.LBB2_4:
0x46: {  	s23 =	sshra.s32 s21, $0x2  }
0x47: {  	[sflag:s15] =	ssyncadd.s32 $0xFFFFC000;
	s21 =	smov.u32 s22;
	s24 =	sadd.s32 $0x200, s22  }
0x48: {  	[tilespmem:s14], [sflag:$0x1] =	stream.indirect.gather [hbm4b:s4+s17], $0x80, s23, s17, $0xb8;
	[tilespmem:$0x1D000] =	vst v63  }
0x49: {  	p0 =	sne.s32 s22, $0x9E00;
	_ =	swait.ge [sflag:s18], $0x4000  }
.Ltmp1:
0x4a: {  	[sflag:s18] =	ssyncset.done $0x0;
	(pc) =	sbr.rel @p0 .LBB2_4-.Ltmp1, $4  }
0x4b: {  	s22 =	sadd.s32 $0x2800, s23;
	[sflag:s18] =	ssyncadd.s32 $0xFFFFC000  }
0x4c: {  	[spmem:s1] =	stream.indirect.scatter.add.f32 [tilespmem:s14], [sflag:$0x2], $0x80, s22, s17, $0xb8;
	[tilespmem:$0x1D000] =	vst v63  }
0x4d: {  	_ =	swait.ge [sflag:s15], $0x4000  }
0x4e: {  	s22 =	smov.u32 s24;
	[sflag:s15] =	ssyncset.done $0x0  }
0x4f: {  	s21 =	sshra.s32 s21, $0x2;
	[sflag:s15] =	ssyncadd.s32 $0xFFFFC000  }
0x50: {  	[tilespmem:s14], [sflag:$0x1] =	stream.indirect.gather [hbm4b:s4+s17], $0x80, s21, s17, $0xb8;
	[tilespmem:$0x1D000] =	vst v63  }
0x51: {  	_ =	swait.ge [sflag:s18], $0x4000  }
0x52: {  	[sflag:s18] =	ssyncset.done $0x0  }
0x53: {  	s21 =	sadd.s32 $0x2800, s21;
	[sflag:s18] =	ssyncadd.s32 $0xFFFFC000  }
0x54: {  	[spmem:s1] =	stream.indirect.scatter.add.f32 [tilespmem:s14], [sflag:$0x2], $0x80, s21, s17, $0xb8;
	[tilespmem:$0x1D000] =	vst v63  }
0x55: {  	_ =	swait.ge [sflag:s15], $0x4000  }
0x56: {  	s3 =	sadd.s32 $0x1, s3;
	[sflag:s15] =	ssyncset.done $0x0  }
0x57: {  	p0 =	sne.s32 s3, s9;
	[sflag:s15] =	ssyncadd.s32 $0xFFFFC000  }
.Ltmp2:
0x58: {  	[bflag:$0x0] =	sbarrier.arrive $0xFFFF;
	(pc) =	sbr.rel @p0 .LBB2_1-.Ltmp2, $4  }
0x59: {  	[hbm:s8], [sflag:s19] =	dma.local [spmem:s20], $0x2800  }
0x5a: {  	_ =	swait.ge [sflag:s15], $0x2800  }
0x5b: {  	[sflag:s15] =	ssyncset.done $0x0  }
0x5c: {  	[sflag:s15] =	ssyncadd.s32 $0xFFFFD800  }
0x5d: {  	_ =	sfence.sel $0x180000  }
0x5e: {  	[bflag:$0x0] =	sbarrier.arrive $0xFFFF  }
0x5f: {  	p0 =	sne.s32 s2, $0x0;
	_ =	strace $0x9000004D  }
0x60: {  	s0 =	sadd.s32 @!p0 $0x100000, s0;
	[bflag:$0x2] =	sbarrier.arrive $0xFFFF  }
0x61: {  	[sflag:s0] =	ssyncadd.tile.s32 @!p0 $0x1;
	_ =	shalt  }
.Lfunc_end2:
_tile_overlayer_lowered:
.L_overlay_start_2:
0x62: {  	(tag) =	ssettag $0x2  }
0x63: {  	s0 =	rddreg [dreg:$0x0];
	s2 =	stileid.u32  }
0x64: {  	s1 =	rddreg [dreg:$0x1];
	p0 =	sne.s32 s2, $0x0  }
0x65: {  	s3 =	rddreg [dreg:$0x2];
	[bflag:$0x3] =	sbarrier.arrive $0xFFFF;
	s2 =	simm.s32 @!p0 $0x1C02  }
0x66: {  	[timem:s3], [sflag:s2] =	dma.local @!p0 [hbm:s0], s1  }
0x67: {  	s0 =	simm.s32 @!p0 $0x2  }
0x68: {  	_ =	swait.ge @!p0 [sflag:s0], s1  }
0x69: {  	s1 =	ssub.s32 @!p0 $0x0, s1;
	[sflag:s0] =	ssyncset.done @!p0 $0x0  }
0x6a: {  	[sflag:s0] =	ssyncadd.s32 @!p0 s1  }
0x6b: {  	[bflag:$0x3] =	sbarrier.arrive $0xFFFF  }
0x6c: {  	_ =	shalt  }

// kernel: kernel.8.cloned.1.call-start
scs
__scs_entry_jumppad:
0x0: {  	(pc) =	sbr.rel $0x88, $3  }
0x1: {  	(tag) =	ssettag $0x0;
	lr =	simm.s32 $0x1  }
0x2: {  	[smem:$0x3F95] =	sst lr;
	_ =	strace $0xD0000000  }
0x3: {  	_ = 	snop  }
0x4: {  	_ = 	snop  }
0x5: {  	_ = 	snop  }
0x6: {  	_ = 	snop  }
0x7: {  	_ = 	snop  }
__scs_overlays_trampoline_lowered:
0x8: {  	[smem:$0x3FA4] =	sst s0  }
0x9: {  	[smem:$0x3FA5] =	sst s1  }
0xa: {  	[smem:$0x3FA6] =	sst s2  }
0xb: {  	[smem:$0x3FA7] =	sst s3  }
0xc: {  	[smem:$0x3FA8] =	sst s4  }
0xd: {  	[smem:$0x3FA9] =	sst s5  }
0xe: {  	[smem:$0x3FAA] =	sst s6  }
0xf: {  	[smem:$0x3FAB] =	sst s7  }
0x10: {  	[smem:$0x3FAC] =	sst s8  }
0x11: {  	[smem:$0x3FAD] =	sst s9;
	s0 =	simm.s32 @!p0 $0x0  }
0x12: {  	s1 =	sld [smem:$0x3F93];
	s0 =	simm.s32 @p0 $0x1  }
0x13: {  	[smem:$0x3FAE] =	sst s0;
	s0 =	simm.s32 @!p1 $0x0  }
0x14: {  	s2 =	sld [smem:$0x3F92];
	s0 =	simm.s32 @p1 $0x1  }
0x15: {  	[smem:$0x3FAF] =	sst s0;
	s0 =	simm.s32 @!p2 $0x0  }
0x16: {  	s3 =	sld [smem:$0x3FDB];
	s0 =	simm.s32 @p2 $0x1  }
0x17: {  	s4 =	simm.s32 $0x1BF5;
	[smem:$0x3FB1] =	sst s0  }
0x18: {  	s0 =	sld [smem:$0x3F94];
	_ =	swait.ge [sflag:s4], $0x0  }
0x19: {  	s7 =	sld [smem:$0x3F95]  }
0x1a: {  	s8 =	sadd.s32 $0xFFFFE003, lr  }
0x1b: {  	s9 =	sadd.s32 $0xFFFFFEF7, lr;
	s5 =	simm.s32 $0xFFFFFFFF;
	p2 =	slt.u32 s8, $0xFFFFF086  }
0x1c: {  	p1 =	slt.u32 s9, $0xF7A;
	s5 =	simm.s32 @!p2 $0x0  }
0x1d: {  	s5 =	simm.s32 @p1 $0x1;
	p0 =	seq.s32 s7, s2  }
0x1e: {  	s7 =	smul.u32 @!p0 $0xF7A, s2;
	p2 =	seq.s32 @!p0 s5, $0x0  }
0x1f: {  	s9 =	smul.u32 $0xF7A, s1;
	s8 =	simm.s32 @!p0 $0x1BF5;
	p2 =	por !p2, p0  }
0x20: {  	[sflag:s8] =	ssyncset.s32 @!p0 $0xFFFFF086;
	s6 =	sadd.s32 @!p0 s3, s7;
	s7 =	simm.s32 @!p0 $0x108  }
0x21: {  	s3 =	sadd.s32 s3, s9;
	s6 =	sadd.s32 @!p0 $0x88, s6;
	s7 =	simm.s32 @p2 $0x1082  }
0x22: {  	[simem:s7], [sflag:s8] =	dma.local @!p0 [hbm:s6], $0xF7A  }
0x23: {  	s9 =	sor.u32 $0xD0000000, s2;
	s6 =	simm.s32 $0x108;
	_ =	swait.ge @!p0 [sflag:s8], $0x0  }
0x24: {  	s3 =	sadd.s32 $0x88, s3;
	s6 =	simm.s32 @!p1 $0x1082;
	[sflag:s4] =	ssyncset.s32 $0xFFFFF086  }
0x25: {  	[simem:s6], [sflag:s4] =	dma.local [hbm:s3], $0xF7A  }
0x26: {  	[smem:$0x3F95] =	sst s1;
	(tag) =	ssettag s2;
	_ =	strace s9  }
0x27: {  	s1 =	sld [smem:$0x3FA5]  }
0x28: {  	s2 =	sld [smem:$0x3FA6]  }
0x29: {  	s4 =	sld [smem:$0x3FA8]  }
0x2a: {  	p0 =	seq.s32 s5, $0x0;
	s5 =	sld [smem:$0x3FA9]  }
0x2b: {  	s6 =	sld [smem:$0x3FAA]  }
0x2c: {  	s7 =	sld [smem:$0x3FAB]  }
0x2d: {  	s3 =	simm.s32 $0x108;
	s8 =	sld [smem:$0x3FAC]  }
0x2e: {  	s3 =	simm.s32 @!p0 $0x1082;
	s9 =	sld [smem:$0x3FAD]  }
0x2f: {  	lr =	sadd.s32 s0, s3;
	s0 =	sld [smem:$0x3FA4]  }
0x30: {  	s3 =	sld [smem:$0x3FA7]  }
0x31: {  	[smem:$0x3FB0] =	sst s10  }
0x32: {  	s10 =	sld [smem:$0x3FAE];
	_ =	sdelay $0x3  }
0x33: {  	p0 =	seq.s32 s10, $0x1;
	s10 =	sld [smem:$0x3FB0];
	_ =	sdelay $0x3  }
0x34: {  	[smem:$0x3FB0] =	sst s10  }
0x35: {  	s10 =	sld [smem:$0x3FAF];
	_ =	sdelay $0x3  }
0x36: {  	p1 =	seq.s32 s10, $0x1;
	s10 =	sld [smem:$0x3FB0];
	_ =	sdelay $0x3  }
0x37: {  	[smem:$0x3FB0] =	sst s10  }
0x38: {  	s10 =	sld [smem:$0x3FB1]  }
0x39: {  	_ = 	snop;
	(pc) =	sbr.ind lr, $3  }
0x3a: {  	_ = 	snop  }
0x3b: {  	_ = 	snop  }
0x3c: {  	p2 =	seq.s32 s10, $0x1;
	s10 =	sld [smem:$0x3FB0]  }
0x3d: {  	_ =	shalt  }
0x3e: {  	_ =	shalt  }
0x3f: {  	_ =	shalt  }
0x40: {  	_ =	shalt  }
0x41: {  	_ =	shalt  }
0x42: {  	_ =	shalt  }
0x43: {  	_ =	shalt  }
0x44: {  	_ =	shalt  }
0x45: {  	_ =	shalt  }
0x46: {  	_ =	shalt  }
0x47: {  	_ =	shalt  }
0x48: {  	_ =	shalt  }
0x49: {  	_ =	shalt  }
0x4a: {  	_ =	shalt  }
0x4b: {  	_ =	shalt  }
0x4c: {  	_ =	shalt  }
0x4d: {  	_ =	shalt  }
0x4e: {  	_ =	shalt  }
0x4f: {  	_ =	shalt  }
0x50: {  	_ =	shalt  }
0x51: {  	_ =	shalt  }
0x52: {  	_ =	shalt  }
0x53: {  	_ =	shalt  }
0x54: {  	_ =	shalt  }
0x55: {  	_ =	shalt  }
0x56: {  	_ =	shalt  }
0x57: {  	_ =	shalt  }
0x58: {  	_ =	shalt  }
0x59: {  	_ =	shalt  }
0x5a: {  	_ =	shalt  }
0x5b: {  	_ =	shalt  }
0x5c: {  	_ =	shalt  }
0x5d: {  	_ =	shalt  }
0x5e: {  	_ =	shalt  }
0x5f: {  	_ =	shalt  }
0x60: {  	_ =	shalt  }
0x61: {  	_ =	shalt  }
0x62: {  	_ =	shalt  }
0x63: {  	_ =	shalt  }
0x64: {  	_ =	shalt  }
0x65: {  	_ =	shalt  }
0x66: {  	_ =	shalt  }
0x67: {  	_ =	shalt  }
0x68: {  	_ =	shalt  }
0x69: {  	_ =	shalt  }
0x6a: {  	_ =	shalt  }
0x6b: {  	_ =	shalt  }
0x6c: {  	_ =	shalt  }
0x6d: {  	_ =	shalt  }
0x6e: {  	_ =	shalt  }
0x6f: {  	_ =	shalt  }
0x70: {  	_ =	shalt  }
0x71: {  	_ =	shalt  }
0x72: {  	_ =	shalt  }
0x73: {  	_ =	shalt  }
0x74: {  	_ =	shalt  }
0x75: {  	_ =	shalt  }
0x76: {  	_ =	shalt  }
0x77: {  	_ =	shalt  }
0x78: {  	_ =	shalt  }
0x79: {  	_ =	shalt  }
0x7a: {  	_ =	shalt  }
0x7b: {  	_ =	shalt  }
0x7c: {  	_ =	shalt  }
0x7d: {  	_ =	shalt  }
0x7e: {  	_ =	shalt  }
0x7f: {  	_ =	shalt  }
0x80: {  	_ =	shalt  }
0x81: {  	_ =	shalt  }
0x82: {  	_ =	shalt  }
0x83: {  	_ =	shalt  }
0x84: {  	_ =	shalt  }
0x85: {  	_ =	shalt  }
0x86: {  	_ =	shalt  }
0x87: {  	_ =	shalt  }
.Lfunc_end0:
.L_simem_size_0:
called_computation_lowered:
.L_overlay_start_0:
0x88: {  	s2 =	sld [smem:$0x3FD9]  }
0x89: {  	s3 =	sld [smem:$0x3FFE];
	_ =	sdelay $0x1  }
0x8a: {  	s1 =	srdreg.scid  }
0x8b: {  	s0 =	sand.u32 $0x1, s1  }
0x8c: {  	s16 =	sshll.u32 s0, $0xA;
	s2 =	sadd.s32 s3, s2  }
0x8d: {  	s2 =	sadd.s32 s2, s16  }
0x8e: {  	[smem:$0x3FBC] =	sst s2  }
0x8f: {  	_ = 	snop  }
0x90: {  	(tm) =	ssettm $0x1  }
0x91: {  	s17 =	sld [smem:$0x3FFB];
	_ =	sdelay $0x3  }
0x92: {  	_ =	strace s17  }
0x93: {  	s2 =	sld [smem:$0x3FFC];
	_ =	sdelay $0x3  }
0x94: {  	_ =	strace s2  }
0x95: {  	s2 =	sld [smem:$0x3FFD];
	_ =	sdelay $0x3  }
0x96: {  	_ =	strace s2  }
0x97: {  	_ =	strace $0x8FFFFFFF  }
0x98: {  	s18 =	sld [smem:$0x3FDB];
	_ =	sdelay $0x1  }
0x99: {  	s19 =	simm.s32 $_scs_section_size  }
0x9a: {  	s4 =	simm.s32 $_size__tile_overlayer_lowered;
	s5 =	simm.s32 $_tile_overlayer_lowered  }
0x9b: {  	s22 =	simm.s32 $0x1BFF;
	s21 =	sshll.u32 s5, $0x1;
	s2 =	sadd.s32 s19, s18  }
0x9c: {  	s6 =	simm.s32 $0x0;
	s20 =	sshll.u32 s4, $0x1;
	s4 =	sadd.s32 s21, s2  }
0x9d: {  	[timem:s6], [sflag:s22] =	dma.local [hbm:s4], s20  }
0x9e: {  	_ =	swait.ge [sflag:s22], s20  }
0x9f: {  	s3 =	ssub.s32 $0x0, s20;
	[sflag:s22] =	ssyncset.done $0x0  }
0xa0: {  	[sflag:s22] =	ssyncadd.s32 s3;
	_ =	sdelay $0x1  }
0xa1: {  	s23 =	simm.s32 $0x1B8B  }
0xa2: {  	_ =	swait.ge [sflag:s23], $0x1  }
0xa3: {  	[sflag:s23] =	ssyncset.done $0x0  }
0xa4: {  	s25 =	simm.s32 $0x1B8E;
	s24 =	sld [smem:$0x3FFE];
	[sflag:s23] =	ssyncadd.s32 $0xFFFFFFFF  }
0xa5: {  	s26 =	simm.s32 $execute0_lowered;
	[smem:$0x3FD2] =	sst s25  }
0xa6: {  	s4 =	sshll.u32 s26, $0x1;
	_ =	strace $0x80000046;
	[dreg:$0x1] =	wrdreg $0xFFFFFFFF  }
0xa7: {  	s28 =	simm.s32 $_size_execute0_lowered;
	s2 =	sadd.s32 s2, s4;
	[dreg:$0x0] =	wrdreg $0x0  }
0xa8: {  	s4 =	sshll.u32 s28, $0x1;
	[dreg:$0x2] =	wrdreg s2  }
0xa9: {  	[dreg:$0x3] =	wrdreg s4  }
0xaa: {  	[dreg:$0x4] =	wrdreg $0xC0  }
0xab: {  	_ =	task [dreg:s6], $0x5FFFF  }
0xac: {  	[dreg:$0x1] =	wrdreg $0xFFFFFFFF  }
0xad: {  	[dreg:$0x0] =	wrdreg $0x60  }
0xae: {  	[dreg:$0x2] =	wrdreg s24  }
0xaf: {  	[dreg:$0x3] =	wrdreg $0x154000  }
0xb0: {  	[dreg:$0x4] =	wrdreg $0x158000  }
0xb1: {  	[dreg:$0x5] =	wrdreg $0x9  }
0xb2: {  	_ =	task.clear_ibuf [dreg:s6], $0x6FFFF;
	_ =	strace $0x90000046  }
0xb3: {  	s29 =	simm.s32 $0x9;
	_ =	strace $0x80000048  }
0xb4: {  	_ =	swait.ge [sflag:s29], $0x1  }
0xb5: {  	[sflag:s29] =	ssyncadd.s32 $0xFFFFFFFF  }
0xb6: {  	_ =	strace $0x90000048  }
0xb7: {  	_ =	sfence  }
0xb8: {  	s30 =	sld [smem:$0x0];
	_ =	sdelay $0x2  }
0xb9: {  	s31 =	sshll.u32 s1, $0xD;
	s1 =	sshrl.u32 s1, $0x2  }
0xba: {  	s3 =	sand.u32 $0x4000, s31;
	s1 =	sadd.s32 s1, s30  }
0xbb: {  	s0 =	sor.u32 s3, s0;
	s1 =	sshll.u32 s1, $0x11  }
0xbc: {  	s0 =	sor.u32 s1, s0  }
0xbd: {  	s0 =	sadd.s32 $0x8F2B, s0  }
0xbe: {  	[sflag:s0] =	ssyncadd.remote.s32 $0x1  }
0xbf: {  	_ =	sfence.sel $0xFFFF  }
0xc0: {  	[dreg:$0x0] =	wrdreg $0xFFFFFFFF;
	(pc) =	sbr.abs _section_cstart, $3  }
0xc1: {  	[dreg:$0x1] =	wrdreg $0xFFFFFFFF  }
0xc2: {  	_ =	task.clear_ibuf [dreg:s6], $0x2FFFF;
	_ =	strace $0x9FFFFFFF  }
0xc3: {  	(tm) =	ssettm $0x7FFFFFFF  }
tec
execute0_lowered:
.L_overlay_start_1:
0x0: {  	(tag) =	ssettag $0x1  }
0x1: {  	s5 =	rddreg [dreg:$0x0]  }
0x2: {  	s0 =	srdreg.scid;
	s1 =	rddreg [dreg:$0x1]  }
0x3: {  	s25 =	stileid.u32;
	s2 =	rddreg [dreg:$0x2];
	s3 =	simm.s32 $0x0  }
0x4: {  	s10 =	simm.s32 $0x80;
	s11 =	simm.s32 $0x2800;
	s12 =	simm.s32 $0x2C00  }
0x5: {  	s13 =	simm.s32 $0x2880;
	s14 =	simm.s32 $0x6C00;
	s15 =	simm.s32 $0x2900  }
0x6: {  	s16 =	simm.s32 $0xAC00;
	s17 =	simm.s32 $0x2980;
	s18 =	simm.s32 $0xEC00  }
0x7: {  	s19 =	simm.s32 $0x1;
	s20 =	simm.s32 $0x2A00;
	s21 =	simm.s32 $0x2  }
0x8: {  	s22 =	simm.s32 $0x2A80;
	s23 =	simm.s32 $0x3;
	s24 =	simm.s32 $0x2B00  }
0x9: {  	s26 =	simm.s32 $0x2B80;
	s28 =	simm.s32 $0x0;
	s4 =	sand.u32 $0x1, s0  }
0xa: {  	[smem:$0x7FF] =	sst s3;
	p0 =	seq.s32 s25, $0x1;
	s0 =	sshll.u32 s4, $0x4  }
0xb: {  	p2 =	sne.s32 s25, $0x0;
	s7 =	smul.u32 $0x500, s4;
	s6 =	sor.u32 s25, s0  }
0xc: {  	s8 =	ssub.s32 $0x2, s4;
	s4 =	sadd.s32 $0x3400, s5;
	s6 =	smul.u32 $0x500, s6  }
.Ltmp0:
0xd: {  	p1 =	sne.s32 @!p0 s25, $0x0;
	s0 =	rddreg [dreg:$0x3];
	(pc) =	sbr.rel .LBB2_1-.Ltmp0, $4  }
0xe: {  	_ =	strace $0x80000047;
	s9 =	sshrl.u32 s8, $0x1;
	p1 =	por p1, p0  }
0xf: {  	s25 =	simm.s32 $0x4;
	s7 =	sadd.s32 s7, s5;
	s6 =	sadd.s32 s6, s5  }
0x10: {  	s8 =	ssub.s32 s8, s9;
	s9 =	simm.s32 $0x5;
	s5 =	sadd.s32 $0x3C00, s6  }
0x11: {  	v0 =	vimm.f32 $0.0e+00;
	s6 =	sadd.s32 $0xDC00, s7;
	s7 =	smax.u32 s8, $0x1;
	s8 =	sshrl.u32 @p0 s1, $0x3  }
.LBB2_9:
0x12: {  	_ =	swait.ge [sflag:s25], $0x4000  }
0x13: {  	[sflag:s25] =	ssyncset.done $0x0  }
0x14: {  	[sflag:s25] =	ssyncadd.s32 $0xFFFFC000  }
0x15: {  	[spmem:s2] =	stream.indirect.scatter.add.f32 [tilespmem:s18], [sflag:$0x5], $0x80, s26, s10, $0xb8;
	[tilespmem:$0x15A80] =	vst v63  }
0x16: {  	_ =	swait.ge [sflag:s9], $0x4000  }
0x17: {  	[sflag:s9] =	ssyncset.done $0x0  }
0x18: {  	s29 =	sshrl.u32 @!p2 s2, $0x3;
	s28 =	sadd.s32 $0x1, s28;
	[sflag:s9] =	ssyncadd.s32 $0xFFFFC000  }
0x19: {  	s30 =	simm.s32 @!p2 $0x1C05;
	p3 =	sne.s32 s28, s7;
	[bflag:$0x0] =	sbarrier.arrive $0xFFFF  }
0x1a: {  	[hbm:s6], [sflag:s30] =	dma.local @!p2 [spmem:s29], $0x500  }
.Ltmp1:
0x1b: {  	_ = 	snop;
	(pc) =	sbr.rel @!p3 .LBB2_10-.Ltmp1, $4  }
0x1c: {  	s29 =	simm.s32 @!p2 $0x5  }
0x1d: {  	_ =	swait.ge @!p2 [sflag:s29], $0x500  }
0x1e: {  	[sflag:s29] =	ssyncset.done @!p2 $0x0  }
0x1f: {  	[sflag:s29] =	ssyncadd.s32 @!p2 $0xFFFFFB00  }
.LBB2_1:
0x20: {  	s29 =	simm.s32 $0x0;
	s30 =	simm.s32 $0x200  }
.LBB2_2:
0x21: {  	p3 =	sne.s32 s30, $0x9E00;
	[tilespmem:s29+$0x12C70] =	vst v0  }
0x22: {  	[tilespmem:s29+$0x12C00] =	vst v0  }
0x23: {  	[tilespmem:s29+$0x12C10] =	vst v0  }
.Ltmp2:
0x24: {  	[tilespmem:s29+$0x12C20] =	vst v0;
	(pc) =	sbr.rel @p3 .LBB2_2-.Ltmp2, $4  }
0x25: {  	[tilespmem:s29+$0x12C30] =	vst v0  }
0x26: {  	[tilespmem:s29+$0x12C40] =	vst v0  }
0x27: {  	[tilespmem:s29+$0x12C50] =	vst v0  }
0x28: {  	[tilespmem:s29+$0x12C60] =	vst v0;
	s29 =	sshra.s32 s30, $0x2;
	s30 =	sadd.s32 $0x200, s30  }
0x29: {  	[tilespmem:s29+$0x12C70] =	vst v0  }
0x2a: {  	[tilespmem:s29+$0x12C00] =	vst v0  }
0x2b: {  	[tilespmem:s29+$0x12C10] =	vst v0  }
0x2c: {  	[tilespmem:s29+$0x12C20] =	vst v0  }
0x2d: {  	[tilespmem:s29+$0x12C30] =	vst v0  }
0x2e: {  	[tilespmem:s29+$0x12C40] =	vst v0  }
0x2f: {  	[tilespmem:s29+$0x12C50] =	vst v0  }
0x30: {  	[tilespmem:s29+$0x12C60] =	vst v0;
	s29 =	simm.s32 @p0 $0x1C45  }
0x31: {  	[spmem:s8], [sflag:s29] =	dma.local @p0 [hbm:s4], $0x800  }
0x32: {  	s29 =	simm.s32 @p0 $0x5  }
0x33: {  	_ =	swait.ge @p0 [sflag:s29], $0x800  }
0x34: {  	[sflag:s29] =	ssyncset.done @p0 $0x0  }
0x35: {  	[sflag:s29] =	ssyncadd.s32 @p0 $0xFFFFF800;
	s29 =	simm.s32 @!p1 $0x12C00  }
0x36: {  	[spmem:s2] =	stream.linear.scatter @!p1 [tilespmem:s29], [sflag:$0x5], $0x2800, $0x38;
	[tilespmem:$0x15A80] =	vst v63  }
0x37: {  	s29 =	simm.s32 @!p1 $0x5  }
0x38: {  	_ =	swait.ge @!p1 [sflag:s29], $0x2800  }
0x39: {  	[sflag:s29] =	ssyncset.done @!p1 $0x0  }
0x3a: {  	[sflag:s29] =	ssyncadd.s32 @!p1 $0xFFFFD800  }
0x3b: {  	[tilespmem:s3], [sflag:$0x5] =	stream.linear.gather [hbm4b:s5+s3], $0x2800, $0x38;
	[tilespmem:$0x15A80] =	vst v63  }
0x3c: {  	_ =	swait.ge [sflag:s9], $0x2800  }
0x3d: {  	[sflag:s9] =	ssyncset.done $0x0  }
0x3e: {  	[sflag:s9] =	ssyncadd.s32 $0xFFFFD800  }
0x3f: {  	v1 =	vld [tilespmem:$0x0];
	_ =	sdelay $0x1  }
0x40: {  	v2 =	vld [tilespmem:$0x10];
	_ =	sdelay $0x1  }
0x41: {  	v3 =	vld [tilespmem:$0x20]  }
0x42: {  	v4 =	vand.u32 $0x7F, v1  }
0x43: {  	v53 =	vld [tilespmem:$0x30];
	v1 =	vshrl.u32 v1, $0x7;
	[tilespmem:$0x2800] =	vst v4  }
0x44: {  	[tilespmem:$0x2A00] =	vst v1;
	v1 =	vand.u32 $0x7F, v2  }
0x45: {  	[tilespmem:$0x2810] =	vst v1;
	v1 =	vshrl.u32 v2, $0x7;
	v2 =	vld [tilespmem:$0x40]  }
0x46: {  	[tilespmem:$0x2A10] =	vst v1;
	v1 =	vand.u32 $0x7F, v3  }
0x47: {  	[tilespmem:$0x2820] =	vst v1;
	v1 =	vshrl.u32 v3, $0x7;
	v3 =	vld [tilespmem:$0x50]  }
0x48: {  	[tilespmem:$0x2A20] =	vst v1;
	v1 =	vand.u32 $0x7F, v53  }
0x49: {  	v54 =	vld [tilespmem:$0x60];
	[tilespmem:$0x2830] =	vst v1;
	v1 =	vshrl.u32 v53, $0x7  }
0x4a: {  	[tilespmem:$0x2A30] =	vst v1;
	v1 =	vand.u32 $0x7F, v2  }
0x4b: {  	[tilespmem:$0x2840] =	vst v1;
	v1 =	vshrl.u32 v2, $0x7;
	v2 =	vld [tilespmem:$0x70]  }
0x4c: {  	[tilespmem:$0x2A40] =	vst v1;
	v1 =	vand.u32 $0x7F, v3  }
0x4d: {  	[tilespmem:$0x2850] =	vst v1;
	v1 =	vshrl.u32 v3, $0x7  }
0x4e: {  	[tilespmem:$0x2A50] =	vst v1;
	v1 =	vand.u32 $0x7F, v54  }
0x4f: {  	[tilespmem:$0x2860] =	vst v1;
	v1 =	vshrl.u32 v54, $0x7  }
0x50: {  	[tilespmem:$0x2A60] =	vst v1;
	v1 =	vand.u32 $0x7F, v2  }
0x51: {  	[tilespmem:$0x2870] =	vst v1;
	v1 =	vshrl.u32 v2, $0x7  }
0x52: {  	[tilespmem:$0x2A70] =	vst v1  }
0x53: {  	[tilespmem:s12], [sflag:$0x1] =	stream.indirect.gather [spmem:s1], $0x80, s11, s10, $0xb8;
	[tilespmem:$0x15A80] =	vst v63  }
0x54: {  	v1 =	vld [tilespmem:$0x80];
	_ =	sdelay $0x1  }
0x55: {  	v2 =	vld [tilespmem:$0x90];
	_ =	sdelay $0x1  }
0x56: {  	v3 =	vld [tilespmem:$0xA0]  }
0x57: {  	v55 =	vand.u32 $0x7F, v1  }
0x58: {  	v56 =	vld [tilespmem:$0xB0];
	v1 =	vshrl.u32 v1, $0x7;
	[tilespmem:$0x2880] =	vst v55  }
0x59: {  	[tilespmem:$0x2A80] =	vst v1;
	v1 =	vand.u32 $0x7F, v2  }
0x5a: {  	[tilespmem:$0x2890] =	vst v1;
	v1 =	vshrl.u32 v2, $0x7;
	v2 =	vld [tilespmem:$0xC0]  }
0x5b: {  	[tilespmem:$0x2A90] =	vst v1;
	v1 =	vand.u32 $0x7F, v3  }
0x5c: {  	[tilespmem:$0x28A0] =	vst v1;
	v1 =	vshrl.u32 v3, $0x7;
	v3 =	vld [tilespmem:$0xD0]  }
0x5d: {  	[tilespmem:$0x2AA0] =	vst v1;
	v1 =	vand.u32 $0x7F, v56  }
0x5e: {  	v57 =	vld [tilespmem:$0xE0];
	[tilespmem:$0x28B0] =	vst v1;
	v1 =	vshrl.u32 v56, $0x7  }
0x5f: {  	[tilespmem:$0x2AB0] =	vst v1;
	v1 =	vand.u32 $0x7F, v2  }
0x60: {  	[tilespmem:$0x28C0] =	vst v1;
	v1 =	vshrl.u32 v2, $0x7;
	v2 =	vld [tilespmem:$0xF0]  }
0x61: {  	[tilespmem:$0x2AC0] =	vst v1;
	v1 =	vand.u32 $0x7F, v3  }
0x62: {  	[tilespmem:$0x28D0] =	vst v1;
	v1 =	vshrl.u32 v3, $0x7  }
0x63: {  	[tilespmem:$0x2AD0] =	vst v1;
	v1 =	vand.u32 $0x7F, v57  }
0x64: {  	[tilespmem:$0x28E0] =	vst v1;
	v1 =	vshrl.u32 v57, $0x7  }
0x65: {  	[tilespmem:$0x2AE0] =	vst v1;
	v1 =	vand.u32 $0x7F, v2  }
0x66: {  	[tilespmem:$0x28F0] =	vst v1;
	v1 =	vshrl.u32 v2, $0x7  }
0x67: {  	[tilespmem:$0x2AF0] =	vst v1  }
0x68: {  	[tilespmem:s14], [sflag:$0x2] =	stream.indirect.gather [spmem:s1], $0x80, s13, s10, $0xb8;
	[tilespmem:$0x15A80] =	vst v63  }
0x69: {  	v1 =	vld [tilespmem:$0x100];
	_ =	sdelay $0x1  }
0x6a: {  	v2 =	vld [tilespmem:$0x110];
	_ =	sdelay $0x1  }
0x6b: {  	v3 =	vld [tilespmem:$0x120]  }
0x6c: {  	v58 =	vand.u32 $0x7F, v1  }
0x6d: {  	v59 =	vld [tilespmem:$0x130];
	v1 =	vshrl.u32 v1, $0x7;
	[tilespmem:$0x2900] =	vst v58  }
0x6e: {  	[tilespmem:$0x2B00] =	vst v1;
	v1 =	vand.u32 $0x7F, v2  }
0x6f: {  	[tilespmem:$0x2910] =	vst v1;
	v1 =	vshrl.u32 v2, $0x7;
	v2 =	vld [tilespmem:$0x140]  }
0x70: {  	[tilespmem:$0x2B10] =	vst v1;
	v1 =	vand.u32 $0x7F, v3  }
0x71: {  	[tilespmem:$0x2920] =	vst v1;
	v1 =	vshrl.u32 v3, $0x7;
	v3 =	vld [tilespmem:$0x150]  }
0x72: {  	[tilespmem:$0x2B20] =	vst v1;
	v1 =	vand.u32 $0x7F, v59  }
0x73: {  	v60 =	vld [tilespmem:$0x160];
	[tilespmem:$0x2930] =	vst v1;
	v1 =	vshrl.u32 v59, $0x7  }
0x74: {  	[tilespmem:$0x2B30] =	vst v1;
	v1 =	vand.u32 $0x7F, v2  }
0x75: {  	[tilespmem:$0x2940] =	vst v1;
	v1 =	vshrl.u32 v2, $0x7;
	v2 =	vld [tilespmem:$0x170]  }
0x76: {  	[tilespmem:$0x2B40] =	vst v1;
	v1 =	vand.u32 $0x7F, v3  }
0x77: {  	[tilespmem:$0x2950] =	vst v1;
	v1 =	vshrl.u32 v3, $0x7  }
0x78: {  	[tilespmem:$0x2B50] =	vst v1;
	v1 =	vand.u32 $0x7F, v60  }
0x79: {  	[tilespmem:$0x2960] =	vst v1;
	v1 =	vshrl.u32 v60, $0x7  }
0x7a: {  	[tilespmem:$0x2B60] =	vst v1;
	v1 =	vand.u32 $0x7F, v2  }
0x7b: {  	[tilespmem:$0x2970] =	vst v1;
	v1 =	vshrl.u32 v2, $0x7  }
0x7c: {  	[tilespmem:$0x2B70] =	vst v1  }
0x7d: {  	[tilespmem:s16], [sflag:$0x3] =	stream.indirect.gather [spmem:s1], $0x80, s15, s10, $0xb8;
	[tilespmem:$0x15A80] =	vst v63  }
0x7e: {  	v1 =	vld [tilespmem:$0x180];
	_ =	sdelay $0x1  }
0x7f: {  	v2 =	vld [tilespmem:$0x190];
	_ =	sdelay $0x1  }
0x80: {  	v3 =	vld [tilespmem:$0x1A0]  }
0x81: {  	v61 =	vand.u32 $0x7F, v1  }
0x82: {  	v62 =	vld [tilespmem:$0x1B0];
	v1 =	vshrl.u32 v1, $0x7;
	[tilespmem:$0x2980] =	vst v61  }
0x83: {  	[tilespmem:$0x2B80] =	vst v1;
	v1 =	vand.u32 $0x7F, v2  }
0x84: {  	[tilespmem:$0x2990] =	vst v1;
	v1 =	vshrl.u32 v2, $0x7;
	v2 =	vld [tilespmem:$0x1C0]  }
0x85: {  	[tilespmem:$0x2B90] =	vst v1;
	v1 =	vand.u32 $0x7F, v3  }
0x86: {  	[tilespmem:$0x29A0] =	vst v1;
	v1 =	vshrl.u32 v3, $0x7;
	v3 =	vld [tilespmem:$0x1D0]  }
0x87: {  	[tilespmem:$0x2BA0] =	vst v1;
	v1 =	vand.u32 $0x7F, v62  }
0x88: {  	v63 =	vld [tilespmem:$0x1E0];
	[tilespmem:$0x29B0] =	vst v1;
	v1 =	vshrl.u32 v62, $0x7  }
0x89: {  	[tilespmem:$0x2BB0] =	vst v1;
	v1 =	vand.u32 $0x7F, v2  }
0x8a: {  	[tilespmem:$0x29C0] =	vst v1;
	v1 =	vshrl.u32 v2, $0x7;
	v2 =	vld [tilespmem:$0x1F0]  }
0x8b: {  	[tilespmem:$0x2BC0] =	vst v1;
	v1 =	vand.u32 $0x7F, v3  }
0x8c: {  	[tilespmem:$0x29D0] =	vst v1;
	v1 =	vshrl.u32 v3, $0x7  }
0x8d: {  	[tilespmem:$0x2BD0] =	vst v1;
	v1 =	vand.u32 $0x7F, v63  }
0x8e: {  	[tilespmem:$0x29E0] =	vst v1;
	v1 =	vshrl.u32 v63, $0x7  }
0x8f: {  	[tilespmem:$0x2BE0] =	vst v1;
	v1 =	vand.u32 $0x7F, v2  }
0x90: {  	[tilespmem:$0x29F0] =	vst v1;
	v1 =	vshrl.u32 v2, $0x7  }
0x91: {  	[tilespmem:$0x2BF0] =	vst v1  }
0x92: {  	[tilespmem:s18], [sflag:$0x4] =	stream.indirect.gather [spmem:s1], $0x80, s17, s10, $0xb8;
	[tilespmem:$0x15A80] =	vst v63  }
0x93: {  	s29 =	simm.s32 $0xFC0;
	[bflag:$0x0] =	sbarrier.arrive $0xFFFF  }
.LBB2_4:
0x94: {  	_ =	swait.ge [sflag:s19], $0x4000  }
0x95: {  	p3 =	seq.s32 s29, $0xA7C0;
	[sflag:s19] =	ssyncset.done $0x0  }
.Ltmp3:
0x96: {  	[sflag:s19] =	ssyncadd.s32 $0xFFFFC000;
	(pc) =	sbr.rel @!p3 .LBB2_5-.Ltmp3, $4  }
0x97: {  	[spmem:s2] =	stream.indirect.scatter.add.f32 [tilespmem:s12], [sflag:$0x5], $0x80, s20, s10, $0xb8;
	[tilespmem:$0x15A80] =	vst v63  }
0x98: {  	_ =	swait.ge [sflag:s9], $0x4000  }
0x99: {  	[sflag:s9] =	ssyncset.done $0x0  }
0x9a: {  	[sflag:s9] =	ssyncadd.s32 $0xFFFFC000  }
0x9b: {  	_ =	swait.ge [sflag:s21], $0x4000  }
0x9c: {  	[sflag:s21] =	ssyncset.done $0x0  }
.Ltmp4:
0x9d: {  	[sflag:s21] =	ssyncadd.s32 $0xFFFFC000;
	(pc) =	sbr.rel .LBB2_7-.Ltmp4, $4  }
0x9e: {  	[spmem:s2] =	stream.indirect.scatter.add.f32 [tilespmem:s14], [sflag:$0x5], $0x80, s22, s10, $0xb8;
	[tilespmem:$0x15A80] =	vst v63  }
0x9f: {  	_ =	swait.ge [sflag:s9], $0x4000  }
0xa0: {  	[sflag:s9] =	ssyncset.done $0x0  }
0xa1: {  	[sflag:s9] =	ssyncadd.s32 $0xFFFFC000  }
.LBB2_5:
0xa2: {  	s30 =	sshra.s32 s29, $0x2  }
0xa3: {  	v1 =	vld [tilespmem:s30+$0xFFFFFE10];
	_ =	sdelay $0x4  }
0xa4: {  	v2 =	vand.u32 $0x7F, v1  }
0xa5: {  	v1 =	vshrl.u32 v1, $0x7;
	[tilespmem:$0x2800] =	vst v2  }
0xa6: {  	[tilespmem:$0x2A00] =	vst v1  }
0xa7: {  	v1 =	vld [tilespmem:s30+$0xFFFFFE20];
	_ =	sdelay $0x4  }
0xa8: {  	v2 =	vand.u32 $0x7F, v1  }
0xa9: {  	v1 =	vshrl.u32 v1, $0x7;
	[tilespmem:$0x2810] =	vst v2  }
0xaa: {  	[tilespmem:$0x2A10] =	vst v1  }
0xab: {  	v1 =	vld [tilespmem:s30+$0xFFFFFE30];
	_ =	sdelay $0x4  }
0xac: {  	v2 =	vand.u32 $0x7F, v1  }
0xad: {  	v1 =	vshrl.u32 v1, $0x7;
	[tilespmem:$0x2820] =	vst v2  }
0xae: {  	[tilespmem:$0x2A20] =	vst v1  }
0xaf: {  	v1 =	vld [tilespmem:s30+$0xFFFFFE40];
	_ =	sdelay $0x4  }
0xb0: {  	v2 =	vand.u32 $0x7F, v1  }
0xb1: {  	v1 =	vshrl.u32 v1, $0x7;
	[tilespmem:$0x2830] =	vst v2  }
0xb2: {  	[tilespmem:$0x2A30] =	vst v1  }
0xb3: {  	v1 =	vld [tilespmem:s30+$0xFFFFFE50];
	_ =	sdelay $0x4  }
0xb4: {  	v2 =	vand.u32 $0x7F, v1  }
0xb5: {  	v1 =	vshrl.u32 v1, $0x7;
	[tilespmem:$0x2840] =	vst v2  }
0xb6: {  	[tilespmem:$0x2A40] =	vst v1  }
0xb7: {  	v1 =	vld [tilespmem:s30+$0xFFFFFE60];
	_ =	sdelay $0x4  }
0xb8: {  	v2 =	vand.u32 $0x7F, v1  }
0xb9: {  	v1 =	vshrl.u32 v1, $0x7;
	[tilespmem:$0x2850] =	vst v2  }
0xba: {  	[tilespmem:$0x2A50] =	vst v1  }
0xbb: {  	v1 =	vld [tilespmem:s30+$0xFFFFFE70];
	_ =	sdelay $0x4  }
0xbc: {  	v2 =	vand.u32 $0x7F, v1  }
0xbd: {  	v1 =	vshrl.u32 v1, $0x7;
	[tilespmem:$0x2860] =	vst v2  }
0xbe: {  	[tilespmem:$0x2A60] =	vst v1  }
0xbf: {  	v1 =	vld [tilespmem:s30+$0xFFFFFE80];
	_ =	sdelay $0x4  }
0xc0: {  	v2 =	vand.u32 $0x7F, v1  }
0xc1: {  	v1 =	vshrl.u32 v1, $0x7;
	[tilespmem:$0x2870] =	vst v2  }
0xc2: {  	[tilespmem:$0x2A70] =	vst v1  }
0xc3: {  	[tilespmem:s12], [sflag:$0x1] =	stream.indirect.gather [spmem:s1], $0x80, s11, s10, $0xb8;
	[tilespmem:$0x15A80] =	vst v63  }
0xc4: {  	_ =	swait.ge [sflag:s21], $0x4000  }
0xc5: {  	[sflag:s21] =	ssyncset.done $0x0  }
0xc6: {  	[sflag:s21] =	ssyncadd.s32 $0xFFFFC000  }
0xc7: {  	[spmem:s2] =	stream.indirect.scatter.add.f32 [tilespmem:s14], [sflag:$0x5], $0x80, s22, s10, $0xb8;
	[tilespmem:$0x15A80] =	vst v63  }
0xc8: {  	_ =	swait.ge [sflag:s9], $0x4000  }
0xc9: {  	[sflag:s9] =	ssyncset.done $0x0  }
0xca: {  	[sflag:s9] =	ssyncadd.s32 $0xFFFFC000  }
0xcb: {  	v1 =	vld [tilespmem:s30+$0xFFFFFE90];
	_ =	sdelay $0x4  }
0xcc: {  	v2 =	vand.u32 $0x7F, v1  }
0xcd: {  	v1 =	vshrl.u32 v1, $0x7;
	[tilespmem:$0x2880] =	vst v2  }
0xce: {  	[tilespmem:$0x2A80] =	vst v1  }
0xcf: {  	v1 =	vld [tilespmem:s30+$0xFFFFFEA0];
	_ =	sdelay $0x4  }
0xd0: {  	v2 =	vand.u32 $0x7F, v1  }
0xd1: {  	v1 =	vshrl.u32 v1, $0x7;
	[tilespmem:$0x2890] =	vst v2  }
0xd2: {  	[tilespmem:$0x2A90] =	vst v1  }
0xd3: {  	v1 =	vld [tilespmem:s30+$0xFFFFFEB0];
	_ =	sdelay $0x4  }
0xd4: {  	v2 =	vand.u32 $0x7F, v1  }
0xd5: {  	v1 =	vshrl.u32 v1, $0x7;
	[tilespmem:$0x28A0] =	vst v2  }
0xd6: {  	[tilespmem:$0x2AA0] =	vst v1  }
0xd7: {  	v1 =	vld [tilespmem:s30+$0xFFFFFEC0];
	_ =	sdelay $0x4  }
0xd8: {  	v2 =	vand.u32 $0x7F, v1  }
0xd9: {  	v1 =	vshrl.u32 v1, $0x7;
	[tilespmem:$0x28B0] =	vst v2  }
0xda: {  	[tilespmem:$0x2AB0] =	vst v1  }
0xdb: {  	v1 =	vld [tilespmem:s30+$0xFFFFFED0];
	_ =	sdelay $0x4  }
0xdc: {  	v2 =	vand.u32 $0x7F, v1  }
0xdd: {  	v1 =	vshrl.u32 v1, $0x7;
	[tilespmem:$0x28C0] =	vst v2  }
0xde: {  	[tilespmem:$0x2AC0] =	vst v1  }
0xdf: {  	v1 =	vld [tilespmem:s30+$0xFFFFFEE0];
	_ =	sdelay $0x4  }
0xe0: {  	v2 =	vand.u32 $0x7F, v1  }
0xe1: {  	v1 =	vshrl.u32 v1, $0x7;
	[tilespmem:$0x28D0] =	vst v2  }
0xe2: {  	[tilespmem:$0x2AD0] =	vst v1  }
0xe3: {  	v1 =	vld [tilespmem:s30+$0xFFFFFEF0];
	_ =	sdelay $0x4  }
0xe4: {  	v2 =	vand.u32 $0x7F, v1  }
0xe5: {  	v1 =	vshrl.u32 v1, $0x7;
	[tilespmem:$0x28E0] =	vst v2  }
0xe6: {  	[tilespmem:$0x2AE0] =	vst v1  }
0xe7: {  	v1 =	vld [tilespmem:s30+$0xFFFFFF00];
	_ =	sdelay $0x4  }
0xe8: {  	v2 =	vand.u32 $0x7F, v1  }
0xe9: {  	v1 =	vshrl.u32 v1, $0x7;
	[tilespmem:$0x28F0] =	vst v2  }
0xea: {  	[tilespmem:$0x2AF0] =	vst v1  }
0xeb: {  	[tilespmem:s14], [sflag:$0x2] =	stream.indirect.gather [spmem:s1], $0x80, s13, s10, $0xb8;
	[tilespmem:$0x15A80] =	vst v63  }
.LBB2_7:
0xec: {  	_ =	swait.ge [sflag:s23], $0x4000  }
0xed: {  	[sflag:s23] =	ssyncset.done $0x0  }
.Ltmp5:
0xee: {  	[sflag:s23] =	ssyncadd.s32 $0xFFFFC000;
	(pc) =	sbr.rel @p3 .LBB2_9-.Ltmp5, $4  }
0xef: {  	[spmem:s2] =	stream.indirect.scatter.add.f32 [tilespmem:s16], [sflag:$0x5], $0x80, s24, s10, $0xb8;
	[tilespmem:$0x15A80] =	vst v63  }
0xf0: {  	_ =	swait.ge [sflag:s9], $0x4000  }
0xf1: {  	[sflag:s9] =	ssyncset.done $0x0  }
0xf2: {  	[sflag:s9] =	ssyncadd.s32 $0xFFFFC000  }
0xf3: {  	s30 =	sshra.s32 s29, $0x2  }
0xf4: {  	v1 =	vld [tilespmem:s30+$0xFFFFFF10];
	_ =	sdelay $0x4  }
0xf5: {  	v2 =	vand.u32 $0x7F, v1  }
0xf6: {  	v1 =	vshrl.u32 v1, $0x7;
	[tilespmem:$0x2900] =	vst v2  }
0xf7: {  	[tilespmem:$0x2B00] =	vst v1  }
0xf8: {  	v1 =	vld [tilespmem:s30+$0xFFFFFF20];
	_ =	sdelay $0x4  }
0xf9: {  	v2 =	vand.u32 $0x7F, v1  }
0xfa: {  	v1 =	vshrl.u32 v1, $0x7;
	[tilespmem:$0x2910] =	vst v2  }
0xfb: {  	[tilespmem:$0x2B10] =	vst v1  }
0xfc: {  	v1 =	vld [tilespmem:s30+$0xFFFFFF30];
	_ =	sdelay $0x4  }
0xfd: {  	v2 =	vand.u32 $0x7F, v1  }
0xfe: {  	v1 =	vshrl.u32 v1, $0x7;
	[tilespmem:$0x2920] =	vst v2  }
0xff: {  	[tilespmem:$0x2B20] =	vst v1  }
0x100: {  	v1 =	vld [tilespmem:s30+$0xFFFFFF40];
	_ =	sdelay $0x4  }
0x101: {  	v2 =	vand.u32 $0x7F, v1  }
0x102: {  	v1 =	vshrl.u32 v1, $0x7;
	[tilespmem:$0x2930] =	vst v2  }
0x103: {  	[tilespmem:$0x2B30] =	vst v1  }
0x104: {  	v1 =	vld [tilespmem:s30+$0xFFFFFF50];
	_ =	sdelay $0x4  }
0x105: {  	v2 =	vand.u32 $0x7F, v1  }
0x106: {  	v1 =	vshrl.u32 v1, $0x7;
	[tilespmem:$0x2940] =	vst v2  }
0x107: {  	[tilespmem:$0x2B40] =	vst v1  }
0x108: {  	v1 =	vld [tilespmem:s30+$0xFFFFFF60];
	_ =	sdelay $0x4  }
0x109: {  	v2 =	vand.u32 $0x7F, v1  }
0x10a: {  	v1 =	vshrl.u32 v1, $0x7;
	[tilespmem:$0x2950] =	vst v2  }
0x10b: {  	[tilespmem:$0x2B50] =	vst v1  }
0x10c: {  	v1 =	vld [tilespmem:s30+$0xFFFFFF70];
	_ =	sdelay $0x4  }
0x10d: {  	v2 =	vand.u32 $0x7F, v1  }
0x10e: {  	v1 =	vshrl.u32 v1, $0x7;
	[tilespmem:$0x2960] =	vst v2  }
0x10f: {  	[tilespmem:$0x2B60] =	vst v1  }
0x110: {  	v1 =	vld [tilespmem:s30+$0xFFFFFF80];
	_ =	sdelay $0x4  }
0x111: {  	v2 =	vand.u32 $0x7F, v1  }
0x112: {  	v1 =	vshrl.u32 v1, $0x7;
	[tilespmem:$0x2970] =	vst v2  }
0x113: {  	[tilespmem:$0x2B70] =	vst v1  }
0x114: {  	[tilespmem:s16], [sflag:$0x3] =	stream.indirect.gather [spmem:s1], $0x80, s15, s10, $0xb8;
	[tilespmem:$0x15A80] =	vst v63  }
0x115: {  	_ =	swait.ge [sflag:s25], $0x4000  }
0x116: {  	[sflag:s25] =	ssyncset.done $0x0  }
0x117: {  	[sflag:s25] =	ssyncadd.s32 $0xFFFFC000  }
0x118: {  	[spmem:s2] =	stream.indirect.scatter.add.f32 [tilespmem:s18], [sflag:$0x5], $0x80, s26, s10, $0xb8;
	[tilespmem:$0x15A80] =	vst v63  }
0x119: {  	_ =	swait.ge [sflag:s9], $0x4000  }
0x11a: {  	[sflag:s9] =	ssyncset.done $0x0  }
0x11b: {  	[sflag:s9] =	ssyncadd.s32 $0xFFFFC000  }
0x11c: {  	v1 =	vld [tilespmem:s30+$0xFFFFFF90];
	_ =	sdelay $0x4  }
0x11d: {  	v2 =	vand.u32 $0x7F, v1  }
0x11e: {  	v1 =	vshrl.u32 v1, $0x7;
	[tilespmem:$0x2980] =	vst v2  }
0x11f: {  	[tilespmem:$0x2B80] =	vst v1  }
0x120: {  	v1 =	vld [tilespmem:s30+$0xFFFFFFA0];
	_ =	sdelay $0x4  }
0x121: {  	v2 =	vand.u32 $0x7F, v1  }
0x122: {  	v1 =	vshrl.u32 v1, $0x7;
	[tilespmem:$0x2990] =	vst v2  }
0x123: {  	[tilespmem:$0x2B90] =	vst v1  }
0x124: {  	v1 =	vld [tilespmem:s30+$0xFFFFFFB0];
	_ =	sdelay $0x4  }
0x125: {  	v2 =	vand.u32 $0x7F, v1  }
0x126: {  	v1 =	vshrl.u32 v1, $0x7;
	[tilespmem:$0x29A0] =	vst v2  }
0x127: {  	[tilespmem:$0x2BA0] =	vst v1  }
0x128: {  	v1 =	vld [tilespmem:s30+$0xFFFFFFC0];
	_ =	sdelay $0x4  }
0x129: {  	v2 =	vand.u32 $0x7F, v1  }
0x12a: {  	v1 =	vshrl.u32 v1, $0x7;
	[tilespmem:$0x29B0] =	vst v2  }
0x12b: {  	[tilespmem:$0x2BB0] =	vst v1  }
0x12c: {  	v1 =	vld [tilespmem:s30+$0xFFFFFFD0];
	_ =	sdelay $0x4  }
0x12d: {  	v2 =	vand.u32 $0x7F, v1  }
0x12e: {  	v1 =	vshrl.u32 v1, $0x7;
	[tilespmem:$0x29C0] =	vst v2  }
0x12f: {  	[tilespmem:$0x2BC0] =	vst v1  }
0x130: {  	v1 =	vld [tilespmem:s30+$0xFFFFFFE0];
	_ =	sdelay $0x4  }
0x131: {  	v2 =	vand.u32 $0x7F, v1  }
0x132: {  	v1 =	vshrl.u32 v1, $0x7;
	[tilespmem:$0x29D0] =	vst v2  }
0x133: {  	[tilespmem:$0x2BD0] =	vst v1  }
0x134: {  	v1 =	vld [tilespmem:s30+$0xFFFFFFF0];
	_ =	sdelay $0x4  }
0x135: {  	v2 =	vand.u32 $0x7F, v1  }
0x136: {  	v1 =	vshrl.u32 v1, $0x7;
	[tilespmem:$0x29E0] =	vst v2  }
0x137: {  	[tilespmem:$0x2BE0] =	vst v1  }
0x138: {  	v1 =	vld [tilespmem:s30+$0x0];
	_ =	sdelay $0x3  }
.Ltmp6:
0x139: {  	_ = 	snop;
	(pc) =	sbr.rel .LBB2_4-.Ltmp6, $4  }
0x13a: {  	v2 =	vand.u32 $0x7F, v1  }
0x13b: {  	v1 =	vshrl.u32 v1, $0x7;
	[tilespmem:$0x29F0] =	vst v2  }
0x13c: {  	s29 =	sadd.s32 $0x800, s29;
	[tilespmem:$0x2BF0] =	vst v1  }
0x13d: {  	[tilespmem:s18], [sflag:$0x4] =	stream.indirect.gather [spmem:s1], $0x80, s17, s10, $0xb8;
	[tilespmem:$0x15A80] =	vst v63  }
.LBB2_10:
0x13e: {  	_ =	sfence.sel $0x180000  }
0x13f: {  	[bflag:$0x0] =	sbarrier.arrive $0xFFFF  }
0x140: {  	_ =	strace $0x90000047  }
0x141: {  	s0 =	sadd.s32 @!p2 $0x100000, s0;
	[bflag:$0x2] =	sbarrier.arrive $0xFFFF  }
0x142: {  	[sflag:s0] =	ssyncadd.tile.s32 @!p2 $0x1;
	_ =	shalt  }
.Lfunc_end2:
_tile_overlayer_lowered:
.L_overlay_start_2:
0x143: {  	(tag) =	ssettag $0x2  }
0x144: {  	s0 =	rddreg [dreg:$0x0];
	s2 =	stileid.u32  }
0x145: {  	s1 =	rddreg [dreg:$0x1];
	p0 =	sne.s32 s2, $0x0  }
0x146: {  	s3 =	rddreg [dreg:$0x2];
	[bflag:$0x3] =	sbarrier.arrive $0xFFFF;
	s2 =	simm.s32 @!p0 $0x1C05  }
0x147: {  	[timem:s3], [sflag:s2] =	dma.local @!p0 [hbm:s0], s1  }
0x148: {  	s0 =	simm.s32 @!p0 $0x5  }
0x149: {  	_ =	swait.ge @!p0 [sflag:s0], s1  }
0x14a: {  	s1 =	ssub.s32 @!p0 $0x0, s1;
	[sflag:s0] =	ssyncset.done @!p0 $0x0  }
0x14b: {  	[sflag:s0] =	ssyncadd.s32 @!p0 s1  }
0x14c: {  	[bflag:$0x3] =	sbarrier.arrive $0xFFFF  }
0x14d: {  	_ =	shalt  }

</sc_bundles>
